<compile_context>
chip_gen: v7x
topology: tpu7x:2x2x1
jax: 0.10.2.dev20260603
libtpu: 0.0.44.dev20260713+nightly
codegen_flags: <defaults>
</compile_context>

<pallas_src>
import functools

import jax
import jax.numpy as jnp
from jax import lax
from jax.experimental import pallas as pl
from jax.experimental.pallas import tpu as pltpu
from jax.experimental.pallas import tpu_sc as plsc

F = 26
V = 100000
E = 32
B = 4096
L = 50
T = B * F
N = T * L
NCOL = T * E

HB = B // 2
NH = N // 2
YROWS_H = NH * E // 128

NC = 2
NS = 16
NW = NC * NS
SCHUNK = 640
NGAT = SCHUNK // 128
NSUP = NH // (NW * SCHUNK)
WB = SCHUNK * E // 128

_mesh = plsc.VectorSubcoreMesh(core_axis_name="c", subcore_axis_name="s")


@functools.partial(
    pl.kernel,
    mesh=_mesh,
    compiler_params=pltpu.CompilerParams(use_tc_tiling_on_sc=False),
    out_type=jax.ShapeDtypeStruct((YROWS_H, 128), jnp.float32),
    scratch_types=[
        pltpu.VMEM((SCHUNK,), jnp.int32),
        pltpu.VMEM((SCHUNK,), jnp.int32),
        pltpu.VMEM((SCHUNK, E), jnp.float32),
        pltpu.VMEM((SCHUNK, E), jnp.float32),
        pltpu.VMEM((WB, 128), jnp.float32),
        pltpu.VMEM((WB, 128), jnp.float32),
        pltpu.SemaphoreType.DMA,
        pltpu.SemaphoreType.DMA,
        pltpu.SemaphoreType.DMA,
        pltpu.SemaphoreType.DMA,
        pltpu.SemaphoreType.DMA,
        pltpu.SemaphoreType.DMA,
    ],
)
def _sc_gather(tab_hbm, idx_hbm, y_hbm, ig0, ig1, rg0, rg1, rw0, rw1,
               si0, si1, sg0, sg1, sw0, sw1):
    wid = lax.axis_index("s") * NC + lax.axis_index("c")
    base = wid * NSUP
    igs = (ig0, ig1)
    rgs = (rg0, rg1)
    rws = (rw0, rw1)
    sis = (si0, si1)
    sgs = (sg0, sg1)
    sws = (sw0, sw1)

    def fire_gathers(ig, rg, sg):
        for j in range(NGAT):
            pltpu.async_copy(tab_hbm.at[ig.at[pl.ds(j * 128, 128)]],
                             rg.at[pl.ds(j * 128, 128)], sg)

    def drain_gathers(ig, rg, sg):
        for j in range(NGAT):
            pltpu.make_async_copy(tab_hbm.at[ig.at[pl.ds(j * 128, 128)]],
                                  rg.at[pl.ds(j * 128, 128)], sg).wait()

    pltpu.async_copy(idx_hbm.at[pl.ds(base * SCHUNK, SCHUNK)], ig0, si0)
    pltpu.async_copy(idx_hbm.at[pl.ds((base + 1) * SCHUNK, SCHUNK)], ig1, si1)
    pltpu.make_async_copy(idx_hbm.at[pl.ds(0, SCHUNK)], ig0, si0).wait()
    fire_gathers(ig0, rg0, sg0)

    @pl.loop(0, NSUP, step=2)
    def _(s0):
        for b in range(2):
            s = s0 + b
            o = 1 - b
            if b == 0:
                pltpu.make_async_copy(
                    idx_hbm.at[pl.ds(0, SCHUNK)], igs[o], sis[o]).wait()
                fire_gathers(igs[o], rgs[o], sgs[o])
            else:
                @pl.when(s0 < NSUP - 2)
                def _():
                    pltpu.make_async_copy(
                        idx_hbm.at[pl.ds(0, SCHUNK)], igs[o], sis[o]).wait()
                    fire_gathers(igs[o], rgs[o], sgs[o])
            drain_gathers(igs[b], rgs[b], sgs[b])
            @pl.when(s0 < NSUP - 2)
            def _():
                pltpu.async_copy(
                    idx_hbm.at[pl.ds((base + s + 2) * SCHUNK, SCHUNK)],
                    igs[b], sis[b])
            @pl.when(s0 > 0)
            def _():
                pltpu.make_async_copy(rws[b], y_hbm.at[pl.ds(0, WB)],
                                      sws[b]).wait()
            rg, rw = rgs[b], rws[b]

            @pl.loop(0, WB)
            def _(r):
                for c in range(8):
                    rw[r, pl.ds(c * 16, 16)] = (
                        rg[r * 4 + c // 2, pl.ds((c % 2) * 16, 16)])
            pltpu.async_copy(rw, y_hbm.at[pl.ds((base + s) * WB, WB)], sws[b])

    for b in range(2):
        pltpu.make_async_copy(rws[b], y_hbm.at[pl.ds(0, WB)], sws[b]).wait()


CB = 64
GRID_H = NCOL // 2 // (CB * 128)


def _tr_body(x_ref, o_ref):
    for c in range(CB):
        o_ref[pl.ds(c * 128, 128), :] = jnp.transpose(x_ref[:, c, :], (1, 0))


def _tr_body2(x_ref, prev_ref, o_ref):
    del prev_ref
    _tr_body(x_ref, o_ref)


_tc_transpose1 = pl.pallas_call(
    _tr_body,
    grid=(GRID_H,),
    in_specs=[pl.BlockSpec((L, CB, 128), lambda i: (0, i, 0))],
    out_specs=pl.BlockSpec((CB * 128, L), lambda i: (i, 0)),
    out_shape=jax.ShapeDtypeStruct((NCOL, L), jnp.float32),
)

_tc_transpose2 = pl.pallas_call(
    _tr_body2,
    grid=(GRID_H,),
    in_specs=[pl.BlockSpec((L, CB, 128), lambda i: (0, i, 0)),
              pl.BlockSpec(memory_space=pltpu.MemorySpace.HBM)],
    out_specs=pl.BlockSpec((CB * 128, L), lambda i: (GRID_H + i, 0)),
    out_shape=jax.ShapeDtypeStruct((NCOL, L), jnp.float32),
    input_output_aliases={1: 0},
)


@jax.jit
def kernel(inputs, tables):
    tab = tables.reshape(F * V, E)
    offs = (jnp.arange(F, dtype=jnp.int32) * V)[None, :, None]
    gidx = (inputs.astype(jnp.int32) + offs).transpose(2, 0, 1)
    g1 = gidx[:, :HB, :].reshape(NH)
    g2 = gidx[:, HB:, :].reshape(NH)
    y1 = _sc_gather(tab, g1)
    y2 = _sc_gather(tab, g2)
    o1 = _tc_transpose1(y1.reshape(L, NCOL // 2 // 128, 128))
    out = _tc_transpose2(y2.reshape(L, NCOL // 2 // 128, 128), o1)
    return out.reshape(B, F * E, L)

# --- scband reference (transcript-rebuilt; emitter-appended) ---
"""Pipeline reference for scband-embeddings-38431367364785 (READ-ONLY COPY).

The authoritative reference and input builder live on the scoring server;
editing this copy changes nothing except your own understanding.
"""

import jax, jax.numpy as jnp
import numpy as np

N_FIELDS = 26
VOCAB = 100000
EMB = 32
BATCH = 4096
HIST = 50


def setup_inputs(seed: int = 0) -> dict:
    key = jax.random.key(seed)
    k_idx, k_tab = jax.random.split(key)
    inputs = jax.random.randint(k_idx, (BATCH, N_FIELDS, HIST), 0, VOCAB, dtype=jnp.int64 if jax.config.jax_enable_x64 else jnp.int32)
    # Learned parameters: one embedding table per field, identical sizes -> stacked [F, V, E]
    tables = jax.random.normal(k_tab, (N_FIELDS, VOCAB, EMB), dtype=jnp.float32) * 0.02
    return {"inputs": inputs, "tables": tables}


def reference(inputs, tables):
    # seq_last=True path: inputs is [B, D, L]; for each field d, lookup -> [B, L, E],
    # transpose to [B, E, L], concat over dim 1 -> [B, D*E, L]
    parts = []
    for d in range(inputs.shape[1]):
        emb = jnp.take(tables[d], inputs[:, d], axis=0)  # [B, L, E]
        parts.append(jnp.transpose(emb, (0, 2, 1)))      # [B, E, L]
    return jnp.concatenate(parts, axis=1)                # [B, D*E, L]

if __name__ == "__main__":
    import jax
    _d = setup_inputs()
    print(jax.jit(kernel)(*tuple(_d.values())))

</pallas_src>

<mosaic_0001>
#map = affine_map<(d0, d1) -> (0, 0)>
#map1 = affine_map<(d0, d1) -> (0)>
module attributes {stable_mosaic.version = 14 : i64} {
  func.func @_sc_gather(%arg0: i32, %arg1: i32, %arg2: memref<2600000x32xf32, #tpu.memory_space<hbm>>, %arg3: memref<2662400xi32, #tpu.memory_space<hbm>>, %arg4: memref<665600x128xf32, #tpu.memory_space<hbm>>, %arg5: memref<640xi32, #tpu.memory_space<vmem>>, %arg6: memref<640xi32, #tpu.memory_space<vmem>>, %arg7: memref<640x32xf32, #tpu.memory_space<vmem>>, %arg8: memref<640x32xf32, #tpu.memory_space<vmem>>, %arg9: memref<160x128xf32, #tpu.memory_space<vmem>>, %arg10: memref<160x128xf32, #tpu.memory_space<vmem>>, %arg11: memref<!tpu.dma_semaphore, #tpu.memory_space<semaphore_mem>>, %arg12: memref<!tpu.dma_semaphore, #tpu.memory_space<semaphore_mem>>, %arg13: memref<!tpu.dma_semaphore, #tpu.memory_space<semaphore_mem>>, %arg14: memref<!tpu.dma_semaphore, #tpu.memory_space<semaphore_mem>>, %arg15: memref<!tpu.dma_semaphore, #tpu.memory_space<semaphore_mem>>, %arg16: memref<!tpu.dma_semaphore, #tpu.memory_space<semaphore_mem>>) attributes {dimension_semantics = [#tpu.dimension_semantics<core_parallel>, #tpu.dimension_semantics<subcore_parallel>], iteration_bounds = array<i64: 2, 16>, scalar_prefetch = 0 : i64, scratch_operands = 12 : i64, tpu.core_type = #tpu.core_type<sc_vector_subcore>, window_params = [{transform_indices = #map}, {transform_indices = #map1}, {transform_indices = #map}]} {
    %mul3A = arith.constant 2 : i32
    %mul3A_0 = arith.muli %arg1, %mul3A : i32
    %add3A = arith.addi %mul3A_0, %arg0 : i32
    %mul3A_1 = arith.constant 130 : i32
    %mul3A_2 = arith.muli %add3A, %mul3A_1 : i32
    %mul3A_3 = arith.constant 640 : i32
    %mul3A_4 = arith.muli %mul3A_2, %mul3A_3 : i32
    %dma_start3A = tpu.memref_slice %arg3[%mul3A_4] : memref<2662400xi32, #tpu.memory_space<hbm>> -> memref<640xi32, #tpu.memory_space<hbm>>
    %dma_start3A_5 = tpu.memref_slice %arg3[%mul3A_4] : memref<2662400xi32, #tpu.memory_space<hbm>> -> memref<640xi32, #tpu.memory_space<hbm>>
    tpu.enqueue_dma source(%dma_start3A_5 : memref<640xi32, #tpu.memory_space<hbm>>) target(%arg5 : memref<640xi32, #tpu.memory_space<vmem>>) target_semaphore(%arg11 : memref<!tpu.dma_semaphore, #tpu.memory_space<semaphore_mem>>)
    %add3A_6 = arith.constant 1 : i32
    %add3A_7 = arith.addi %mul3A_2, %add3A_6 : i32
    %mul3A_8 = arith.constant 640 : i32
    %mul3A_9 = arith.muli %add3A_7, %mul3A_8 : i32
    %dma_start3A_10 = tpu.memref_slice %arg3[%mul3A_9] : memref<2662400xi32, #tpu.memory_space<hbm>> -> memref<640xi32, #tpu.memory_space<hbm>>
    %dma_start3A_11 = tpu.memref_slice %arg3[%mul3A_9] : memref<2662400xi32, #tpu.memory_space<hbm>> -> memref<640xi32, #tpu.memory_space<hbm>>
    tpu.enqueue_dma source(%dma_start3A_11 : memref<640xi32, #tpu.memory_space<hbm>>) target(%arg6 : memref<640xi32, #tpu.memory_space<vmem>>) target_semaphore(%arg12 : memref<!tpu.dma_semaphore, #tpu.memory_space<semaphore_mem>>)
    %dma_wait3A = arith.constant 0 : i32
    %dma_wait3A_12 = tpu.memref_slice %arg3[%dma_wait3A] : memref<2662400xi32, #tpu.memory_space<hbm>> -> memref<640xi32, #tpu.memory_space<hbm>>
    %dma_wait3A_13 = arith.constant 0 : i32
    %dma_wait3A_14 = tpu.memref_slice %arg3[%dma_wait3A_13] : memref<2662400xi32, #tpu.memory_space<hbm>> -> memref<640xi32, #tpu.memory_space<hbm>>
    tpu.wait_dma2 semaphore(%arg11 : memref<!tpu.dma_semaphore, #tpu.memory_space<semaphore_mem>>) src(%dma_wait3A_14 : memref<640xi32, #tpu.memory_space<hbm>>) dst(%arg5 : memref<640xi32, #tpu.memory_space<vmem>>)
    %dma_start3A_15 = arith.constant 0 : i32
    %dma_start3A_16 = arith.constant 0 : i32
    %dma_start3A_17 = tpu.memref_slice %arg7[%dma_start3A_15, %dma_start3A_16] : memref<640x32xf32, #tpu.memory_space<vmem>> -> memref<128x32xf32, #tpu.memory_space<vmem>>
    %dma_start3A_18 = arith.constant 0 : i32
    %dma_start3A_19 = tpu.memref_slice %arg5[%dma_start3A_18] : memref<640xi32, #tpu.memory_space<vmem>> -> memref<128xi32, #tpu.memory_space<vmem>>
    %dma_start3A_20 = arith.constant 0 : i32
    %dma_start3A_21 = arith.constant 0 : i32
    %dma_start3A_22 = tpu.memref_slice %arg2[%dma_start3A_20, %dma_start3A_21] : memref<2600000x32xf32, #tpu.memory_space<hbm>> -> memref<2600000x32xf32, #tpu.memory_space<hbm>>
    tpu.enqueue_indirect_dma source(%dma_start3A_22 : memref<2600000x32xf32, #tpu.memory_space<hbm>>) target(%dma_start3A_17 : memref<128x32xf32, #tpu.memory_space<vmem>>) offsets(%dma_start3A_19 : memref<128xi32, #tpu.memory_space<vmem>>) semaphore(%arg13 : memref<!tpu.dma_semaphore, #tpu.memory_space<semaphore_mem>>)
    %dma_start3A_23 = arith.constant 128 : i32
    %dma_start3A_24 = arith.constant 0 : i32
    %dma_start3A_25 = tpu.memref_slice %arg7[%dma_start3A_23, %dma_start3A_24] : memref<640x32xf32, #tpu.memory_space<vmem>> -> memref<128x32xf32, #tpu.memory_space<vmem>>
    %dma_start3A_26 = arith.constant 128 : i32
    %dma_start3A_27 = tpu.memref_slice %arg5[%dma_start3A_26] : memref<640xi32, #tpu.memory_space<vmem>> -> memref<128xi32, #tpu.memory_space<vmem>>
    %dma_start3A_28 = arith.constant 0 : i32
    %dma_start3A_29 = arith.constant 0 : i32
    %dma_start3A_30 = tpu.memref_slice %arg2[%dma_start3A_28, %dma_start3A_29] : memref<2600000x32xf32, #tpu.memory_space<hbm>> -> memref<2600000x32xf32, #tpu.memory_space<hbm>>
    tpu.enqueue_indirect_dma source(%dma_start3A_30 : memref<2600000x32xf32, #tpu.memory_space<hbm>>) target(%dma_start3A_25 : memref<128x32xf32, #tpu.memory_space<vmem>>) offsets(%dma_start3A_27 : memref<128xi32, #tpu.memory_space<vmem>>) semaphore(%arg13 : memref<!tpu.dma_semaphore, #tpu.memory_space<semaphore_mem>>)
    %dma_start3A_31 = arith.constant 256 : i32
    %dma_start3A_32 = arith.constant 0 : i32
    %dma_start3A_33 = tpu.memref_slice %arg7[%dma_start3A_31, %dma_start3A_32] : memref<640x32xf32, #tpu.memory_space<vmem>> -> memref<128x32xf32, #tpu.memory_space<vmem>>
    %dma_start3A_34 = arith.constant 256 : i32
    %dma_start3A_35 = tpu.memref_slice %arg5[%dma_start3A_34] : memref<640xi32, #tpu.memory_space<vmem>> -> memref<128xi32, #tpu.memory_space<vmem>>
    %dma_start3A_36 = arith.constant 0 : i32
    %dma_start3A_37 = arith.constant 0 : i32
    %dma_start3A_38 = tpu.memref_slice %arg2[%dma_start3A_36, %dma_start3A_37] : memref<2600000x32xf32, #tpu.memory_space<hbm>> -> memref<2600000x32xf32, #tpu.memory_space<hbm>>
    tpu.enqueue_indirect_dma source(%dma_start3A_38 : memref<2600000x32xf32, #tpu.memory_space<hbm>>) target(%dma_start3A_33 : memref<128x32xf32, #tpu.memory_space<vmem>>) offsets(%dma_start3A_35 : memref<128xi32, #tpu.memory_space<vmem>>) semaphore(%arg13 : memref<!tpu.dma_semaphore, #tpu.memory_space<semaphore_mem>>)
    %dma_start3A_39 = arith.constant 384 : i32
    %dma_start3A_40 = arith.constant 0 : i32
    %dma_start3A_41 = tpu.memref_slice %arg7[%dma_start3A_39, %dma_start3A_40] : memref<640x32xf32, #tpu.memory_space<vmem>> -> memref<128x32xf32, #tpu.memory_space<vmem>>
    %dma_start3A_42 = arith.constant 384 : i32
    %dma_start3A_43 = tpu.memref_slice %arg5[%dma_start3A_42] : memref<640xi32, #tpu.memory_space<vmem>> -> memref<128xi32, #tpu.memory_space<vmem>>
    %dma_start3A_44 = arith.constant 0 : i32
    %dma_start3A_45 = arith.constant 0 : i32
    %dma_start3A_46 = tpu.memref_slice %arg2[%dma_start3A_44, %dma_start3A_45] : memref<2600000x32xf32, #tpu.memory_space<hbm>> -> memref<2600000x32xf32, #tpu.memory_space<hbm>>
    tpu.enqueue_indirect_dma source(%dma_start3A_46 : memref<2600000x32xf32, #tpu.memory_space<hbm>>) target(%dma_start3A_41 : memref<128x32xf32, #tpu.memory_space<vmem>>) offsets(%dma_start3A_43 : memref<128xi32, #tpu.memory_space<vmem>>) semaphore(%arg13 : memref<!tpu.dma_semaphore, #tpu.memory_space<semaphore_mem>>)
    %dma_start3A_47 = arith.constant 512 : i32
    %dma_start3A_48 = arith.constant 0 : i32
    %dma_start3A_49 = tpu.memref_slice %arg7[%dma_start3A_47, %dma_start3A_48] : memref<640x32xf32, #tpu.memory_space<vmem>> -> memref<128x32xf32, #tpu.memory_space<vmem>>
    %dma_start3A_50 = arith.constant 512 : i32
    %dma_start3A_51 = tpu.memref_slice %arg5[%dma_start3A_50] : memref<640xi32, #tpu.memory_space<vmem>> -> memref<128xi32, #tpu.memory_space<vmem>>
    %dma_start3A_52 = arith.constant 0 : i32
    %dma_start3A_53 = arith.constant 0 : i32
    %dma_start3A_54 = tpu.memref_slice %arg2[%dma_start3A_52, %dma_start3A_53] : memref<2600000x32xf32, #tpu.memory_space<hbm>> -> memref<2600000x32xf32, #tpu.memory_space<hbm>>
    tpu.enqueue_indirect_dma source(%dma_start3A_54 : memref<2600000x32xf32, #tpu.memory_space<hbm>>) target(%dma_start3A_49 : memref<128x32xf32, #tpu.memory_space<vmem>>) offsets(%dma_start3A_51 : memref<128xi32, #tpu.memory_space<vmem>>) semaphore(%arg13 : memref<!tpu.dma_semaphore, #tpu.memory_space<semaphore_mem>>)
    %scan3A = arith.constant 0 : i32
    %scan3A_55 = arith.constant 65 : i32
    %scan3A_56 = arith.addi %scan3A, %scan3A_55 : i32
    %scan3A_57 = arith.constant 1 : i32
    scf.for %scan3A_71 = %scan3A to %scan3A_56 step %scan3A_57  : i32 {
      %mul3A_72 = arith.constant 2 : i32
      %mul3A_73 = arith.muli %scan3A_71, %mul3A_72 : i32
      %add3A_74 = arith.constant 0 : i32
      %add3A_75 = arith.addi %add3A_74, %mul3A_73 : i32
      %add3A_76 = arith.constant 0 : i32
      %add3A_77 = arith.addi %add3A_75, %add3A_76 : i32
      %dma_wait3A_78 = arith.constant 0 : i32
      %dma_wait3A_79 = tpu.memref_slice %arg3[%dma_wait3A_78] : memref<2662400xi32, #tpu.memory_space<hbm>> -> memref<640xi32, #tpu.memory_space<hbm>>
      %dma_wait3A_80 = arith.constant 0 : i32
      %dma_wait3A_81 = tpu.memref_slice %arg3[%dma_wait3A_80] : memref<2662400xi32, #tpu.memory_space<hbm>> -> memref<640xi32, #tpu.memory_space<hbm>>
      tpu.wait_dma2 semaphore(%arg12 : memref<!tpu.dma_semaphore, #tpu.memory_space<semaphore_mem>>) src(%dma_wait3A_81 : memref<640xi32, #tpu.memory_space<hbm>>) dst(%arg6 : memref<640xi32, #tpu.memory_space<vmem>>)
      %dma_start3A_82 = arith.constant 0 : i32
      %dma_start3A_83 = arith.constant 0 : i32
      %dma_start3A_84 = tpu.memref_slice %arg8[%dma_start3A_82, %dma_start3A_83] : memref<640x32xf32, #tpu.memory_space<vmem>> -> memref<128x32xf32, #tpu.memory_space<vmem>>
      %dma_start3A_85 = arith.constant 0 : i32
      %dma_start3A_86 = tpu.memref_slice %arg6[%dma_start3A_85] : memref<640xi32, #tpu.memory_space<vmem>> -> memref<128xi32, #tpu.memory_space<vmem>>
      %dma_start3A_87 = arith.constant 0 : i32
      %dma_start3A_88 = arith.constant 0 : i32
      %dma_start3A_89 = tpu.memref_slice %arg2[%dma_start3A_87, %dma_start3A_88] : memref<2600000x32xf32, #tpu.memory_space<hbm>> -> memref<2600000x32xf32, #tpu.memory_space<hbm>>
      tpu.enqueue_indirect_dma source(%dma_start3A_89 : memref<2600000x32xf32, #tpu.memory_space<hbm>>) target(%dma_start3A_84 : memref<128x32xf32, #tpu.memory_space<vmem>>) offsets(%dma_start3A_86 : memref<128xi32, #tpu.memory_space<vmem>>) semaphore(%arg14 : memref<!tpu.dma_semaphore, #tpu.memory_space<semaphore_mem>>)
      %dma_start3A_90 = arith.constant 128 : i32
      %dma_start3A_91 = arith.constant 0 : i32
      %dma_start3A_92 = tpu.memref_slice %arg8[%dma_start3A_90, %dma_start3A_91] : memref<640x32xf32, #tpu.memory_space<vmem>> -> memref<128x32xf32, #tpu.memory_space<vmem>>
      %dma_start3A_93 = arith.constant 128 : i32
      %dma_start3A_94 = tpu.memref_slice %arg6[%dma_start3A_93] : memref<640xi32, #tpu.memory_space<vmem>> -> memref<128xi32, #tpu.memory_space<vmem>>
      %dma_start3A_95 = arith.constant 0 : i32
      %dma_start3A_96 = arith.constant 0 : i32
      %dma_start3A_97 = tpu.memref_slice %arg2[%dma_start3A_95, %dma_start3A_96] : memref<2600000x32xf32, #tpu.memory_space<hbm>> -> memref<2600000x32xf32, #tpu.memory_space<hbm>>
      tpu.enqueue_indirect_dma source(%dma_start3A_97 : memref<2600000x32xf32, #tpu.memory_space<hbm>>) target(%dma_start3A_92 : memref<128x32xf32, #tpu.memory_space<vmem>>) offsets(%dma_start3A_94 : memref<128xi32, #tpu.memory_space<vmem>>) semaphore(%arg14 : memref<!tpu.dma_semaphore, #tpu.memory_space<semaphore_mem>>)
      %dma_start3A_98 = arith.constant 256 : i32
      %dma_start3A_99 = arith.constant 0 : i32
      %dma_start3A_100 = tpu.memref_slice %arg8[%dma_start3A_98, %dma_start3A_99] : memref<640x32xf32, #tpu.memory_space<vmem>> -> memref<128x32xf32, #tpu.memory_space<vmem>>
      %dma_start3A_101 = arith.constant 256 : i32
      %dma_start3A_102 = tpu.memref_slice %arg6[%dma_start3A_101] : memref<640xi32, #tpu.memory_space<vmem>> -> memref<128xi32, #tpu.memory_space<vmem>>
      %dma_start3A_103 = arith.constant 0 : i32
      %dma_start3A_104 = arith.constant 0 : i32
      %dma_start3A_105 = tpu.memref_slice %arg2[%dma_start3A_103, %dma_start3A_104] : memref<2600000x32xf32, #tpu.memory_space<hbm>> -> memref<2600000x32xf32, #tpu.memory_space<hbm>>
      tpu.enqueue_indirect_dma source(%dma_start3A_105 : memref<2600000x32xf32, #tpu.memory_space<hbm>>) target(%dma_start3A_100 : memref<128x32xf32, #tpu.memory_space<vmem>>) offsets(%dma_start3A_102 : memref<128xi32, #tpu.memory_space<vmem>>) semaphore(%arg14 : memref<!tpu.dma_semaphore, #tpu.memory_space<semaphore_mem>>)
      %dma_start3A_106 = arith.constant 384 : i32
      %dma_start3A_107 = arith.constant 0 : i32
      %dma_start3A_108 = tpu.memref_slice %arg8[%dma_start3A_106, %dma_start3A_107] : memref<640x32xf32, #tpu.memory_space<vmem>> -> memref<128x32xf32, #tpu.memory_space<vmem>>
      %dma_start3A_109 = arith.constant 384 : i32
      %dma_start3A_110 = tpu.memref_slice %arg6[%dma_start3A_109] : memref<640xi32, #tpu.memory_space<vmem>> -> memref<128xi32, #tpu.memory_space<vmem>>
      %dma_start3A_111 = arith.constant 0 : i32
      %dma_start3A_112 = arith.constant 0 : i32
      %dma_start3A_113 = tpu.memref_slice %arg2[%dma_start3A_111, %dma_start3A_112] : memref<2600000x32xf32, #tpu.memory_space<hbm>> -> memref<2600000x32xf32, #tpu.memory_space<hbm>>
      tpu.enqueue_indirect_dma source(%dma_start3A_113 : memref<2600000x32xf32, #tpu.memory_space<hbm>>) target(%dma_start3A_108 : memref<128x32xf32, #tpu.memory_space<vmem>>) offsets(%dma_start3A_110 : memref<128xi32, #tpu.memory_space<vmem>>) semaphore(%arg14 : memref<!tpu.dma_semaphore, #tpu.memory_space<semaphore_mem>>)
      %dma_start3A_114 = arith.constant 512 : i32
      %dma_start3A_115 = arith.constant 0 : i32
      %dma_start3A_116 = tpu.memref_slice %arg8[%dma_start3A_114, %dma_start3A_115] : memref<640x32xf32, #tpu.memory_space<vmem>> -> memref<128x32xf32, #tpu.memory_space<vmem>>
      %dma_start3A_117 = arith.constant 512 : i32
      %dma_start3A_118 = tpu.memref_slice %arg6[%dma_start3A_117] : memref<640xi32, #tpu.memory_space<vmem>> -> memref<128xi32, #tpu.memory_space<vmem>>
      %dma_start3A_119 = arith.constant 0 : i32
      %dma_start3A_120 = arith.constant 0 : i32
      %dma_start3A_121 = tpu.memref_slice %arg2[%dma_start3A_119, %dma_start3A_120] : memref<2600000x32xf32, #tpu.memory_space<hbm>> -> memref<2600000x32xf32, #tpu.memory_space<hbm>>
      tpu.enqueue_indirect_dma source(%dma_start3A_121 : memref<2600000x32xf32, #tpu.memory_space<hbm>>) target(%dma_start3A_116 : memref<128x32xf32, #tpu.memory_space<vmem>>) offsets(%dma_start3A_118 : memref<128xi32, #tpu.memory_space<vmem>>) semaphore(%arg14 : memref<!tpu.dma_semaphore, #tpu.memory_space<semaphore_mem>>)
      %dma_wait3A_122 = arith.constant 0 : i32
      %dma_wait3A_123 = arith.constant 0 : i32
      %dma_wait3A_124 = tpu.memref_slice %arg7[%dma_wait3A_122, %dma_wait3A_123] : memref<640x32xf32, #tpu.memory_space<vmem>> -> memref<128x32xf32, #tpu.memory_space<vmem>>
      %dma_wait3A_125 = arith.constant 0 : i32
      %dma_wait3A_126 = tpu.memref_slice %arg5[%dma_wait3A_125] : memref<640xi32, #tpu.memory_space<vmem>> -> memref<128xi32, #tpu.memory_space<vmem>>
      %dma_wait3A_127 = arith.constant 0 : i32
      %dma_wait3A_128 = arith.constant 0 : i32
      %dma_wait3A_129 = tpu.memref_slice %arg2[%dma_wait3A_127, %dma_wait3A_128] : memref<2600000x32xf32, #tpu.memory_space<hbm>> -> memref<2600000x32xf32, #tpu.memory_space<hbm>>
      tpu.wait_indirect_dma semaphore(%arg13 : memref<!tpu.dma_semaphore, #tpu.memory_space<semaphore_mem>>) src(%dma_wait3A_129 : memref<2600000x32xf32, #tpu.memory_space<hbm>>) dst(%dma_wait3A_124 : memref<128x32xf32, #tpu.memory_space<vmem>>)
      %dma_wait3A_130 = arith.constant 128 : i32
      %dma_wait3A_131 = arith.constant 0 : i32
      %dma_wait3A_132 = tpu.memref_slice %arg7[%dma_wait3A_130, %dma_wait3A_131] : memref<640x32xf32, #tpu.memory_space<vmem>> -> memref<128x32xf32, #tpu.memory_space<vmem>>
      %dma_wait3A_133 = arith.constant 128 : i32
      %dma_wait3A_134 = tpu.memref_slice %arg5[%dma_wait3A_133] : memref<640xi32, #tpu.memory_space<vmem>> -> memref<128xi32, #tpu.memory_space<vmem>>
      %dma_wait3A_135 = arith.constant 0 : i32
      %dma_wait3A_136 = arith.constant 0 : i32
      %dma_wait3A_137 = tpu.memref_slice %arg2[%dma_wait3A_135, %dma_wait3A_136] : memref<2600000x32xf32, #tpu.memory_space<hbm>> -> memref<2600000x32xf32, #tpu.memory_space<hbm>>
      tpu.wait_indirect_dma semaphore(%arg13 : memref<!tpu.dma_semaphore, #tpu.memory_space<semaphore_mem>>) src(%dma_wait3A_137 : memref<2600000x32xf32, #tpu.memory_space<hbm>>) dst(%dma_wait3A_132 : memref<128x32xf32, #tpu.memory_space<vmem>>)
      %dma_wait3A_138 = arith.constant 256 : i32
      %dma_wait3A_139 = arith.constant 0 : i32
      %dma_wait3A_140 = tpu.memref_slice %arg7[%dma_wait3A_138, %dma_wait3A_139] : memref<640x32xf32, #tpu.memory_space<vmem>> -> memref<128x32xf32, #tpu.memory_space<vmem>>
      %dma_wait3A_141 = arith.constant 256 : i32
      %dma_wait3A_142 = tpu.memref_slice %arg5[%dma_wait3A_141] : memref<640xi32, #tpu.memory_space<vmem>> -> memref<128xi32, #tpu.memory_space<vmem>>
      %dma_wait3A_143 = arith.constant 0 : i32
      %dma_wait3A_144 = arith.constant 0 : i32
      %dma_wait3A_145 = tpu.memref_slice %arg2[%dma_wait3A_143, %dma_wait3A_144] : memref<2600000x32xf32, #tpu.memory_space<hbm>> -> memref<2600000x32xf32, #tpu.memory_space<hbm>>
      tpu.wait_indirect_dma semaphore(%arg13 : memref<!tpu.dma_semaphore, #tpu.memory_space<semaphore_mem>>) src(%dma_wait3A_145 : memref<2600000x32xf32, #tpu.memory_space<hbm>>) dst(%dma_wait3A_140 : memref<128x32xf32, #tpu.memory_space<vmem>>)
      %dma_wait3A_146 = arith.constant 384 : i32
      %dma_wait3A_147 = arith.constant 0 : i32
      %dma_wait3A_148 = tpu.memref_slice %arg7[%dma_wait3A_146, %dma_wait3A_147] : memref<640x32xf32, #tpu.memory_space<vmem>> -> memref<128x32xf32, #tpu.memory_space<vmem>>
      %dma_wait3A_149 = arith.constant 384 : i32
      %dma_wait3A_150 = tpu.memref_slice %arg5[%dma_wait3A_149] : memref<640xi32, #tpu.memory_space<vmem>> -> memref<128xi32, #tpu.memory_space<vmem>>
      %dma_wait3A_151 = arith.constant 0 : i32
      %dma_wait3A_152 = arith.constant 0 : i32
      %dma_wait3A_153 = tpu.memref_slice %arg2[%dma_wait3A_151, %dma_wait3A_152] : memref<2600000x32xf32, #tpu.memory_space<hbm>> -> memref<2600000x32xf32, #tpu.memory_space<hbm>>
      tpu.wait_indirect_dma semaphore(%arg13 : memref<!tpu.dma_semaphore, #tpu.memory_space<semaphore_mem>>) src(%dma_wait3A_153 : memref<2600000x32xf32, #tpu.memory_space<hbm>>) dst(%dma_wait3A_148 : memref<128x32xf32, #tpu.memory_space<vmem>>)
      %dma_wait3A_154 = arith.constant 512 : i32
      %dma_wait3A_155 = arith.constant 0 : i32
      %dma_wait3A_156 = tpu.memref_slice %arg7[%dma_wait3A_154, %dma_wait3A_155] : memref<640x32xf32, #tpu.memory_space<vmem>> -> memref<128x32xf32, #tpu.memory_space<vmem>>
      %dma_wait3A_157 = arith.constant 512 : i32
      %dma_wait3A_158 = tpu.memref_slice %arg5[%dma_wait3A_157] : memref<640xi32, #tpu.memory_space<vmem>> -> memref<128xi32, #tpu.memory_space<vmem>>
      %dma_wait3A_159 = arith.constant 0 : i32
      %dma_wait3A_160 = arith.constant 0 : i32
      %dma_wait3A_161 = tpu.memref_slice %arg2[%dma_wait3A_159, %dma_wait3A_160] : memref<2600000x32xf32, #tpu.memory_space<hbm>> -> memref<2600000x32xf32, #tpu.memory_space<hbm>>
      tpu.wait_indirect_dma semaphore(%arg13 : memref<!tpu.dma_semaphore, #tpu.memory_space<semaphore_mem>>) src(%dma_wait3A_161 : memref<2600000x32xf32, #tpu.memory_space<hbm>>) dst(%dma_wait3A_156 : memref<128x32xf32, #tpu.memory_space<vmem>>)
      %lt3A = arith.constant 128 : i32
      %lt3A_162 = arith.cmpi slt, %add3A_75, %lt3A : i32
      %convert_element_type3A = arith.extui %lt3A_162 : i1 to i32
      %cond3A = arith.constant 0 : i32
      %cond3A_163 = arith.cmpi ne, %convert_element_type3A, %cond3A : i32
      scf.if %cond3A_163 {
        %add3A_249 = arith.addi %mul3A_2, %add3A_77 : i32
        %add3A_250 = arith.constant 2 : i32
        %add3A_251 = arith.addi %add3A_249, %add3A_250 : i32
        %mul3A_252 = arith.constant 640 : i32
        %mul3A_253 = arith.muli %add3A_251, %mul3A_252 : i32
        %dma_start3A_254 = tpu.memref_slice %arg3[%mul3A_253] : memref<2662400xi32, #tpu.memory_space<hbm>> -> memref<640xi32, #tpu.memory_space<hbm>>
        %dma_start3A_255 = tpu.memref_slice %arg3[%mul3A_253] : memref<2662400xi32, #tpu.memory_space<hbm>> -> memref<640xi32, #tpu.memory_space<hbm>>
        tpu.enqueue_dma source(%dma_start3A_255 : memref<640xi32, #tpu.memory_space<hbm>>) target(%arg5 : memref<640xi32, #tpu.memory_space<vmem>>) target_semaphore(%arg11 : memref<!tpu.dma_semaphore, #tpu.memory_space<semaphore_mem>>)
      } else {
      }
      %gt3A = arith.constant 0 : i32
      %gt3A_164 = arith.cmpi sgt, %add3A_75, %gt3A : i32
      %convert_element_type3A_165 = arith.extui %gt3A_164 : i1 to i32
      %cond3A_166 = arith.constant 0 : i32
      %cond3A_167 = arith.cmpi ne, %convert_element_type3A_165, %cond3A_166 : i32
      scf.if %cond3A_167 {
        %dma_wait3A_249 = arith.constant 0 : i32
        %dma_wait3A_250 = arith.constant 0 : i32
        %dma_wait3A_251 = tpu.memref_slice %arg4[%dma_wait3A_249, %dma_wait3A_250] : memref<665600x128xf32, #tpu.memory_space<hbm>> -> memref<160x128xf32, #tpu.memory_space<hbm>>
        %dma_wait3A_252 = arith.constant 0 : i32
        %dma_wait3A_253 = arith.constant 0 : i32
        %dma_wait3A_254 = tpu.memref_slice %arg4[%dma_wait3A_252, %dma_wait3A_253] : memref<665600x128xf32, #tpu.memory_space<hbm>> -> memref<160x128xf32, #tpu.memory_space<hbm>>
        tpu.wait_dma2 semaphore(%arg15 : memref<!tpu.dma_semaphore, #tpu.memory_space<semaphore_mem>>) src(%arg9 : memref<160x128xf32, #tpu.memory_space<vmem>>) dst(%dma_wait3A_254 : memref<160x128xf32, #tpu.memory_space<hbm>>)
      } else {
      }
      %scan3A_168 = arith.constant 0 : i32
      %scan3A_169 = arith.constant 160 : i32
      %scan3A_170 = arith.addi %scan3A_168, %scan3A_169 : i32
      %scan3A_171 = arith.constant 1 : i32
      scf.for %scan3A_249 = %scan3A_168 to %scan3A_170 step %scan3A_171  : i32 {
        %mul3A_250 = arith.constant 1 : i32
        %mul3A_251 = arith.muli %scan3A_249, %mul3A_250 : i32
        %add3A_252 = arith.constant 0 : i32
        %add3A_253 = arith.addi %add3A_252, %mul3A_251 : i32
        %mul3A_254 = arith.constant 4 : i32
        %mul3A_255 = arith.muli %add3A_253, %mul3A_254 : i32
        %add3A_256 = arith.constant 0 : i32
        %add3A_257 = arith.addi %mul3A_255, %add3A_256 : i32
        %get3A = arith.index_cast %add3A_257 : i32 to index
        %get3A_258 = arith.constant 0 : index
        %get3A_259 = tpu.vector_load %arg7[%get3A, %get3A_258] {strides = array<i32>} : memref<640x32xf32, #tpu.memory_space<vmem>>, vector<1x16xf32>,
        %get3A_260 = vector.shape_cast %get3A_259 : vector<1x16xf32> to vector<16xf32>
        %swap3A = arith.index_cast %add3A_253 : i32 to index
        %swap3A_261 = arith.constant 0 : index
        %swap3A_262 = tpu.vector_load %arg9[%swap3A, %swap3A_261] {strides = array<i32>} : memref<160x128xf32, #tpu.memory_space<vmem>>, vector<1x16xf32>,
        %swap3A_263 = vector.shape_cast %swap3A_262 : vector<1x16xf32> to vector<16xf32>
        %swap3A_264 = vector.shape_cast %get3A_260 : vector<16xf32> to vector<1x16xf32>
        tpu.vector_store %arg9[%swap3A, %swap3A_261], %swap3A_264 {strides = array<i32>} : memref<160x128xf32, #tpu.memory_space<vmem>>, vector<1x16xf32>,
        %mul3A_265 = arith.constant 4 : i32
        %mul3A_266 = arith.muli %add3A_253, %mul3A_265 : i32
        %add3A_267 = arith.constant 0 : i32
        %add3A_268 = arith.addi %mul3A_266, %add3A_267 : i32
        %get3A_269 = arith.index_cast %add3A_268 : i32 to index
        %get3A_270 = arith.constant 16 : index
        %get3A_271 = tpu.vector_load %arg7[%get3A_269, %get3A_270] {strides = array<i32>} : memref<640x32xf32, #tpu.memory_space<vmem>>, vector<1x16xf32>,
        %get3A_272 = vector.shape_cast %get3A_271 : vector<1x16xf32> to vector<16xf32>
        %swap3A_273 = arith.index_cast %add3A_253 : i32 to index
        %swap3A_274 = arith.constant 16 : index
        %swap3A_275 = tpu.vector_load %arg9[%swap3A_273, %swap3A_274] {strides = array<i32>} : memref<160x128xf32, #tpu.memory_space<vmem>>, vector<1x16xf32>,
        %swap3A_276 = vector.shape_cast %swap3A_275 : vector<1x16xf32> to vector<16xf32>
        %swap3A_277 = vector.shape_cast %get3A_272 : vector<16xf32> to vector<1x16xf32>
        tpu.vector_store %arg9[%swap3A_273, %swap3A_274], %swap3A_277 {strides = array<i32>} : memref<160x128xf32, #tpu.memory_space<vmem>>, vector<1x16xf32>,
        %mul3A_278 = arith.constant 4 : i32
        %mul3A_279 = arith.muli %add3A_253, %mul3A_278 : i32
        %add3A_280 = arith.constant 1 : i32
        %add3A_281 = arith.addi %mul3A_279, %add3A_280 : i32
        %get3A_282 = arith.index_cast %add3A_281 : i32 to index
        %get3A_283 = arith.constant 0 : index
        %get3A_284 = tpu.vector_load %arg7[%get3A_282, %get3A_283] {strides = array<i32>} : memref<640x32xf32, #tpu.memory_space<vmem>>, vector<1x16xf32>,
        %get3A_285 = vector.shape_cast %get3A_284 : vector<1x16xf32> to vector<16xf32>
        %swap3A_286 = arith.index_cast %add3A_253 : i32 to index
        %swap3A_287 = arith.constant 32 : index
        %swap3A_288 = tpu.vector_load %arg9[%swap3A_286, %swap3A_287] {strides = array<i32>} : memref<160x128xf32, #tpu.memory_space<vmem>>, vector<1x16xf32>,
        %swap3A_289 = vector.shape_cast %swap3A_288 : vector<1x16xf32> to vector<16xf32>
        %swap3A_290 = vector.shape_cast %get3A_285 : vector<16xf32> to vector<1x16xf32>
        tpu.vector_store %arg9[%swap3A_286, %swap3A_287], %swap3A_290 {strides = array<i32>} : memref<160x128xf32, #tpu.memory_space<vmem>>, vector<1x16xf32>,
        %mul3A_291 = arith.constant 4 : i32
        %mul3A_292 = arith.muli %add3A_253, %mul3A_291 : i32
        %add3A_293 = arith.constant 1 : i32
        %add3A_294 = arith.addi %mul3A_292, %add3A_293 : i32
        %get3A_295 = arith.index_cast %add3A_294 : i32 to index
        %get3A_296 = arith.constant 16 : index
        %get3A_297 = tpu.vector_load %arg7[%get3A_295, %get3A_296] {strides = array<i32>} : memref<640x32xf32, #tpu.memory_space<vmem>>, vector<1x16xf32>,
        %get3A_298 = vector.shape_cast %get3A_297 : vector<1x16xf32> to vector<16xf32>
        %swap3A_299 = arith.index_cast %add3A_253 : i32 to index
        %swap3A_300 = arith.constant 48 : index
        %swap3A_301 = tpu.vector_load %arg9[%swap3A_299, %swap3A_300] {strides = array<i32>} : memref<160x128xf32, #tpu.memory_space<vmem>>, vector<1x16xf32>,
        %swap3A_302 = vector.shape_cast %swap3A_301 : vector<1x16xf32> to vector<16xf32>
        %swap3A_303 = vector.shape_cast %get3A_298 : vector<16xf32> to vector<1x16xf32>
        tpu.vector_store %arg9[%swap3A_299, %swap3A_300], %swap3A_303 {strides = array<i32>} : memref<160x128xf32, #tpu.memory_space<vmem>>, vector<1x16xf32>,
        %mul3A_304 = arith.constant 4 : i32
        %mul3A_305 = arith.muli %add3A_253, %mul3A_304 : i32
        %add3A_306 = arith.constant 2 : i32
        %add3A_307 = arith.addi %mul3A_305, %add3A_306 : i32
        %get3A_308 = arith.index_cast %add3A_307 : i32 to index
        %get3A_309 = arith.constant 0 : index
        %get3A_310 = tpu.vector_load %arg7[%get3A_308, %get3A_309] {strides = array<i32>} : memref<640x32xf32, #tpu.memory_space<vmem>>, vector<1x16xf32>,
        %get3A_311 = vector.shape_cast %get3A_310 : vector<1x16xf32> to vector<16xf32>
        %swap3A_312 = arith.index_cast %add3A_253 : i32 to index
        %swap3A_313 = arith.constant 64 : index
        %swap3A_314 = tpu.vector_load %arg9[%swap3A_312, %swap3A_313] {strides = array<i32>} : memref<160x128xf32, #tpu.memory_space<vmem>>, vector<1x16xf32>,
        %swap3A_315 = vector.shape_cast %swap3A_314 : vector<1x16xf32> to vector<16xf32>
        %swap3A_316 = vector.shape_cast %get3A_311 : vector<16xf32> to vector<1x16xf32>
        tpu.vector_store %arg9[%swap3A_312, %swap3A_313], %swap3A_316 {strides = array<i32>} : memref<160x128xf32, #tpu.memory_space<vmem>>, vector<1x16xf32>,
        %mul3A_317 = arith.constant 4 : i32
        %mul3A_318 = arith.muli %add3A_253, %mul3A_317 : i32
        %add3A_319 = arith.constant 2 : i32
        %add3A_320 = arith.addi %mul3A_318, %add3A_319 : i32
        %get3A_321 = arith.index_cast %add3A_320 : i32 to index
        %get3A_322 = arith.constant 16 : index
        %get3A_323 = tpu.vector_load %arg7[%get3A_321, %get3A_322] {strides = array<i32>} : memref<640x32xf32, #tpu.memory_space<vmem>>, vector<1x16xf32>,
        %get3A_324 = vector.shape_cast %get3A_323 : vector<1x16xf32> to vector<16xf32>
        %swap3A_325 = arith.index_cast %add3A_253 : i32 to index
        %swap3A_326 = arith.constant 80 : index
        %swap3A_327 = tpu.vector_load %arg9[%swap3A_325, %swap3A_326] {strides = array<i32>} : memref<160x128xf32, #tpu.memory_space<vmem>>, vector<1x16xf32>,
        %swap3A_328 = vector.shape_cast %swap3A_327 : vector<1x16xf32> to vector<16xf32>
        %swap3A_329 = vector.shape_cast %get3A_324 : vector<16xf32> to vector<1x16xf32>
        tpu.vector_store %arg9[%swap3A_325, %swap3A_326], %swap3A_329 {strides = array<i32>} : memref<160x128xf32, #tpu.memory_space<vmem>>, vector<1x16xf32>,
        %mul3A_330 = arith.constant 4 : i32
        %mul3A_331 = arith.muli %add3A_253, %mul3A_330 : i32
        %add3A_332 = arith.constant 3 : i32
        %add3A_333 = arith.addi %mul3A_331, %add3A_332 : i32
        %get3A_334 = arith.index_cast %add3A_333 : i32 to index
        %get3A_335 = arith.constant 0 : index
        %get3A_336 = tpu.vector_load %arg7[%get3A_334, %get3A_335] {strides = array<i32>} : memref<640x32xf32, #tpu.memory_space<vmem>>, vector<1x16xf32>,
        %get3A_337 = vector.shape_cast %get3A_336 : vector<1x16xf32> to vector<16xf32>
        %swap3A_338 = arith.index_cast %add3A_253 : i32 to index
        %swap3A_339 = arith.constant 96 : index
        %swap3A_340 = tpu.vector_load %arg9[%swap3A_338, %swap3A_339] {strides = array<i32>} : memref<160x128xf32, #tpu.memory_space<vmem>>, vector<1x16xf32>,
        %swap3A_341 = vector.shape_cast %swap3A_340 : vector<1x16xf32> to vector<16xf32>
        %swap3A_342 = vector.shape_cast %get3A_337 : vector<16xf32> to vector<1x16xf32>
        tpu.vector_store %arg9[%swap3A_338, %swap3A_339], %swap3A_342 {strides = array<i32>} : memref<160x128xf32, #tpu.memory_space<vmem>>, vector<1x16xf32>,
        %mul3A_343 = arith.constant 4 : i32
        %mul3A_344 = arith.muli %add3A_253, %mul3A_343 : i32
        %add3A_345 = arith.constant 3 : i32
        %add3A_346 = arith.addi %mul3A_344, %add3A_345 : i32
        %get3A_347 = arith.index_cast %add3A_346 : i32 to index
        %get3A_348 = arith.constant 16 : index
        %get3A_349 = tpu.vector_load %arg7[%get3A_347, %get3A_348] {strides = array<i32>} : memref<640x32xf32, #tpu.memory_space<vmem>>, vector<1x16xf32>,
        %get3A_350 = vector.shape_cast %get3A_349 : vector<1x16xf32> to vector<16xf32>
        %swap3A_351 = arith.index_cast %add3A_253 : i32 to index
        %swap3A_352 = arith.constant 112 : index
        %swap3A_353 = tpu.vector_load %arg9[%swap3A_351, %swap3A_352] {strides = array<i32>} : memref<160x128xf32, #tpu.memory_space<vmem>>, vector<1x16xf32>,
        %swap3A_354 = vector.shape_cast %swap3A_353 : vector<1x16xf32> to vector<16xf32>
        %swap3A_355 = vector.shape_cast %get3A_350 : vector<16xf32> to vector<1x16xf32>
        tpu.vector_store %arg9[%swap3A_351, %swap3A_352], %swap3A_355 {strides = array<i32>} : memref<160x128xf32, #tpu.memory_space<vmem>>, vector<1x16xf32>,
      }
      %scan3A_172 = arith.constant 160 : i32
      %add3A_173 = arith.addi %mul3A_2, %add3A_77 : i32
      %mul3A_174 = arith.constant 160 : i32
      %mul3A_175 = arith.muli %add3A_173, %mul3A_174 : i32
      %dma_start3A_176 = arith.constant 0 : i32
      %dma_start3A_177 = tpu.memref_slice %arg4[%mul3A_175, %dma_start3A_176] : memref<665600x128xf32, #tpu.memory_space<hbm>> -> memref<160x128xf32, #tpu.memory_space<hbm>>
      %dma_start3A_178 = arith.constant 0 : i32
      %dma_start3A_179 = tpu.memref_slice %arg4[%mul3A_175, %dma_start3A_178] : memref<665600x128xf32, #tpu.memory_space<hbm>> -> memref<160x128xf32, #tpu.memory_space<hbm>>
      tpu.enqueue_dma source(%arg9 : memref<160x128xf32, #tpu.memory_space<vmem>>) target(%dma_start3A_179 : memref<160x128xf32, #tpu.memory_space<hbm>>) target_semaphore(%arg15 : memref<!tpu.dma_semaphore, #tpu.memory_space<semaphore_mem>>)
      %add3A_180 = arith.constant 1 : i32
      %add3A_181 = arith.addi %add3A_75, %add3A_180 : i32
      %lt3A_182 = arith.constant 128 : i32
      %lt3A_183 = arith.cmpi slt, %add3A_75, %lt3A_182 : i32
      %convert_element_type3A_184 = arith.extui %lt3A_183 : i1 to i32
      %cond3A_185 = arith.constant 0 : i32
      %cond3A_186 = arith.cmpi ne, %convert_element_type3A_184, %cond3A_185 : i32
      scf.if %cond3A_186 {
        %dma_wait3A_249 = arith.constant 0 : i32
        %dma_wait3A_250 = tpu.memref_slice %arg3[%dma_wait3A_249] : memref<2662400xi32, #tpu.memory_space<hbm>> -> memref<640xi32, #tpu.memory_space<hbm>>
        %dma_wait3A_251 = arith.constant 0 : i32
        %dma_wait3A_252 = tpu.memref_slice %arg3[%dma_wait3A_251] : memref<2662400xi32, #tpu.memory_space<hbm>> -> memref<640xi32, #tpu.memory_space<hbm>>
        tpu.wait_dma2 semaphore(%arg11 : memref<!tpu.dma_semaphore, #tpu.memory_space<semaphore_mem>>) src(%dma_wait3A_252 : memref<640xi32, #tpu.memory_space<hbm>>) dst(%arg5 : memref<640xi32, #tpu.memory_space<vmem>>)
        %dma_start3A_253 = arith.constant 0 : i32
        %dma_start3A_254 = arith.constant 0 : i32
        %dma_start3A_255 = tpu.memref_slice %arg7[%dma_start3A_253, %dma_start3A_254] : memref<640x32xf32, #tpu.memory_space<vmem>> -> memref<128x32xf32, #tpu.memory_space<vmem>>
        %dma_start3A_256 = arith.constant 0 : i32
        %dma_start3A_257 = tpu.memref_slice %arg5[%dma_start3A_256] : memref<640xi32, #tpu.memory_space<vmem>> -> memref<128xi32, #tpu.memory_space<vmem>>
        %dma_start3A_258 = arith.constant 0 : i32
        %dma_start3A_259 = arith.constant 0 : i32
        %dma_start3A_260 = tpu.memref_slice %arg2[%dma_start3A_258, %dma_start3A_259] : memref<2600000x32xf32, #tpu.memory_space<hbm>> -> memref<2600000x32xf32, #tpu.memory_space<hbm>>
        tpu.enqueue_indirect_dma source(%dma_start3A_260 : memref<2600000x32xf32, #tpu.memory_space<hbm>>) target(%dma_start3A_255 : memref<128x32xf32, #tpu.memory_space<vmem>>) offsets(%dma_start3A_257 : memref<128xi32, #tpu.memory_space<vmem>>) semaphore(%arg13 : memref<!tpu.dma_semaphore, #tpu.memory_space<semaphore_mem>>)
        %dma_start3A_261 = arith.constant 128 : i32
        %dma_start3A_262 = arith.constant 0 : i32
        %dma_start3A_263 = tpu.memref_slice %arg7[%dma_start3A_261, %dma_start3A_262] : memref<640x32xf32, #tpu.memory_space<vmem>> -> memref<128x32xf32, #tpu.memory_space<vmem>>
        %dma_start3A_264 = arith.constant 128 : i32
        %dma_start3A_265 = tpu.memref_slice %arg5[%dma_start3A_264] : memref<640xi32, #tpu.memory_space<vmem>> -> memref<128xi32, #tpu.memory_space<vmem>>
        %dma_start3A_266 = arith.constant 0 : i32
        %dma_start3A_267 = arith.constant 0 : i32
        %dma_start3A_268 = tpu.memref_slice %arg2[%dma_start3A_266, %dma_start3A_267] : memref<2600000x32xf32, #tpu.memory_space<hbm>> -> memref<2600000x32xf32, #tpu.memory_space<hbm>>
        tpu.enqueue_indirect_dma source(%dma_start3A_268 : memref<2600000x32xf32, #tpu.memory_space<hbm>>) target(%dma_start3A_263 : memref<128x32xf32, #tpu.memory_space<vmem>>) offsets(%dma_start3A_265 : memref<128xi32, #tpu.memory_space<vmem>>) semaphore(%arg13 : memref<!tpu.dma_semaphore, #tpu.memory_space<semaphore_mem>>)
        %dma_start3A_269 = arith.constant 256 : i32
        %dma_start3A_270 = arith.constant 0 : i32
        %dma_start3A_271 = tpu.memref_slice %arg7[%dma_start3A_269, %dma_start3A_270] : memref<640x32xf32, #tpu.memory_space<vmem>> -> memref<128x32xf32, #tpu.memory_space<vmem>>
        %dma_start3A_272 = arith.constant 256 : i32
        %dma_start3A_273 = tpu.memref_slice %arg5[%dma_start3A_272] : memref<640xi32, #tpu.memory_space<vmem>> -> memref<128xi32, #tpu.memory_space<vmem>>
        %dma_start3A_274 = arith.constant 0 : i32
        %dma_start3A_275 = arith.constant 0 : i32
        %dma_start3A_276 = tpu.memref_slice %arg2[%dma_start3A_274, %dma_start3A_275] : memref<2600000x32xf32, #tpu.memory_space<hbm>> -> memref<2600000x32xf32, #tpu.memory_space<hbm>>
        tpu.enqueue_indirect_dma source(%dma_start3A_276 : memref<2600000x32xf32, #tpu.memory_space<hbm>>) target(%dma_start3A_271 : memref<128x32xf32, #tpu.memory_space<vmem>>) offsets(%dma_start3A_273 : memref<128xi32, #tpu.memory_space<vmem>>) semaphore(%arg13 : memref<!tpu.dma_semaphore, #tpu.memory_space<semaphore_mem>>)
        %dma_start3A_277 = arith.constant 384 : i32
        %dma_start3A_278 = arith.constant 0 : i32
        %dma_start3A_279 = tpu.memref_slice %arg7[%dma_start3A_277, %dma_start3A_278] : memref<640x32xf32, #tpu.memory_space<vmem>> -> memref<128x32xf32, #tpu.memory_space<vmem>>
        %dma_start3A_280 = arith.constant 384 : i32
        %dma_start3A_281 = tpu.memref_slice %arg5[%dma_start3A_280] : memref<640xi32, #tpu.memory_space<vmem>> -> memref<128xi32, #tpu.memory_space<vmem>>
        %dma_start3A_282 = arith.constant 0 : i32
        %dma_start3A_283 = arith.constant 0 : i32
        %dma_start3A_284 = tpu.memref_slice %arg2[%dma_start3A_282, %dma_start3A_283] : memref<2600000x32xf32, #tpu.memory_space<hbm>> -> memref<2600000x32xf32, #tpu.memory_space<hbm>>
        tpu.enqueue_indirect_dma source(%dma_start3A_284 : memref<2600000x32xf32, #tpu.memory_space<hbm>>) target(%dma_start3A_279 : memref<128x32xf32, #tpu.memory_space<vmem>>) offsets(%dma_start3A_281 : memref<128xi32, #tpu.memory_space<vmem>>) semaphore(%arg13 : memref<!tpu.dma_semaphore, #tpu.memory_space<semaphore_mem>>)
        %dma_start3A_285 = arith.constant 512 : i32
        %dma_start3A_286 = arith.constant 0 : i32
        %dma_start3A_287 = tpu.memref_slice %arg7[%dma_start3A_285, %dma_start3A_286] : memref<640x32xf32, #tpu.memory_space<vmem>> -> memref<128x32xf32, #tpu.memory_space<vmem>>
        %dma_start3A_288 = arith.constant 512 : i32
        %dma_start3A_289 = tpu.memref_slice %arg5[%dma_start3A_288] : memref<640xi32, #tpu.memory_space<vmem>> -> memref<128xi32, #tpu.memory_space<vmem>>
        %dma_start3A_290 = arith.constant 0 : i32
        %dma_start3A_291 = arith.constant 0 : i32
        %dma_start3A_292 = tpu.memref_slice %arg2[%dma_start3A_290, %dma_start3A_291] : memref<2600000x32xf32, #tpu.memory_space<hbm>> -> memref<2600000x32xf32, #tpu.memory_space<hbm>>
        tpu.enqueue_indirect_dma source(%dma_start3A_292 : memref<2600000x32xf32, #tpu.memory_space<hbm>>) target(%dma_start3A_287 : memref<128x32xf32, #tpu.memory_space<vmem>>) offsets(%dma_start3A_289 : memref<128xi32, #tpu.memory_space<vmem>>) semaphore(%arg13 : memref<!tpu.dma_semaphore, #tpu.memory_space<semaphore_mem>>)
      } else {
      }
      %dma_wait3A_187 = arith.constant 0 : i32
      %dma_wait3A_188 = arith.constant 0 : i32
      %dma_wait3A_189 = tpu.memref_slice %arg8[%dma_wait3A_187, %dma_wait3A_188] : memref<640x32xf32, #tpu.memory_space<vmem>> -> memref<128x32xf32, #tpu.memory_space<vmem>>
      %dma_wait3A_190 = arith.constant 0 : i32
      %dma_wait3A_191 = tpu.memref_slice %arg6[%dma_wait3A_190] : memref<640xi32, #tpu.memory_space<vmem>> -> memref<128xi32, #tpu.memory_space<vmem>>
      %dma_wait3A_192 = arith.constant 0 : i32
      %dma_wait3A_193 = arith.constant 0 : i32
      %dma_wait3A_194 = tpu.memref_slice %arg2[%dma_wait3A_192, %dma_wait3A_193] : memref<2600000x32xf32, #tpu.memory_space<hbm>> -> memref<2600000x32xf32, #tpu.memory_space<hbm>>
      tpu.wait_indirect_dma semaphore(%arg14 : memref<!tpu.dma_semaphore, #tpu.memory_space<semaphore_mem>>) src(%dma_wait3A_194 : memref<2600000x32xf32, #tpu.memory_space<hbm>>) dst(%dma_wait3A_189 : memref<128x32xf32, #tpu.memory_space<vmem>>)
      %dma_wait3A_195 = arith.constant 128 : i32
      %dma_wait3A_196 = arith.constant 0 : i32
      %dma_wait3A_197 = tpu.memref_slice %arg8[%dma_wait3A_195, %dma_wait3A_196] : memref<640x32xf32, #tpu.memory_space<vmem>> -> memref<128x32xf32, #tpu.memory_space<vmem>>
      %dma_wait3A_198 = arith.constant 128 : i32
      %dma_wait3A_199 = tpu.memref_slice %arg6[%dma_wait3A_198] : memref<640xi32, #tpu.memory_space<vmem>> -> memref<128xi32, #tpu.memory_space<vmem>>
      %dma_wait3A_200 = arith.constant 0 : i32
      %dma_wait3A_201 = arith.constant 0 : i32
      %dma_wait3A_202 = tpu.memref_slice %arg2[%dma_wait3A_200, %dma_wait3A_201] : memref<2600000x32xf32, #tpu.memory_space<hbm>> -> memref<2600000x32xf32, #tpu.memory_space<hbm>>
      tpu.wait_indirect_dma semaphore(%arg14 : memref<!tpu.dma_semaphore, #tpu.memory_space<semaphore_mem>>) src(%dma_wait3A_202 : memref<2600000x32xf32, #tpu.memory_space<hbm>>) dst(%dma_wait3A_197 : memref<128x32xf32, #tpu.memory_space<vmem>>)
      %dma_wait3A_203 = arith.constant 256 : i32
      %dma_wait3A_204 = arith.constant 0 : i32
      %dma_wait3A_205 = tpu.memref_slice %arg8[%dma_wait3A_203, %dma_wait3A_204] : memref<640x32xf32, #tpu.memory_space<vmem>> -> memref<128x32xf32, #tpu.memory_space<vmem>>
      %dma_wait3A_206 = arith.constant 256 : i32
      %dma_wait3A_207 = tpu.memref_slice %arg6[%dma_wait3A_206] : memref<640xi32, #tpu.memory_space<vmem>> -> memref<128xi32, #tpu.memory_space<vmem>>
      %dma_wait3A_208 = arith.constant 0 : i32
      %dma_wait3A_209 = arith.constant 0 : i32
      %dma_wait3A_210 = tpu.memref_slice %arg2[%dma_wait3A_208, %dma_wait3A_209] : memref<2600000x32xf32, #tpu.memory_space<hbm>> -> memref<2600000x32xf32, #tpu.memory_space<hbm>>
      tpu.wait_indirect_dma semaphore(%arg14 : memref<!tpu.dma_semaphore, #tpu.memory_space<semaphore_mem>>) src(%dma_wait3A_210 : memref<2600000x32xf32, #tpu.memory_space<hbm>>) dst(%dma_wait3A_205 : memref<128x32xf32, #tpu.memory_space<vmem>>)
      %dma_wait3A_211 = arith.constant 384 : i32
      %dma_wait3A_212 = arith.constant 0 : i32
      %dma_wait3A_213 = tpu.memref_slice %arg8[%dma_wait3A_211, %dma_wait3A_212] : memref<640x32xf32, #tpu.memory_space<vmem>> -> memref<128x32xf32, #tpu.memory_space<vmem>>
      %dma_wait3A_214 = arith.constant 384 : i32
      %dma_wait3A_215 = tpu.memref_slice %arg6[%dma_wait3A_214] : memref<640xi32, #tpu.memory_space<vmem>> -> memref<128xi32, #tpu.memory_space<vmem>>
      %dma_wait3A_216 = arith.constant 0 : i32
      %dma_wait3A_217 = arith.constant 0 : i32
      %dma_wait3A_218 = tpu.memref_slice %arg2[%dma_wait3A_216, %dma_wait3A_217] : memref<2600000x32xf32, #tpu.memory_space<hbm>> -> memref<2600000x32xf32, #tpu.memory_space<hbm>>
      tpu.wait_indirect_dma semaphore(%arg14 : memref<!tpu.dma_semaphore, #tpu.memory_space<semaphore_mem>>) src(%dma_wait3A_218 : memref<2600000x32xf32, #tpu.memory_space<hbm>>) dst(%dma_wait3A_213 : memref<128x32xf32, #tpu.memory_space<vmem>>)
      %dma_wait3A_219 = arith.constant 512 : i32
      %dma_wait3A_220 = arith.constant 0 : i32
      %dma_wait3A_221 = tpu.memref_slice %arg8[%dma_wait3A_219, %dma_wait3A_220] : memref<640x32xf32, #tpu.memory_space<vmem>> -> memref<128x32xf32, #tpu.memory_space<vmem>>
      %dma_wait3A_222 = arith.constant 512 : i32
      %dma_wait3A_223 = tpu.memref_slice %arg6[%dma_wait3A_222] : memref<640xi32, #tpu.memory_space<vmem>> -> memref<128xi32, #tpu.memory_space<vmem>>
      %dma_wait3A_224 = arith.constant 0 : i32
      %dma_wait3A_225 = arith.constant 0 : i32
      %dma_wait3A_226 = tpu.memref_slice %arg2[%dma_wait3A_224, %dma_wait3A_225] : memref<2600000x32xf32, #tpu.memory_space<hbm>> -> memref<2600000x32xf32, #tpu.memory_space<hbm>>
      tpu.wait_indirect_dma semaphore(%arg14 : memref<!tpu.dma_semaphore, #tpu.memory_space<semaphore_mem>>) src(%dma_wait3A_226 : memref<2600000x32xf32, #tpu.memory_space<hbm>>) dst(%dma_wait3A_221 : memref<128x32xf32, #tpu.memory_space<vmem>>)
      %lt3A_227 = arith.constant 128 : i32
      %lt3A_228 = arith.cmpi slt, %add3A_75, %lt3A_227 : i32
      %convert_element_type3A_229 = arith.extui %lt3A_228 : i1 to i32
      %cond3A_230 = arith.constant 0 : i32
      %cond3A_231 = arith.cmpi ne, %convert_element_type3A_229, %cond3A_230 : i32
      scf.if %cond3A_231 {
        %add3A_249 = arith.addi %mul3A_2, %add3A_181 : i32
        %add3A_250 = arith.constant 2 : i32
        %add3A_251 = arith.addi %add3A_249, %add3A_250 : i32
        %mul3A_252 = arith.constant 640 : i32
        %mul3A_253 = arith.muli %add3A_251, %mul3A_252 : i32
        %dma_start3A_254 = tpu.memref_slice %arg3[%mul3A_253] : memref<2662400xi32, #tpu.memory_space<hbm>> -> memref<640xi32, #tpu.memory_space<hbm>>
        %dma_start3A_255 = tpu.memref_slice %arg3[%mul3A_253] : memref<2662400xi32, #tpu.memory_space<hbm>> -> memref<640xi32, #tpu.memory_space<hbm>>
        tpu.enqueue_dma source(%dma_start3A_255 : memref<640xi32, #tpu.memory_space<hbm>>) target(%arg6 : memref<640xi32, #tpu.memory_space<vmem>>) target_semaphore(%arg12 : memref<!tpu.dma_semaphore, #tpu.memory_space<semaphore_mem>>)
      } else {
      }
      %gt3A_232 = arith.constant 0 : i32
      %gt3A_233 = arith.cmpi sgt, %add3A_75, %gt3A_232 : i32
      %convert_element_type3A_234 = arith.extui %gt3A_233 : i1 to i32
      %cond3A_235 = arith.constant 0 : i32
      %cond3A_236 = arith.cmpi ne, %convert_element_type3A_234, %cond3A_235 : i32
      scf.if %cond3A_236 {
        %dma_wait3A_249 = arith.constant 0 : i32
        %dma_wait3A_250 = arith.constant 0 : i32
        %dma_wait3A_251 = tpu.memref_slice %arg4[%dma_wait3A_249, %dma_wait3A_250] : memref<665600x128xf32, #tpu.memory_space<hbm>> -> memref<160x128xf32, #tpu.memory_space<hbm>>
        %dma_wait3A_252 = arith.constant 0 : i32
        %dma_wait3A_253 = arith.constant 0 : i32
        %dma_wait3A_254 = tpu.memref_slice %arg4[%dma_wait3A_252, %dma_wait3A_253] : memref<665600x128xf32, #tpu.memory_space<hbm>> -> memref<160x128xf32, #tpu.memory_space<hbm>>
        tpu.wait_dma2 semaphore(%arg16 : memref<!tpu.dma_semaphore, #tpu.memory_space<semaphore_mem>>) src(%arg10 : memref<160x128xf32, #tpu.memory_space<vmem>>) dst(%dma_wait3A_254 : memref<160x128xf32, #tpu.memory_space<hbm>>)
      } else {
      }
      %scan3A_237 = arith.constant 0 : i32
      %scan3A_238 = arith.constant 160 : i32
      %scan3A_239 = arith.addi %scan3A_237, %scan3A_238 : i32
      %scan3A_240 = arith.constant 1 : i32
      scf.for %scan3A_249 = %scan3A_237 to %scan3A_239 step %scan3A_240  : i32 {
        %mul3A_250 = arith.constant 1 : i32
        %mul3A_251 = arith.muli %scan3A_249, %mul3A_250 : i32
        %add3A_252 = arith.constant 0 : i32
        %add3A_253 = arith.addi %add3A_252, %mul3A_251 : i32
        %mul3A_254 = arith.constant 4 : i32
        %mul3A_255 = arith.muli %add3A_253, %mul3A_254 : i32
        %add3A_256 = arith.constant 0 : i32
        %add3A_257 = arith.addi %mul3A_255, %add3A_256 : i32
        %get3A = arith.index_cast %add3A_257 : i32 to index
        %get3A_258 = arith.constant 0 : index
        %get3A_259 = tpu.vector_load %arg8[%get3A, %get3A_258] {strides = array<i32>} : memref<640x32xf32, #tpu.memory_space<vmem>>, vector<1x16xf32>,
        %get3A_260 = vector.shape_cast %get3A_259 : vector<1x16xf32> to vector<16xf32>
        %swap3A = arith.index_cast %add3A_253 : i32 to index
        %swap3A_261 = arith.constant 0 : index
        %swap3A_262 = tpu.vector_load %arg10[%swap3A, %swap3A_261] {strides = array<i32>} : memref<160x128xf32, #tpu.memory_space<vmem>>, vector<1x16xf32>,
        %swap3A_263 = vector.shape_cast %swap3A_262 : vector<1x16xf32> to vector<16xf32>
        %swap3A_264 = vector.shape_cast %get3A_260 : vector<16xf32> to vector<1x16xf32>
        tpu.vector_store %arg10[%swap3A, %swap3A_261], %swap3A_264 {strides = array<i32>} : memref<160x128xf32, #tpu.memory_space<vmem>>, vector<1x16xf32>,
        %mul3A_265 = arith.constant 4 : i32
        %mul3A_266 = arith.muli %add3A_253, %mul3A_265 : i32
        %add3A_267 = arith.constant 0 : i32
        %add3A_268 = arith.addi %mul3A_266, %add3A_267 : i32
        %get3A_269 = arith.index_cast %add3A_268 : i32 to index
        %get3A_270 = arith.constant 16 : index
        %get3A_271 = tpu.vector_load %arg8[%get3A_269, %get3A_270] {strides = array<i32>} : memref<640x32xf32, #tpu.memory_space<vmem>>, vector<1x16xf32>,
        %get3A_272 = vector.shape_cast %get3A_271 : vector<1x16xf32> to vector<16xf32>
        %swap3A_273 = arith.index_cast %add3A_253 : i32 to index
        %swap3A_274 = arith.constant 16 : index
        %swap3A_275 = tpu.vector_load %arg10[%swap3A_273, %swap3A_274] {strides = array<i32>} : memref<160x128xf32, #tpu.memory_space<vmem>>, vector<1x16xf32>,
        %swap3A_276 = vector.shape_cast %swap3A_275 : vector<1x16xf32> to vector<16xf32>
        %swap3A_277 = vector.shape_cast %get3A_272 : vector<16xf32> to vector<1x16xf32>
        tpu.vector_store %arg10[%swap3A_273, %swap3A_274], %swap3A_277 {strides = array<i32>} : memref<160x128xf32, #tpu.memory_space<vmem>>, vector<1x16xf32>,
        %mul3A_278 = arith.constant 4 : i32
        %mul3A_279 = arith.muli %add3A_253, %mul3A_278 : i32
        %add3A_280 = arith.constant 1 : i32
        %add3A_281 = arith.addi %mul3A_279, %add3A_280 : i32
        %get3A_282 = arith.index_cast %add3A_281 : i32 to index
        %get3A_283 = arith.constant 0 : index
        %get3A_284 = tpu.vector_load %arg8[%get3A_282, %get3A_283] {strides = array<i32>} : memref<640x32xf32, #tpu.memory_space<vmem>>, vector<1x16xf32>,
        %get3A_285 = vector.shape_cast %get3A_284 : vector<1x16xf32> to vector<16xf32>
        %swap3A_286 = arith.index_cast %add3A_253 : i32 to index
        %swap3A_287 = arith.constant 32 : index
        %swap3A_288 = tpu.vector_load %arg10[%swap3A_286, %swap3A_287] {strides = array<i32>} : memref<160x128xf32, #tpu.memory_space<vmem>>, vector<1x16xf32>,
        %swap3A_289 = vector.shape_cast %swap3A_288 : vector<1x16xf32> to vector<16xf32>
        %swap3A_290 = vector.shape_cast %get3A_285 : vector<16xf32> to vector<1x16xf32>
        tpu.vector_store %arg10[%swap3A_286, %swap3A_287], %swap3A_290 {strides = array<i32>} : memref<160x128xf32, #tpu.memory_space<vmem>>, vector<1x16xf32>,
        %mul3A_291 = arith.constant 4 : i32
        %mul3A_292 = arith.muli %add3A_253, %mul3A_291 : i32
        %add3A_293 = arith.constant 1 : i32
        %add3A_294 = arith.addi %mul3A_292, %add3A_293 : i32
        %get3A_295 = arith.index_cast %add3A_294 : i32 to index
        %get3A_296 = arith.constant 16 : index
        %get3A_297 = tpu.vector_load %arg8[%get3A_295, %get3A_296] {strides = array<i32>} : memref<640x32xf32, #tpu.memory_space<vmem>>, vector<1x16xf32>,
        %get3A_298 = vector.shape_cast %get3A_297 : vector<1x16xf32> to vector<16xf32>
        %swap3A_299 = arith.index_cast %add3A_253 : i32 to index
        %swap3A_300 = arith.constant 48 : index
        %swap3A_301 = tpu.vector_load %arg10[%swap3A_299, %swap3A_300] {strides = array<i32>} : memref<160x128xf32, #tpu.memory_space<vmem>>, vector<1x16xf32>,
        %swap3A_302 = vector.shape_cast %swap3A_301 : vector<1x16xf32> to vector<16xf32>
        %swap3A_303 = vector.shape_cast %get3A_298 : vector<16xf32> to vector<1x16xf32>
        tpu.vector_store %arg10[%swap3A_299, %swap3A_300], %swap3A_303 {strides = array<i32>} : memref<160x128xf32, #tpu.memory_space<vmem>>, vector<1x16xf32>,
        %mul3A_304 = arith.constant 4 : i32
        %mul3A_305 = arith.muli %add3A_253, %mul3A_304 : i32
        %add3A_306 = arith.constant 2 : i32
        %add3A_307 = arith.addi %mul3A_305, %add3A_306 : i32
        %get3A_308 = arith.index_cast %add3A_307 : i32 to index
        %get3A_309 = arith.constant 0 : index
        %get3A_310 = tpu.vector_load %arg8[%get3A_308, %get3A_309] {strides = array<i32>} : memref<640x32xf32, #tpu.memory_space<vmem>>, vector<1x16xf32>,
        %get3A_311 = vector.shape_cast %get3A_310 : vector<1x16xf32> to vector<16xf32>
        %swap3A_312 = arith.index_cast %add3A_253 : i32 to index
        %swap3A_313 = arith.constant 64 : index
        %swap3A_314 = tpu.vector_load %arg10[%swap3A_312, %swap3A_313] {strides = array<i32>} : memref<160x128xf32, #tpu.memory_space<vmem>>, vector<1x16xf32>,
        %swap3A_315 = vector.shape_cast %swap3A_314 : vector<1x16xf32> to vector<16xf32>
        %swap3A_316 = vector.shape_cast %get3A_311 : vector<16xf32> to vector<1x16xf32>
        tpu.vector_store %arg10[%swap3A_312, %swap3A_313], %swap3A_316 {strides = array<i32>} : memref<160x128xf32, #tpu.memory_space<vmem>>, vector<1x16xf32>,
        %mul3A_317 = arith.constant 4 : i32
        %mul3A_318 = arith.muli %add3A_253, %mul3A_317 : i32
        %add3A_319 = arith.constant 2 : i32
        %add3A_320 = arith.addi %mul3A_318, %add3A_319 : i32
        %get3A_321 = arith.index_cast %add3A_320 : i32 to index
        %get3A_322 = arith.constant 16 : index
        %get3A_323 = tpu.vector_load %arg8[%get3A_321, %get3A_322] {strides = array<i32>} : memref<640x32xf32, #tpu.memory_space<vmem>>, vector<1x16xf32>,
        %get3A_324 = vector.shape_cast %get3A_323 : vector<1x16xf32> to vector<16xf32>
        %swap3A_325 = arith.index_cast %add3A_253 : i32 to index
        %swap3A_326 = arith.constant 80 : index
        %swap3A_327 = tpu.vector_load %arg10[%swap3A_325, %swap3A_326] {strides = array<i32>} : memref<160x128xf32, #tpu.memory_space<vmem>>, vector<1x16xf32>,
        %swap3A_328 = vector.shape_cast %swap3A_327 : vector<1x16xf32> to vector<16xf32>
        %swap3A_329 = vector.shape_cast %get3A_324 : vector<16xf32> to vector<1x16xf32>
        tpu.vector_store %arg10[%swap3A_325, %swap3A_326], %swap3A_329 {strides = array<i32>} : memref<160x128xf32, #tpu.memory_space<vmem>>, vector<1x16xf32>,
        %mul3A_330 = arith.constant 4 : i32
        %mul3A_331 = arith.muli %add3A_253, %mul3A_330 : i32
        %add3A_332 = arith.constant 3 : i32
        %add3A_333 = arith.addi %mul3A_331, %add3A_332 : i32
        %get3A_334 = arith.index_cast %add3A_333 : i32 to index
        %get3A_335 = arith.constant 0 : index
        %get3A_336 = tpu.vector_load %arg8[%get3A_334, %get3A_335] {strides = array<i32>} : memref<640x32xf32, #tpu.memory_space<vmem>>, vector<1x16xf32>,
        %get3A_337 = vector.shape_cast %get3A_336 : vector<1x16xf32> to vector<16xf32>
        %swap3A_338 = arith.index_cast %add3A_253 : i32 to index
        %swap3A_339 = arith.constant 96 : index
        %swap3A_340 = tpu.vector_load %arg10[%swap3A_338, %swap3A_339] {strides = array<i32>} : memref<160x128xf32, #tpu.memory_space<vmem>>, vector<1x16xf32>,
        %swap3A_341 = vector.shape_cast %swap3A_340 : vector<1x16xf32> to vector<16xf32>
        %swap3A_342 = vector.shape_cast %get3A_337 : vector<16xf32> to vector<1x16xf32>
        tpu.vector_store %arg10[%swap3A_338, %swap3A_339], %swap3A_342 {strides = array<i32>} : memref<160x128xf32, #tpu.memory_space<vmem>>, vector<1x16xf32>,
        %mul3A_343 = arith.constant 4 : i32
        %mul3A_344 = arith.muli %add3A_253, %mul3A_343 : i32
        %add3A_345 = arith.constant 3 : i32
        %add3A_346 = arith.addi %mul3A_344, %add3A_345 : i32
        %get3A_347 = arith.index_cast %add3A_346 : i32 to index
        %get3A_348 = arith.constant 16 : index
        %get3A_349 = tpu.vector_load %arg8[%get3A_347, %get3A_348] {strides = array<i32>} : memref<640x32xf32, #tpu.memory_space<vmem>>, vector<1x16xf32>,
        %get3A_350 = vector.shape_cast %get3A_349 : vector<1x16xf32> to vector<16xf32>
        %swap3A_351 = arith.index_cast %add3A_253 : i32 to index
        %swap3A_352 = arith.constant 112 : index
        %swap3A_353 = tpu.vector_load %arg10[%swap3A_351, %swap3A_352] {strides = array<i32>} : memref<160x128xf32, #tpu.memory_space<vmem>>, vector<1x16xf32>,
        %swap3A_354 = vector.shape_cast %swap3A_353 : vector<1x16xf32> to vector<16xf32>
        %swap3A_355 = vector.shape_cast %get3A_350 : vector<16xf32> to vector<1x16xf32>
        tpu.vector_store %arg10[%swap3A_351, %swap3A_352], %swap3A_355 {strides = array<i32>} : memref<160x128xf32, #tpu.memory_space<vmem>>, vector<1x16xf32>,
      }
      %scan3A_241 = arith.constant 160 : i32
      %add3A_242 = arith.addi %mul3A_2, %add3A_181 : i32
      %mul3A_243 = arith.constant 160 : i32
      %mul3A_244 = arith.muli %add3A_242, %mul3A_243 : i32
      %dma_start3A_245 = arith.constant 0 : i32
      %dma_start3A_246 = tpu.memref_slice %arg4[%mul3A_244, %dma_start3A_245] : memref<665600x128xf32, #tpu.memory_space<hbm>> -> memref<160x128xf32, #tpu.memory_space<hbm>>
      %dma_start3A_247 = arith.constant 0 : i32
      %dma_start3A_248 = tpu.memref_slice %arg4[%mul3A_244, %dma_start3A_247] : memref<665600x128xf32, #tpu.memory_space<hbm>> -> memref<160x128xf32, #tpu.memory_space<hbm>>
      tpu.enqueue_dma source(%arg10 : memref<160x128xf32, #tpu.memory_space<vmem>>) target(%dma_start3A_248 : memref<160x128xf32, #tpu.memory_space<hbm>>) target_semaphore(%arg16 : memref<!tpu.dma_semaphore, #tpu.memory_space<semaphore_mem>>)
    }
    %scan3A_58 = arith.constant 65 : i32
    %dma_wait3A_59 = arith.constant 0 : i32
    %dma_wait3A_60 = arith.constant 0 : i32
    %dma_wait3A_61 = tpu.memref_slice %arg4[%dma_wait3A_59, %dma_wait3A_60] : memref<665600x128xf32, #tpu.memory_space<hbm>> -> memref<160x128xf32, #tpu.memory_space<hbm>>
    %dma_wait3A_62 = arith.constant 0 : i32
    %dma_wait3A_63 = arith.constant 0 : i32
    %dma_wait3A_64 = tpu.memref_slice %arg4[%dma_wait3A_62, %dma_wait3A_63] : memref<665600x128xf32, #tpu.memory_space<hbm>> -> memref<160x128xf32, #tpu.memory_space<hbm>>
    tpu.wait_dma2 semaphore(%arg15 : memref<!tpu.dma_semaphore, #tpu.memory_space<semaphore_mem>>) src(%arg9 : memref<160x128xf32, #tpu.memory_space<vmem>>) dst(%dma_wait3A_64 : memref<160x128xf32, #tpu.memory_space<hbm>>)
    %dma_wait3A_65 = arith.constant 0 : i32
    %dma_wait3A_66 = arith.constant 0 : i32
    %dma_wait3A_67 = tpu.memref_slice %arg4[%dma_wait3A_65, %dma_wait3A_66] : memref<665600x128xf32, #tpu.memory_space<hbm>> -> memref<160x128xf32, #tpu.memory_space<hbm>>
    %dma_wait3A_68 = arith.constant 0 : i32
    %dma_wait3A_69 = arith.constant 0 : i32
    %dma_wait3A_70 = tpu.memref_slice %arg4[%dma_wait3A_68, %dma_wait3A_69] : memref<665600x128xf32, #tpu.memory_space<hbm>> -> memref<160x128xf32, #tpu.memory_space<hbm>>
    tpu.wait_dma2 semaphore(%arg16 : memref<!tpu.dma_semaphore, #tpu.memory_space<semaphore_mem>>) src(%arg10 : memref<160x128xf32, #tpu.memory_space<vmem>>) dst(%dma_wait3A_70 : memref<160x128xf32, #tpu.memory_space<hbm>>)
    return
  }
}

#map = affine_map<(d0, d1) -> (0, 0)>
#map1 = affine_map<(d0, d1) -> (0)>
module attributes {stable_mosaic.version = 14 : i64} {
  func.func @_sc_gather(%arg0: i32, %arg1: i32, %arg2: memref<2600000x32xf32, #tpu.memory_space<hbm>>, %arg3: memref<2662400xi32, #tpu.memory_space<hbm>>, %arg4: memref<665600x128xf32, #tpu.memory_space<hbm>>, %arg5: memref<640xi32, #tpu.memory_space<vmem>>, %arg6: memref<640xi32, #tpu.memory_space<vmem>>, %arg7: memref<640x32xf32, #tpu.memory_space<vmem>>, %arg8: memref<640x32xf32, #tpu.memory_space<vmem>>, %arg9: memref<160x128xf32, #tpu.memory_space<vmem>>, %arg10: memref<160x128xf32, #tpu.memory_space<vmem>>, %arg11: memref<!tpu.dma_semaphore, #tpu.memory_space<semaphore_mem>>, %arg12: memref<!tpu.dma_semaphore, #tpu.memory_space<semaphore_mem>>, %arg13: memref<!tpu.dma_semaphore, #tpu.memory_space<semaphore_mem>>, %arg14: memref<!tpu.dma_semaphore, #tpu.memory_space<semaphore_mem>>, %arg15: memref<!tpu.dma_semaphore, #tpu.memory_space<semaphore_mem>>, %arg16: memref<!tpu.dma_semaphore, #tpu.memory_space<semaphore_mem>>) attributes {dimension_semantics = [#tpu.dimension_semantics<core_parallel>, #tpu.dimension_semantics<subcore_parallel>], iteration_bounds = array<i64: 2, 16>, scalar_prefetch = 0 : i64, scratch_operands = 12 : i64, tpu.core_type = #tpu.core_type<sc_vector_subcore>, window_params = [{transform_indices = #map}, {transform_indices = #map1}, {transform_indices = #map}]} {
    %mul3A = arith.constant 2 : i32
    %mul3A_0 = arith.muli %arg1, %mul3A : i32
    %add3A = arith.addi %mul3A_0, %arg0 : i32
    %mul3A_1 = arith.constant 130 : i32
    %mul3A_2 = arith.muli %add3A, %mul3A_1 : i32
    %mul3A_3 = arith.constant 640 : i32
    %mul3A_4 = arith.muli %mul3A_2, %mul3A_3 : i32
    %dma_start3A = tpu.memref_slice %arg3[%mul3A_4] : memref<2662400xi32, #tpu.memory_space<hbm>> -> memref<640xi32, #tpu.memory_space<hbm>>
    %dma_start3A_5 = tpu.memref_slice %arg3[%mul3A_4] : memref<2662400xi32, #tpu.memory_space<hbm>> -> memref<640xi32, #tpu.memory_space<hbm>>
    tpu.enqueue_dma source(%dma_start3A_5 : memref<640xi32, #tpu.memory_space<hbm>>) target(%arg5 : memref<640xi32, #tpu.memory_space<vmem>>) target_semaphore(%arg11 : memref<!tpu.dma_semaphore, #tpu.memory_space<semaphore_mem>>)
    %add3A_6 = arith.constant 1 : i32
    %add3A_7 = arith.addi %mul3A_2, %add3A_6 : i32
    %mul3A_8 = arith.constant 640 : i32
    %mul3A_9 = arith.muli %add3A_7, %mul3A_8 : i32
    %dma_start3A_10 = tpu.memref_slice %arg3[%mul3A_9] : memref<2662400xi32, #tpu.memory_space<hbm>> -> memref<640xi32, #tpu.memory_space<hbm>>
    %dma_start3A_11 = tpu.memref_slice %arg3[%mul3A_9] : memref<2662400xi32, #tpu.memory_space<hbm>> -> memref<640xi32, #tpu.memory_space<hbm>>
    tpu.enqueue_dma source(%dma_start3A_11 : memref<640xi32, #tpu.memory_space<hbm>>) target(%arg6 : memref<640xi32, #tpu.memory_space<vmem>>) target_semaphore(%arg12 : memref<!tpu.dma_semaphore, #tpu.memory_space<semaphore_mem>>)
    %dma_wait3A = arith.constant 0 : i32
    %dma_wait3A_12 = tpu.memref_slice %arg3[%dma_wait3A] : memref<2662400xi32, #tpu.memory_space<hbm>> -> memref<640xi32, #tpu.memory_space<hbm>>
    %dma_wait3A_13 = arith.constant 0 : i32
    %dma_wait3A_14 = tpu.memref_slice %arg3[%dma_wait3A_13] : memref<2662400xi32, #tpu.memory_space<hbm>> -> memref<640xi32, #tpu.memory_space<hbm>>
    tpu.wait_dma2 semaphore(%arg11 : memref<!tpu.dma_semaphore, #tpu.memory_space<semaphore_mem>>) src(%dma_wait3A_14 : memref<640xi32, #tpu.memory_space<hbm>>) dst(%arg5 : memref<640xi32, #tpu.memory_space<vmem>>)
    %dma_start3A_15 = arith.constant 0 : i32
    %dma_start3A_16 = arith.constant 0 : i32
    %dma_start3A_17 = tpu.memref_slice %arg7[%dma_start3A_15, %dma_start3A_16] : memref<640x32xf32, #tpu.memory_space<vmem>> -> memref<128x32xf32, #tpu.memory_space<vmem>>
    %dma_start3A_18 = arith.constant 0 : i32
    %dma_start3A_19 = tpu.memref_slice %arg5[%dma_start3A_18] : memref<640xi32, #tpu.memory_space<vmem>> -> memref<128xi32, #tpu.memory_space<vmem>>
    %dma_start3A_20 = arith.constant 0 : i32
    %dma_start3A_21 = arith.constant 0 : i32
    %dma_start3A_22 = tpu.memref_slice %arg2[%dma_start3A_20, %dma_start3A_21] : memref<2600000x32xf32, #tpu.memory_space<hbm>> -> memref<2600000x32xf32, #tpu.memory_space<hbm>>
    tpu.enqueue_indirect_dma source(%dma_start3A_22 : memref<2600000x32xf32, #tpu.memory_space<hbm>>) target(%dma_start3A_17 : memref<128x32xf32, #tpu.memory_space<vmem>>) offsets(%dma_start3A_19 : memref<128xi32, #tpu.memory_space<vmem>>) semaphore(%arg13 : memref<!tpu.dma_semaphore, #tpu.memory_space<semaphore_mem>>)
    %dma_start3A_23 = arith.constant 128 : i32
    %dma_start3A_24 = arith.constant 0 : i32
    %dma_start3A_25 = tpu.memref_slice %arg7[%dma_start3A_23, %dma_start3A_24] : memref<640x32xf32, #tpu.memory_space<vmem>> -> memref<128x32xf32, #tpu.memory_space<vmem>>
    %dma_start3A_26 = arith.constant 128 : i32
    %dma_start3A_27 = tpu.memref_slice %arg5[%dma_start3A_26] : memref<640xi32, #tpu.memory_space<vmem>> -> memref<128xi32, #tpu.memory_space<vmem>>
    %dma_start3A_28 = arith.constant 0 : i32
    %dma_start3A_29 = arith.constant 0 : i32
    %dma_start3A_30 = tpu.memref_slice %arg2[%dma_start3A_28, %dma_start3A_29] : memref<2600000x32xf32, #tpu.memory_space<hbm>> -> memref<2600000x32xf32, #tpu.memory_space<hbm>>
    tpu.enqueue_indirect_dma source(%dma_start3A_30 : memref<2600000x32xf32, #tpu.memory_space<hbm>>) target(%dma_start3A_25 : memref<128x32xf32, #tpu.memory_space<vmem>>) offsets(%dma_start3A_27 : memref<128xi32, #tpu.memory_space<vmem>>) semaphore(%arg13 : memref<!tpu.dma_semaphore, #tpu.memory_space<semaphore_mem>>)
    %dma_start3A_31 = arith.constant 256 : i32
    %dma_start3A_32 = arith.constant 0 : i32
    %dma_start3A_33 = tpu.memref_slice %arg7[%dma_start3A_31, %dma_start3A_32] : memref<640x32xf32, #tpu.memory_space<vmem>> -> memref<128x32xf32, #tpu.memory_space<vmem>>
    %dma_start3A_34 = arith.constant 256 : i32
    %dma_start3A_35 = tpu.memref_slice %arg5[%dma_start3A_34] : memref<640xi32, #tpu.memory_space<vmem>> -> memref<128xi32, #tpu.memory_space<vmem>>
    %dma_start3A_36 = arith.constant 0 : i32
    %dma_start3A_37 = arith.constant 0 : i32
    %dma_start3A_38 = tpu.memref_slice %arg2[%dma_start3A_36, %dma_start3A_37] : memref<2600000x32xf32, #tpu.memory_space<hbm>> -> memref<2600000x32xf32, #tpu.memory_space<hbm>>
    tpu.enqueue_indirect_dma source(%dma_start3A_38 : memref<2600000x32xf32, #tpu.memory_space<hbm>>) target(%dma_start3A_33 : memref<128x32xf32, #tpu.memory_space<vmem>>) offsets(%dma_start3A_35 : memref<128xi32, #tpu.memory_space<vmem>>) semaphore(%arg13 : memref<!tpu.dma_semaphore, #tpu.memory_space<semaphore_mem>>)
    %dma_start3A_39 = arith.constant 384 : i32
    %dma_start3A_40 = arith.constant 0 : i32
    %dma_start3A_41 = tpu.memref_slice %arg7[%dma_start3A_39, %dma_start3A_40] : memref<640x32xf32, #tpu.memory_space<vmem>> -> memref<128x32xf32, #tpu.memory_space<vmem>>
    %dma_start3A_42 = arith.constant 384 : i32
    %dma_start3A_43 = tpu.memref_slice %arg5[%dma_start3A_42] : memref<640xi32, #tpu.memory_space<vmem>> -> memref<128xi32, #tpu.memory_space<vmem>>
    %dma_start3A_44 = arith.constant 0 : i32
    %dma_start3A_45 = arith.constant 0 : i32
    %dma_start3A_46 = tpu.memref_slice %arg2[%dma_start3A_44, %dma_start3A_45] : memref<2600000x32xf32, #tpu.memory_space<hbm>> -> memref<2600000x32xf32, #tpu.memory_space<hbm>>
    tpu.enqueue_indirect_dma source(%dma_start3A_46 : memref<2600000x32xf32, #tpu.memory_space<hbm>>) target(%dma_start3A_41 : memref<128x32xf32, #tpu.memory_space<vmem>>) offsets(%dma_start3A_43 : memref<128xi32, #tpu.memory_space<vmem>>) semaphore(%arg13 : memref<!tpu.dma_semaphore, #tpu.memory_space<semaphore_mem>>)
    %dma_start3A_47 = arith.constant 512 : i32
    %dma_start3A_48 = arith.constant 0 : i32
    %dma_start3A_49 = tpu.memref_slice %arg7[%dma_start3A_47, %dma_start3A_48] : memref<640x32xf32, #tpu.memory_space<vmem>> -> memref<128x32xf32, #tpu.memory_space<vmem>>
    %dma_start3A_50 = arith.constant 512 : i32
    %dma_start3A_51 = tpu.memref_slice %arg5[%dma_start3A_50] : memref<640xi32, #tpu.memory_space<vmem>> -> memref<128xi32, #tpu.memory_space<vmem>>
    %dma_start3A_52 = arith.constant 0 : i32
    %dma_start3A_53 = arith.constant 0 : i32
    %dma_start3A_54 = tpu.memref_slice %arg2[%dma_start3A_52, %dma_start3A_53] : memref<2600000x32xf32, #tpu.memory_space<hbm>> -> memref<2600000x32xf32, #tpu.memory_space<hbm>>
    tpu.enqueue_indirect_dma source(%dma_start3A_54 : memref<2600000x32xf32, #tpu.memory_space<hbm>>) target(%dma_start3A_49 : memref<128x32xf32, #tpu.memory_space<vmem>>) offsets(%dma_start3A_51 : memref<128xi32, #tpu.memory_space<vmem>>) semaphore(%arg13 : memref<!tpu.dma_semaphore, #tpu.memory_space<semaphore_mem>>)
    %scan3A = arith.constant 0 : i32
    %scan3A_55 = arith.constant 65 : i32
    %scan3A_56 = arith.addi %scan3A, %scan3A_55 : i32
    %scan3A_57 = arith.constant 1 : i32
    scf.for %scan3A_71 = %scan3A to %scan3A_56 step %scan3A_57  : i32 {
      %mul3A_72 = arith.constant 2 : i32
      %mul3A_73 = arith.muli %scan3A_71, %mul3A_72 : i32
      %add3A_74 = arith.constant 0 : i32
      %add3A_75 = arith.addi %add3A_74, %mul3A_73 : i32
      %add3A_76 = arith.constant 0 : i32
      %add3A_77 = arith.addi %add3A_75, %add3A_76 : i32
      %dma_wait3A_78 = arith.constant 0 : i32
      %dma_wait3A_79 = tpu.memref_slice %arg3[%dma_wait3A_78] : memref<2662400xi32, #tpu.memory_space<hbm>> -> memref<640xi32, #tpu.memory_space<hbm>>
      %dma_wait3A_80 = arith.constant 0 : i32
      %dma_wait3A_81 = tpu.memref_slice %arg3[%dma_wait3A_80] : memref<2662400xi32, #tpu.memory_space<hbm>> -> memref<640xi32, #tpu.memory_space<hbm>>
      tpu.wait_dma2 semaphore(%arg12 : memref<!tpu.dma_semaphore, #tpu.memory_space<semaphore_mem>>) src(%dma_wait3A_81 : memref<640xi32, #tpu.memory_space<hbm>>) dst(%arg6 : memref<640xi32, #tpu.memory_space<vmem>>)
      %dma_start3A_82 = arith.constant 0 : i32
      %dma_start3A_83 = arith.constant 0 : i32
      %dma_start3A_84 = tpu.memref_slice %arg8[%dma_start3A_82, %dma_start3A_83] : memref<640x32xf32, #tpu.memory_space<vmem>> -> memref<128x32xf32, #tpu.memory_space<vmem>>
      %dma_start3A_85 = arith.constant 0 : i32
      %dma_start3A_86 = tpu.memref_slice %arg6[%dma_start3A_85] : memref<640xi32, #tpu.memory_space<vmem>> -> memref<128xi32, #tpu.memory_space<vmem>>
      %dma_start3A_87 = arith.constant 0 : i32
      %dma_start3A_88 = arith.constant 0 : i32
      %dma_start3A_89 = tpu.memref_slice %arg2[%dma_start3A_87, %dma_start3A_88] : memref<2600000x32xf32, #tpu.memory_space<hbm>> -> memref<2600000x32xf32, #tpu.memory_space<hbm>>
      tpu.enqueue_indirect_dma source(%dma_start3A_89 : memref<2600000x32xf32, #tpu.memory_space<hbm>>) target(%dma_start3A_84 : memref<128x32xf32, #tpu.memory_space<vmem>>) offsets(%dma_start3A_86 : memref<128xi32, #tpu.memory_space<vmem>>) semaphore(%arg14 : memref<!tpu.dma_semaphore, #tpu.memory_space<semaphore_mem>>)
      %dma_start3A_90 = arith.constant 128 : i32
      %dma_start3A_91 = arith.constant 0 : i32
      %dma_start3A_92 = tpu.memref_slice %arg8[%dma_start3A_90, %dma_start3A_91] : memref<640x32xf32, #tpu.memory_space<vmem>> -> memref<128x32xf32, #tpu.memory_space<vmem>>
      %dma_start3A_93 = arith.constant 128 : i32
      %dma_start3A_94 = tpu.memref_slice %arg6[%dma_start3A_93] : memref<640xi32, #tpu.memory_space<vmem>> -> memref<128xi32, #tpu.memory_space<vmem>>
      %dma_start3A_95 = arith.constant 0 : i32
      %dma_start3A_96 = arith.constant 0 : i32
      %dma_start3A_97 = tpu.memref_slice %arg2[%dma_start3A_95, %dma_start3A_96] : memref<2600000x32xf32, #tpu.memory_space<hbm>> -> memref<2600000x32xf32, #tpu.memory_space<hbm>>
      tpu.enqueue_indirect_dma source(%dma_start3A_97 : memref<2600000x32xf32, #tpu.memory_space<hbm>>) target(%dma_start3A_92 : memref<128x32xf32, #tpu.memory_space<vmem>>) offsets(%dma_start3A_94 : memref<128xi32, #tpu.memory_space<vmem>>) semaphore(%arg14 : memref<!tpu.dma_semaphore, #tpu.memory_space<semaphore_mem>>)
      %dma_start3A_98 = arith.constant 256 : i32
      %dma_start3A_99 = arith.constant 0 : i32
      %dma_start3A_100 = tpu.memref_slice %arg8[%dma_start3A_98, %dma_start3A_99] : memref<640x32xf32, #tpu.memory_space<vmem>> -> memref<128x32xf32, #tpu.memory_space<vmem>>
      %dma_start3A_101 = arith.constant 256 : i32
      %dma_start3A_102 = tpu.memref_slice %arg6[%dma_start3A_101] : memref<640xi32, #tpu.memory_space<vmem>> -> memref<128xi32, #tpu.memory_space<vmem>>
      %dma_start3A_103 = arith.constant 0 : i32
      %dma_start3A_104 = arith.constant 0 : i32
      %dma_start3A_105 = tpu.memref_slice %arg2[%dma_start3A_103, %dma_start3A_104] : memref<2600000x32xf32, #tpu.memory_space<hbm>> -> memref<2600000x32xf32, #tpu.memory_space<hbm>>
      tpu.enqueue_indirect_dma source(%dma_start3A_105 : memref<2600000x32xf32, #tpu.memory_space<hbm>>) target(%dma_start3A_100 : memref<128x32xf32, #tpu.memory_space<vmem>>) offsets(%dma_start3A_102 : memref<128xi32, #tpu.memory_space<vmem>>) semaphore(%arg14 : memref<!tpu.dma_semaphore, #tpu.memory_space<semaphore_mem>>)
      %dma_start3A_106 = arith.constant 384 : i32
      %dma_start3A_107 = arith.constant 0 : i32
      %dma_start3A_108 = tpu.memref_slice %arg8[%dma_start3A_106, %dma_start3A_107] : memref<640x32xf32, #tpu.memory_space<vmem>> -> memref<128x32xf32, #tpu.memory_space<vmem>>
      %dma_start3A_109 = arith.constant 384 : i32
      %dma_start3A_110 = tpu.memref_slice %arg6[%dma_start3A_109] : memref<640xi32, #tpu.memory_space<vmem>> -> memref<128xi32, #tpu.memory_space<vmem>>
      %dma_start3A_111 = arith.constant 0 : i32
      %dma_start3A_112 = arith.constant 0 : i32
      %dma_start3A_113 = tpu.memref_slice %arg2[%dma_start3A_111, %dma_start3A_112] : memref<2600000x32xf32, #tpu.memory_space<hbm>> -> memref<2600000x32xf32, #tpu.memory_space<hbm>>
      tpu.enqueue_indirect_dma source(%dma_start3A_113 : memref<2600000x32xf32, #tpu.memory_space<hbm>>) target(%dma_start3A_108 : memref<128x32xf32, #tpu.memory_space<vmem>>) offsets(%dma_start3A_110 : memref<128xi32, #tpu.memory_space<vmem>>) semaphore(%arg14 : memref<!tpu.dma_semaphore, #tpu.memory_space<semaphore_mem>>)
      %dma_start3A_114 = arith.constant 512 : i32
      %dma_start3A_115 = arith.constant 0 : i32
      %dma_start3A_116 = tpu.memref_slice %arg8[%dma_start3A_114, %dma_start3A_115] : memref<640x32xf32, #tpu.memory_space<vmem>> -> memref<128x32xf32, #tpu.memory_space<vmem>>
      %dma_start3A_117 = arith.constant 512 : i32
      %dma_start3A_118 = tpu.memref_slice %arg6[%dma_start3A_117] : memref<640xi32, #tpu.memory_space<vmem>> -> memref<128xi32, #tpu.memory_space<vmem>>
      %dma_start3A_119 = arith.constant 0 : i32
      %dma_start3A_120 = arith.constant 0 : i32
      %dma_start3A_121 = tpu.memref_slice %arg2[%dma_start3A_119, %dma_start3A_120] : memref<2600000x32xf32, #tpu.memory_space<hbm>> -> memref<2600000x32xf32, #tpu.memory_space<hbm>>
      tpu.enqueue_indirect_dma source(%dma_start3A_121 : memref<2600000x32xf32, #tpu.memory_space<hbm>>) target(%dma_start3A_116 : memref<128x32xf32, #tpu.memory_space<vmem>>) offsets(%dma_start3A_118 : memref<128xi32, #tpu.memory_space<vmem>>) semaphore(%arg14 : memref<!tpu.dma_semaphore, #tpu.memory_space<semaphore_mem>>)
      %dma_wait3A_122 = arith.constant 0 : i32
      %dma_wait3A_123 = arith.constant 0 : i32
      %dma_wait3A_124 = tpu.memref_slice %arg7[%dma_wait3A_122, %dma_wait3A_123] : memref<640x32xf32, #tpu.memory_space<vmem>> -> memref<128x32xf32, #tpu.memory_space<vmem>>
      %dma_wait3A_125 = arith.constant 0 : i32
      %dma_wait3A_126 = tpu.memref_slice %arg5[%dma_wait3A_125] : memref<640xi32, #tpu.memory_space<vmem>> -> memref<128xi32, #tpu.memory_space<vmem>>
      %dma_wait3A_127 = arith.constant 0 : i32
      %dma_wait3A_128 = arith.constant 0 : i32
      %dma_wait3A_129 = tpu.memref_slice %arg2[%dma_wait3A_127, %dma_wait3A_128] : memref<2600000x32xf32, #tpu.memory_space<hbm>> -> memref<2600000x32xf32, #tpu.memory_space<hbm>>
      tpu.wait_indirect_dma semaphore(%arg13 : memref<!tpu.dma_semaphore, #tpu.memory_space<semaphore_mem>>) src(%dma_wait3A_129 : memref<2600000x32xf32, #tpu.memory_space<hbm>>) dst(%dma_wait3A_124 : memref<128x32xf32, #tpu.memory_space<vmem>>)
      %dma_wait3A_130 = arith.constant 128 : i32
      %dma_wait3A_131 = arith.constant 0 : i32
      %dma_wait3A_132 = tpu.memref_slice %arg7[%dma_wait3A_130, %dma_wait3A_131] : memref<640x32xf32, #tpu.memory_space<vmem>> -> memref<128x32xf32, #tpu.memory_space<vmem>>
      %dma_wait3A_133 = arith.constant 128 : i32
      %dma_wait3A_134 = tpu.memref_slice %arg5[%dma_wait3A_133] : memref<640xi32, #tpu.memory_space<vmem>> -> memref<128xi32, #tpu.memory_space<vmem>>
      %dma_wait3A_135 = arith.constant 0 : i32
      %dma_wait3A_136 = arith.constant 0 : i32
      %dma_wait3A_137 = tpu.memref_slice %arg2[%dma_wait3A_135, %dma_wait3A_136] : memref<2600000x32xf32, #tpu.memory_space<hbm>> -> memref<2600000x32xf32, #tpu.memory_space<hbm>>
      tpu.wait_indirect_dma semaphore(%arg13 : memref<!tpu.dma_semaphore, #tpu.memory_space<semaphore_mem>>) src(%dma_wait3A_137 : memref<2600000x32xf32, #tpu.memory_space<hbm>>) dst(%dma_wait3A_132 : memref<128x32xf32, #tpu.memory_space<vmem>>)
      %dma_wait3A_138 = arith.constant 256 : i32
      %dma_wait3A_139 = arith.constant 0 : i32
      %dma_wait3A_140 = tpu.memref_slice %arg7[%dma_wait3A_138, %dma_wait3A_139] : memref<640x32xf32, #tpu.memory_space<vmem>> -> memref<128x32xf32, #tpu.memory_space<vmem>>
      %dma_wait3A_141 = arith.constant 256 : i32
      %dma_wait3A_142 = tpu.memref_slice %arg5[%dma_wait3A_141] : memref<640xi32, #tpu.memory_space<vmem>> -> memref<128xi32, #tpu.memory_space<vmem>>
      %dma_wait3A_143 = arith.constant 0 : i32
      %dma_wait3A_144 = arith.constant 0 : i32
      %dma_wait3A_145 = tpu.memref_slice %arg2[%dma_wait3A_143, %dma_wait3A_144] : memref<2600000x32xf32, #tpu.memory_space<hbm>> -> memref<2600000x32xf32, #tpu.memory_space<hbm>>
      tpu.wait_indirect_dma semaphore(%arg13 : memref<!tpu.dma_semaphore, #tpu.memory_space<semaphore_mem>>) src(%dma_wait3A_145 : memref<2600000x32xf32, #tpu.memory_space<hbm>>) dst(%dma_wait3A_140 : memref<128x32xf32, #tpu.memory_space<vmem>>)
      %dma_wait3A_146 = arith.constant 384 : i32
      %dma_wait3A_147 = arith.constant 0 : i32
      %dma_wait3A_148 = tpu.memref_slice %arg7[%dma_wait3A_146, %dma_wait3A_147] : memref<640x32xf32, #tpu.memory_space<vmem>> -> memref<128x32xf32, #tpu.memory_space<vmem>>
      %dma_wait3A_149 = arith.constant 384 : i32
      %dma_wait3A_150 = tpu.memref_slice %arg5[%dma_wait3A_149] : memref<640xi32, #tpu.memory_space<vmem>> -> memref<128xi32, #tpu.memory_space<vmem>>
      %dma_wait3A_151 = arith.constant 0 : i32
      %dma_wait3A_152 = arith.constant 0 : i32
      %dma_wait3A_153 = tpu.memref_slice %arg2[%dma_wait3A_151, %dma_wait3A_152] : memref<2600000x32xf32, #tpu.memory_space<hbm>> -> memref<2600000x32xf32, #tpu.memory_space<hbm>>
      tpu.wait_indirect_dma semaphore(%arg13 : memref<!tpu.dma_semaphore, #tpu.memory_space<semaphore_mem>>) src(%dma_wait3A_153 : memref<2600000x32xf32, #tpu.memory_space<hbm>>) dst(%dma_wait3A_148 : memref<128x32xf32, #tpu.memory_space<vmem>>)
      %dma_wait3A_154 = arith.constant 512 : i32
      %dma_wait3A_155 = arith.constant 0 : i32
      %dma_wait3A_156 = tpu.memref_slice %arg7[%dma_wait3A_154, %dma_wait3A_155] : memref<640x32xf32, #tpu.memory_space<vmem>> -> memref<128x32xf32, #tpu.memory_space<vmem>>
      %dma_wait3A_157 = arith.constant 512 : i32
      %dma_wait3A_158 = tpu.memref_slice %arg5[%dma_wait3A_157] : memref<640xi32, #tpu.memory_space<vmem>> -> memref<128xi32, #tpu.memory_space<vmem>>
      %dma_wait3A_159 = arith.constant 0 : i32
      %dma_wait3A_160 = arith.constant 0 : i32
      %dma_wait3A_161 = tpu.memref_slice %arg2[%dma_wait3A_159, %dma_wait3A_160] : memref<2600000x32xf32, #tpu.memory_space<hbm>> -> memref<2600000x32xf32, #tpu.memory_space<hbm>>
      tpu.wait_indirect_dma semaphore(%arg13 : memref<!tpu.dma_semaphore, #tpu.memory_space<semaphore_mem>>) src(%dma_wait3A_161 : memref<2600000x32xf32, #tpu.memory_space<hbm>>) dst(%dma_wait3A_156 : memref<128x32xf32, #tpu.memory_space<vmem>>)
      %lt3A = arith.constant 128 : i32
      %lt3A_162 = arith.cmpi slt, %add3A_75, %lt3A : i32
      %convert_element_type3A = arith.extui %lt3A_162 : i1 to i32
      %cond3A = arith.constant 0 : i32
      %cond3A_163 = arith.cmpi ne, %convert_element_type3A, %cond3A : i32
      scf.if %cond3A_163 {
        %add3A_249 = arith.addi %mul3A_2, %add3A_77 : i32
        %add3A_250 = arith.constant 2 : i32
        %add3A_251 = arith.addi %add3A_249, %add3A_250 : i32
        %mul3A_252 = arith.constant 640 : i32
        %mul3A_253 = arith.muli %add3A_251, %mul3A_252 : i32
        %dma_start3A_254 = tpu.memref_slice %arg3[%mul3A_253] : memref<2662400xi32, #tpu.memory_space<hbm>> -> memref<640xi32, #tpu.memory_space<hbm>>
        %dma_start3A_255 = tpu.memref_slice %arg3[%mul3A_253] : memref<2662400xi32, #tpu.memory_space<hbm>> -> memref<640xi32, #tpu.memory_space<hbm>>
        tpu.enqueue_dma source(%dma_start3A_255 : memref<640xi32, #tpu.memory_space<hbm>>) target(%arg5 : memref<640xi32, #tpu.memory_space<vmem>>) target_semaphore(%arg11 : memref<!tpu.dma_semaphore, #tpu.memory_space<semaphore_mem>>)
      } else {
      }
      %gt3A = arith.constant 0 : i32
      %gt3A_164 = arith.cmpi sgt, %add3A_75, %gt3A : i32
      %convert_element_type3A_165 = arith.extui %gt3A_164 : i1 to i32
      %cond3A_166 = arith.constant 0 : i32
      %cond3A_167 = arith.cmpi ne, %convert_element_type3A_165, %cond3A_166 : i32
      scf.if %cond3A_167 {
        %dma_wait3A_249 = arith.constant 0 : i32
        %dma_wait3A_250 = arith.constant 0 : i32
        %dma_wait3A_251 = tpu.memref_slice %arg4[%dma_wait3A_249, %dma_wait3A_250] : memref<665600x128xf32, #tpu.memory_space<hbm>> -> memref<160x128xf32, #tpu.memory_space<hbm>>
        %dma_wait3A_252 = arith.constant 0 : i32
        %dma_wait3A_253 = arith.constant 0 : i32
        %dma_wait3A_254 = tpu.memref_slice %arg4[%dma_wait3A_252, %dma_wait3A_253] : memref<665600x128xf32, #tpu.memory_space<hbm>> -> memref<160x128xf32, #tpu.memory_space<hbm>>
        tpu.wait_dma2 semaphore(%arg15 : memref<!tpu.dma_semaphore, #tpu.memory_space<semaphore_mem>>) src(%arg9 : memref<160x128xf32, #tpu.memory_space<vmem>>) dst(%dma_wait3A_254 : memref<160x128xf32, #tpu.memory_space<hbm>>)
      } else {
      }
      %scan3A_168 = arith.constant 0 : i32
      %scan3A_169 = arith.constant 160 : i32
      %scan3A_170 = arith.addi %scan3A_168, %scan3A_169 : i32
      %scan3A_171 = arith.constant 1 : i32
      scf.for %scan3A_249 = %scan3A_168 to %scan3A_170 step %scan3A_171  : i32 {
        %mul3A_250 = arith.constant 1 : i32
        %mul3A_251 = arith.muli %scan3A_249, %mul3A_250 : i32
        %add3A_252 = arith.constant 0 : i32
        %add3A_253 = arith.addi %add3A_252, %mul3A_251 : i32
        %mul3A_254 = arith.constant 4 : i32
        %mul3A_255 = arith.muli %add3A_253, %mul3A_254 : i32
        %add3A_256 = arith.constant 0 : i32
        %add3A_257 = arith.addi %mul3A_255, %add3A_256 : i32
        %get3A = arith.index_cast %add3A_257 : i32 to index
        %get3A_258 = arith.constant 0 : index
        %get3A_259 = tpu.vector_load %arg7[%get3A, %get3A_258] {strides = array<i32>} : memref<640x32xf32, #tpu.memory_space<vmem>>, vector<1x16xf32>,
        %get3A_260 = vector.shape_cast %get3A_259 : vector<1x16xf32> to vector<16xf32>
        %swap3A = arith.index_cast %add3A_253 : i32 to index
        %swap3A_261 = arith.constant 0 : index
        %swap3A_262 = tpu.vector_load %arg9[%swap3A, %swap3A_261] {strides = array<i32>} : memref<160x128xf32, #tpu.memory_space<vmem>>, vector<1x16xf32>,
        %swap3A_263 = vector.shape_cast %swap3A_262 : vector<1x16xf32> to vector<16xf32>
        %swap3A_264 = vector.shape_cast %get3A_260 : vector<16xf32> to vector<1x16xf32>
        tpu.vector_store %arg9[%swap3A, %swap3A_261], %swap3A_264 {strides = array<i32>} : memref<160x128xf32, #tpu.memory_space<vmem>>, vector<1x16xf32>,
        %mul3A_265 = arith.constant 4 : i32
        %mul3A_266 = arith.muli %add3A_253, %mul3A_265 : i32
        %add3A_267 = arith.constant 0 : i32
        %add3A_268 = arith.addi %mul3A_266, %add3A_267 : i32
        %get3A_269 = arith.index_cast %add3A_268 : i32 to index
        %get3A_270 = arith.constant 16 : index
        %get3A_271 = tpu.vector_load %arg7[%get3A_269, %get3A_270] {strides = array<i32>} : memref<640x32xf32, #tpu.memory_space<vmem>>, vector<1x16xf32>,
        %get3A_272 = vector.shape_cast %get3A_271 : vector<1x16xf32> to vector<16xf32>
        %swap3A_273 = arith.index_cast %add3A_253 : i32 to index
        %swap3A_274 = arith.constant 16 : index
        %swap3A_275 = tpu.vector_load %arg9[%swap3A_273, %swap3A_274] {strides = array<i32>} : memref<160x128xf32, #tpu.memory_space<vmem>>, vector<1x16xf32>,
        %swap3A_276 = vector.shape_cast %swap3A_275 : vector<1x16xf32> to vector<16xf32>
        %swap3A_277 = vector.shape_cast %get3A_272 : vector<16xf32> to vector<1x16xf32>
        tpu.vector_store %arg9[%swap3A_273, %swap3A_274], %swap3A_277 {strides = array<i32>} : memref<160x128xf32, #tpu.memory_space<vmem>>, vector<1x16xf32>,
        %mul3A_278 = arith.constant 4 : i32
        %mul3A_279 = arith.muli %add3A_253, %mul3A_278 : i32
        %add3A_280 = arith.constant 1 : i32
        %add3A_281 = arith.addi %mul3A_279, %add3A_280 : i32
        %get3A_282 = arith.index_cast %add3A_281 : i32 to index
        %get3A_283 = arith.constant 0 : index
        %get3A_284 = tpu.vector_load %arg7[%get3A_282, %get3A_283] {strides = array<i32>} : memref<640x32xf32, #tpu.memory_space<vmem>>, vector<1x16xf32>,
        %get3A_285 = vector.shape_cast %get3A_284 : vector<1x16xf32> to vector<16xf32>
        %swap3A_286 = arith.index_cast %add3A_253 : i32 to index
        %swap3A_287 = arith.constant 32 : index
        %swap3A_288 = tpu.vector_load %arg9[%swap3A_286, %swap3A_287] {strides = array<i32>} : memref<160x128xf32, #tpu.memory_space<vmem>>, vector<1x16xf32>,
        %swap3A_289 = vector.shape_cast %swap3A_288 : vector<1x16xf32> to vector<16xf32>
        %swap3A_290 = vector.shape_cast %get3A_285 : vector<16xf32> to vector<1x16xf32>
        tpu.vector_store %arg9[%swap3A_286, %swap3A_287], %swap3A_290 {strides = array<i32>} : memref<160x128xf32, #tpu.memory_space<vmem>>, vector<1x16xf32>,
        %mul3A_291 = arith.constant 4 : i32
        %mul3A_292 = arith.muli %add3A_253, %mul3A_291 : i32
        %add3A_293 = arith.constant 1 : i32
        %add3A_294 = arith.addi %mul3A_292, %add3A_293 : i32
        %get3A_295 = arith.index_cast %add3A_294 : i32 to index
        %get3A_296 = arith.constant 16 : index
        %get3A_297 = tpu.vector_load %arg7[%get3A_295, %get3A_296] {strides = array<i32>} : memref<640x32xf32, #tpu.memory_space<vmem>>, vector<1x16xf32>,
        %get3A_298 = vector.shape_cast %get3A_297 : vector<1x16xf32> to vector<16xf32>
        %swap3A_299 = arith.index_cast %add3A_253 : i32 to index
        %swap3A_300 = arith.constant 48 : index
        %swap3A_301 = tpu.vector_load %arg9[%swap3A_299, %swap3A_300] {strides = array<i32>} : memref<160x128xf32, #tpu.memory_space<vmem>>, vector<1x16xf32>,
        %swap3A_302 = vector.shape_cast %swap3A_301 : vector<1x16xf32> to vector<16xf32>
        %swap3A_303 = vector.shape_cast %get3A_298 : vector<16xf32> to vector<1x16xf32>
        tpu.vector_store %arg9[%swap3A_299, %swap3A_300], %swap3A_303 {strides = array<i32>} : memref<160x128xf32, #tpu.memory_space<vmem>>, vector<1x16xf32>,
        %mul3A_304 = arith.constant 4 : i32
        %mul3A_305 = arith.muli %add3A_253, %mul3A_304 : i32
        %add3A_306 = arith.constant 2 : i32
        %add3A_307 = arith.addi %mul3A_305, %add3A_306 : i32
        %get3A_308 = arith.index_cast %add3A_307 : i32 to index
        %get3A_309 = arith.constant 0 : index
        %get3A_310 = tpu.vector_load %arg7[%get3A_308, %get3A_309] {strides = array<i32>} : memref<640x32xf32, #tpu.memory_space<vmem>>, vector<1x16xf32>,
        %get3A_311 = vector.shape_cast %get3A_310 : vector<1x16xf32> to vector<16xf32>
        %swap3A_312 = arith.index_cast %add3A_253 : i32 to index
        %swap3A_313 = arith.constant 64 : index
        %swap3A_314 = tpu.vector_load %arg9[%swap3A_312, %swap3A_313] {strides = array<i32>} : memref<160x128xf32, #tpu.memory_space<vmem>>, vector<1x16xf32>,
        %swap3A_315 = vector.shape_cast %swap3A_314 : vector<1x16xf32> to vector<16xf32>
        %swap3A_316 = vector.shape_cast %get3A_311 : vector<16xf32> to vector<1x16xf32>
        tpu.vector_store %arg9[%swap3A_312, %swap3A_313], %swap3A_316 {strides = array<i32>} : memref<160x128xf32, #tpu.memory_space<vmem>>, vector<1x16xf32>,
        %mul3A_317 = arith.constant 4 : i32
        %mul3A_318 = arith.muli %add3A_253, %mul3A_317 : i32
        %add3A_319 = arith.constant 2 : i32
        %add3A_320 = arith.addi %mul3A_318, %add3A_319 : i32
        %get3A_321 = arith.index_cast %add3A_320 : i32 to index
        %get3A_322 = arith.constant 16 : index
        %get3A_323 = tpu.vector_load %arg7[%get3A_321, %get3A_322] {strides = array<i32>} : memref<640x32xf32, #tpu.memory_space<vmem>>, vector<1x16xf32>,
        %get3A_324 = vector.shape_cast %get3A_323 : vector<1x16xf32> to vector<16xf32>
        %swap3A_325 = arith.index_cast %add3A_253 : i32 to index
        %swap3A_326 = arith.constant 80 : index
        %swap3A_327 = tpu.vector_load %arg9[%swap3A_325, %swap3A_326] {strides = array<i32>} : memref<160x128xf32, #tpu.memory_space<vmem>>, vector<1x16xf32>,
        %swap3A_328 = vector.shape_cast %swap3A_327 : vector<1x16xf32> to vector<16xf32>
        %swap3A_329 = vector.shape_cast %get3A_324 : vector<16xf32> to vector<1x16xf32>
        tpu.vector_store %arg9[%swap3A_325, %swap3A_326], %swap3A_329 {strides = array<i32>} : memref<160x128xf32, #tpu.memory_space<vmem>>, vector<1x16xf32>,
        %mul3A_330 = arith.constant 4 : i32
        %mul3A_331 = arith.muli %add3A_253, %mul3A_330 : i32
        %add3A_332 = arith.constant 3 : i32
        %add3A_333 = arith.addi %mul3A_331, %add3A_332 : i32
        %get3A_334 = arith.index_cast %add3A_333 : i32 to index
        %get3A_335 = arith.constant 0 : index
        %get3A_336 = tpu.vector_load %arg7[%get3A_334, %get3A_335] {strides = array<i32>} : memref<640x32xf32, #tpu.memory_space<vmem>>, vector<1x16xf32>,
        %get3A_337 = vector.shape_cast %get3A_336 : vector<1x16xf32> to vector<16xf32>
        %swap3A_338 = arith.index_cast %add3A_253 : i32 to index
        %swap3A_339 = arith.constant 96 : index
        %swap3A_340 = tpu.vector_load %arg9[%swap3A_338, %swap3A_339] {strides = array<i32>} : memref<160x128xf32, #tpu.memory_space<vmem>>, vector<1x16xf32>,
        %swap3A_341 = vector.shape_cast %swap3A_340 : vector<1x16xf32> to vector<16xf32>
        %swap3A_342 = vector.shape_cast %get3A_337 : vector<16xf32> to vector<1x16xf32>
        tpu.vector_store %arg9[%swap3A_338, %swap3A_339], %swap3A_342 {strides = array<i32>} : memref<160x128xf32, #tpu.memory_space<vmem>>, vector<1x16xf32>,
        %mul3A_343 = arith.constant 4 : i32
        %mul3A_344 = arith.muli %add3A_253, %mul3A_343 : i32
        %add3A_345 = arith.constant 3 : i32
        %add3A_346 = arith.addi %mul3A_344, %add3A_345 : i32
        %get3A_347 = arith.index_cast %add3A_346 : i32 to index
        %get3A_348 = arith.constant 16 : index
        %get3A_349 = tpu.vector_load %arg7[%get3A_347, %get3A_348] {strides = array<i32>} : memref<640x32xf32, #tpu.memory_space<vmem>>, vector<1x16xf32>,
        %get3A_350 = vector.shape_cast %get3A_349 : vector<1x16xf32> to vector<16xf32>
        %swap3A_351 = arith.index_cast %add3A_253 : i32 to index
        %swap3A_352 = arith.constant 112 : index
        %swap3A_353 = tpu.vector_load %arg9[%swap3A_351, %swap3A_352] {strides = array<i32>} : memref<160x128xf32, #tpu.memory_space<vmem>>, vector<1x16xf32>,
        %swap3A_354 = vector.shape_cast %swap3A_353 : vector<1x16xf32> to vector<16xf32>
        %swap3A_355 = vector.shape_cast %get3A_350 : vector<16xf32> to vector<1x16xf32>
        tpu.vector_store %arg9[%swap3A_351, %swap3A_352], %swap3A_355 {strides = array<i32>} : memref<160x128xf32, #tpu.memory_space<vmem>>, vector<1x16xf32>,
      }
      %scan3A_172 = arith.constant 160 : i32
      %add3A_173 = arith.addi %mul3A_2, %add3A_77 : i32
      %mul3A_174 = arith.constant 160 : i32
      %mul3A_175 = arith.muli %add3A_173, %mul3A_174 : i32
      %dma_start3A_176 = arith.constant 0 : i32
      %dma_start3A_177 = tpu.memref_slice %arg4[%mul3A_175, %dma_start3A_176] : memref<665600x128xf32, #tpu.memory_space<hbm>> -> memref<160x128xf32, #tpu.memory_space<hbm>>
      %dma_start3A_178 = arith.constant 0 : i32
      %dma_start3A_179 = tpu.memref_slice %arg4[%mul3A_175, %dma_start3A_178] : memref<665600x128xf32, #tpu.memory_space<hbm>> -> memref<160x128xf32, #tpu.memory_space<hbm>>
      tpu.enqueue_dma source(%arg9 : memref<160x128xf32, #tpu.memory_space<vmem>>) target(%dma_start3A_179 : memref<160x128xf32, #tpu.memory_space<hbm>>) target_semaphore(%arg15 : memref<!tpu.dma_semaphore, #tpu.memory_space<semaphore_mem>>)
      %add3A_180 = arith.constant 1 : i32
      %add3A_181 = arith.addi %add3A_75, %add3A_180 : i32
      %lt3A_182 = arith.constant 128 : i32
      %lt3A_183 = arith.cmpi slt, %add3A_75, %lt3A_182 : i32
      %convert_element_type3A_184 = arith.extui %lt3A_183 : i1 to i32
      %cond3A_185 = arith.constant 0 : i32
      %cond3A_186 = arith.cmpi ne, %convert_element_type3A_184, %cond3A_185 : i32
      scf.if %cond3A_186 {
        %dma_wait3A_249 = arith.constant 0 : i32
        %dma_wait3A_250 = tpu.memref_slice %arg3[%dma_wait3A_249] : memref<2662400xi32, #tpu.memory_space<hbm>> -> memref<640xi32, #tpu.memory_space<hbm>>
        %dma_wait3A_251 = arith.constant 0 : i32
        %dma_wait3A_252 = tpu.memref_slice %arg3[%dma_wait3A_251] : memref<2662400xi32, #tpu.memory_space<hbm>> -> memref<640xi32, #tpu.memory_space<hbm>>
        tpu.wait_dma2 semaphore(%arg11 : memref<!tpu.dma_semaphore, #tpu.memory_space<semaphore_mem>>) src(%dma_wait3A_252 : memref<640xi32, #tpu.memory_space<hbm>>) dst(%arg5 : memref<640xi32, #tpu.memory_space<vmem>>)
        %dma_start3A_253 = arith.constant 0 : i32
        %dma_start3A_254 = arith.constant 0 : i32
        %dma_start3A_255 = tpu.memref_slice %arg7[%dma_start3A_253, %dma_start3A_254] : memref<640x32xf32, #tpu.memory_space<vmem>> -> memref<128x32xf32, #tpu.memory_space<vmem>>
        %dma_start3A_256 = arith.constant 0 : i32
        %dma_start3A_257 = tpu.memref_slice %arg5[%dma_start3A_256] : memref<640xi32, #tpu.memory_space<vmem>> -> memref<128xi32, #tpu.memory_space<vmem>>
        %dma_start3A_258 = arith.constant 0 : i32
        %dma_start3A_259 = arith.constant 0 : i32
        %dma_start3A_260 = tpu.memref_slice %arg2[%dma_start3A_258, %dma_start3A_259] : memref<2600000x32xf32, #tpu.memory_space<hbm>> -> memref<2600000x32xf32, #tpu.memory_space<hbm>>
        tpu.enqueue_indirect_dma source(%dma_start3A_260 : memref<2600000x32xf32, #tpu.memory_space<hbm>>) target(%dma_start3A_255 : memref<128x32xf32, #tpu.memory_space<vmem>>) offsets(%dma_start3A_257 : memref<128xi32, #tpu.memory_space<vmem>>) semaphore(%arg13 : memref<!tpu.dma_semaphore, #tpu.memory_space<semaphore_mem>>)
        %dma_start3A_261 = arith.constant 128 : i32
        %dma_start3A_262 = arith.constant 0 : i32
        %dma_start3A_263 = tpu.memref_slice %arg7[%dma_start3A_261, %dma_start3A_262] : memref<640x32xf32, #tpu.memory_space<vmem>> -> memref<128x32xf32, #tpu.memory_space<vmem>>
        %dma_start3A_264 = arith.constant 128 : i32
        %dma_start3A_265 = tpu.memref_slice %arg5[%dma_start3A_264] : memref<640xi32, #tpu.memory_space<vmem>> -> memref<128xi32, #tpu.memory_space<vmem>>
        %dma_start3A_266 = arith.constant 0 : i32
        %dma_start3A_267 = arith.constant 0 : i32
        %dma_start3A_268 = tpu.memref_slice %arg2[%dma_start3A_266, %dma_start3A_267] : memref<2600000x32xf32, #tpu.memory_space<hbm>> -> memref<2600000x32xf32, #tpu.memory_space<hbm>>
        tpu.enqueue_indirect_dma source(%dma_start3A_268 : memref<2600000x32xf32, #tpu.memory_space<hbm>>) target(%dma_start3A_263 : memref<128x32xf32, #tpu.memory_space<vmem>>) offsets(%dma_start3A_265 : memref<128xi32, #tpu.memory_space<vmem>>) semaphore(%arg13 : memref<!tpu.dma_semaphore, #tpu.memory_space<semaphore_mem>>)
        %dma_start3A_269 = arith.constant 256 : i32
        %dma_start3A_270 = arith.constant 0 : i32
        %dma_start3A_271 = tpu.memref_slice %arg7[%dma_start3A_269, %dma_start3A_270] : memref<640x32xf32, #tpu.memory_space<vmem>> -> memref<128x32xf32, #tpu.memory_space<vmem>>
        %dma_start3A_272 = arith.constant 256 : i32
        %dma_start3A_273 = tpu.memref_slice %arg5[%dma_start3A_272] : memref<640xi32, #tpu.memory_space<vmem>> -> memref<128xi32, #tpu.memory_space<vmem>>
        %dma_start3A_274 = arith.constant 0 : i32
        %dma_start3A_275 = arith.constant 0 : i32
        %dma_start3A_276 = tpu.memref_slice %arg2[%dma_start3A_274, %dma_start3A_275] : memref<2600000x32xf32, #tpu.memory_space<hbm>> -> memref<2600000x32xf32, #tpu.memory_space<hbm>>
        tpu.enqueue_indirect_dma source(%dma_start3A_276 : memref<2600000x32xf32, #tpu.memory_space<hbm>>) target(%dma_start3A_271 : memref<128x32xf32, #tpu.memory_space<vmem>>) offsets(%dma_start3A_273 : memref<128xi32, #tpu.memory_space<vmem>>) semaphore(%arg13 : memref<!tpu.dma_semaphore, #tpu.memory_space<semaphore_mem>>)
        %dma_start3A_277 = arith.constant 384 : i32
        %dma_start3A_278 = arith.constant 0 : i32
        %dma_start3A_279 = tpu.memref_slice %arg7[%dma_start3A_277, %dma_start3A_278] : memref<640x32xf32, #tpu.memory_space<vmem>> -> memref<128x32xf32, #tpu.memory_space<vmem>>
        %dma_start3A_280 = arith.constant 384 : i32
        %dma_start3A_281 = tpu.memref_slice %arg5[%dma_start3A_280] : memref<640xi32, #tpu.memory_space<vmem>> -> memref<128xi32, #tpu.memory_space<vmem>>
        %dma_start3A_282 = arith.constant 0 : i32
        %dma_start3A_283 = arith.constant 0 : i32
        %dma_start3A_284 = tpu.memref_slice %arg2[%dma_start3A_282, %dma_start3A_283] : memref<2600000x32xf32, #tpu.memory_space<hbm>> -> memref<2600000x32xf32, #tpu.memory_space<hbm>>
        tpu.enqueue_indirect_dma source(%dma_start3A_284 : memref<2600000x32xf32, #tpu.memory_space<hbm>>) target(%dma_start3A_279 : memref<128x32xf32, #tpu.memory_space<vmem>>) offsets(%dma_start3A_281 : memref<128xi32, #tpu.memory_space<vmem>>) semaphore(%arg13 : memref<!tpu.dma_semaphore, #tpu.memory_space<semaphore_mem>>)
        %dma_start3A_285 = arith.constant 512 : i32
        %dma_start3A_286 = arith.constant 0 : i32
        %dma_start3A_287 = tpu.memref_slice %arg7[%dma_start3A_285, %dma_start3A_286] : memref<640x32xf32, #tpu.memory_space<vmem>> -> memref<128x32xf32, #tpu.memory_space<vmem>>
        %dma_start3A_288 = arith.constant 512 : i32
        %dma_start3A_289 = tpu.memref_slice %arg5[%dma_start3A_288] : memref<640xi32, #tpu.memory_space<vmem>> -> memref<128xi32, #tpu.memory_space<vmem>>
        %dma_start3A_290 = arith.constant 0 : i32
        %dma_start3A_291 = arith.constant 0 : i32
        %dma_start3A_292 = tpu.memref_slice %arg2[%dma_start3A_290, %dma_start3A_291] : memref<2600000x32xf32, #tpu.memory_space<hbm>> -> memref<2600000x32xf32, #tpu.memory_space<hbm>>
        tpu.enqueue_indirect_dma source(%dma_start3A_292 : memref<2600000x32xf32, #tpu.memory_space<hbm>>) target(%dma_start3A_287 : memref<128x32xf32, #tpu.memory_space<vmem>>) offsets(%dma_start3A_289 : memref<128xi32, #tpu.memory_space<vmem>>) semaphore(%arg13 : memref<!tpu.dma_semaphore, #tpu.memory_space<semaphore_mem>>)
      } else {
      }
      %dma_wait3A_187 = arith.constant 0 : i32
      %dma_wait3A_188 = arith.constant 0 : i32
      %dma_wait3A_189 = tpu.memref_slice %arg8[%dma_wait3A_187, %dma_wait3A_188] : memref<640x32xf32, #tpu.memory_space<vmem>> -> memref<128x32xf32, #tpu.memory_space<vmem>>
      %dma_wait3A_190 = arith.constant 0 : i32
      %dma_wait3A_191 = tpu.memref_slice %arg6[%dma_wait3A_190] : memref<640xi32, #tpu.memory_space<vmem>> -> memref<128xi32, #tpu.memory_space<vmem>>
      %dma_wait3A_192 = arith.constant 0 : i32
      %dma_wait3A_193 = arith.constant 0 : i32
      %dma_wait3A_194 = tpu.memref_slice %arg2[%dma_wait3A_192, %dma_wait3A_193] : memref<2600000x32xf32, #tpu.memory_space<hbm>> -> memref<2600000x32xf32, #tpu.memory_space<hbm>>
      tpu.wait_indirect_dma semaphore(%arg14 : memref<!tpu.dma_semaphore, #tpu.memory_space<semaphore_mem>>) src(%dma_wait3A_194 : memref<2600000x32xf32, #tpu.memory_space<hbm>>) dst(%dma_wait3A_189 : memref<128x32xf32, #tpu.memory_space<vmem>>)
      %dma_wait3A_195 = arith.constant 128 : i32
      %dma_wait3A_196 = arith.constant 0 : i32
      %dma_wait3A_197 = tpu.memref_slice %arg8[%dma_wait3A_195, %dma_wait3A_196] : memref<640x32xf32, #tpu.memory_space<vmem>> -> memref<128x32xf32, #tpu.memory_space<vmem>>
      %dma_wait3A_198 = arith.constant 128 : i32
      %dma_wait3A_199 = tpu.memref_slice %arg6[%dma_wait3A_198] : memref<640xi32, #tpu.memory_space<vmem>> -> memref<128xi32, #tpu.memory_space<vmem>>
      %dma_wait3A_200 = arith.constant 0 : i32
      %dma_wait3A_201 = arith.constant 0 : i32
      %dma_wait3A_202 = tpu.memref_slice %arg2[%dma_wait3A_200, %dma_wait3A_201] : memref<2600000x32xf32, #tpu.memory_space<hbm>> -> memref<2600000x32xf32, #tpu.memory_space<hbm>>
      tpu.wait_indirect_dma semaphore(%arg14 : memref<!tpu.dma_semaphore, #tpu.memory_space<semaphore_mem>>) src(%dma_wait3A_202 : memref<2600000x32xf32, #tpu.memory_space<hbm>>) dst(%dma_wait3A_197 : memref<128x32xf32, #tpu.memory_space<vmem>>)
      %dma_wait3A_203 = arith.constant 256 : i32
      %dma_wait3A_204 = arith.constant 0 : i32
      %dma_wait3A_205 = tpu.memref_slice %arg8[%dma_wait3A_203, %dma_wait3A_204] : memref<640x32xf32, #tpu.memory_space<vmem>> -> memref<128x32xf32, #tpu.memory_space<vmem>>
      %dma_wait3A_206 = arith.constant 256 : i32
      %dma_wait3A_207 = tpu.memref_slice %arg6[%dma_wait3A_206] : memref<640xi32, #tpu.memory_space<vmem>> -> memref<128xi32, #tpu.memory_space<vmem>>
      %dma_wait3A_208 = arith.constant 0 : i32
      %dma_wait3A_209 = arith.constant 0 : i32
      %dma_wait3A_210 = tpu.memref_slice %arg2[%dma_wait3A_208, %dma_wait3A_209] : memref<2600000x32xf32, #tpu.memory_space<hbm>> -> memref<2600000x32xf32, #tpu.memory_space<hbm>>
      tpu.wait_indirect_dma semaphore(%arg14 : memref<!tpu.dma_semaphore, #tpu.memory_space<semaphore_mem>>) src(%dma_wait3A_210 : memref<2600000x32xf32, #tpu.memory_space<hbm>>) dst(%dma_wait3A_205 : memref<128x32xf32, #tpu.memory_space<vmem>>)
      %dma_wait3A_211 = arith.constant 384 : i32
      %dma_wait3A_212 = arith.constant 0 : i32
      %dma_wait3A_213 = tpu.memref_slice %arg8[%dma_wait3A_211, %dma_wait3A_212] : memref<640x32xf32, #tpu.memory_space<vmem>> -> memref<128x32xf32, #tpu.memory_space<vmem>>
      %dma_wait3A_214 = arith.constant 384 : i32
      %dma_wait3A_215 = tpu.memref_slice %arg6[%dma_wait3A_214] : memref<640xi32, #tpu.memory_space<vmem>> -> memref<128xi32, #tpu.memory_space<vmem>>
      %dma_wait3A_216 = arith.constant 0 : i32
      %dma_wait3A_217 = arith.constant 0 : i32
      %dma_wait3A_218 = tpu.memref_slice %arg2[%dma_wait3A_216, %dma_wait3A_217] : memref<2600000x32xf32, #tpu.memory_space<hbm>> -> memref<2600000x32xf32, #tpu.memory_space<hbm>>
      tpu.wait_indirect_dma semaphore(%arg14 : memref<!tpu.dma_semaphore, #tpu.memory_space<semaphore_mem>>) src(%dma_wait3A_218 : memref<2600000x32xf32, #tpu.memory_space<hbm>>) dst(%dma_wait3A_213 : memref<128x32xf32, #tpu.memory_space<vmem>>)
      %dma_wait3A_219 = arith.constant 512 : i32
      %dma_wait3A_220 = arith.constant 0 : i32
      %dma_wait3A_221 = tpu.memref_slice %arg8[%dma_wait3A_219, %dma_wait3A_220] : memref<640x32xf32, #tpu.memory_space<vmem>> -> memref<128x32xf32, #tpu.memory_space<vmem>>
      %dma_wait3A_222 = arith.constant 512 : i32
      %dma_wait3A_223 = tpu.memref_slice %arg6[%dma_wait3A_222] : memref<640xi32, #tpu.memory_space<vmem>> -> memref<128xi32, #tpu.memory_space<vmem>>
      %dma_wait3A_224 = arith.constant 0 : i32
      %dma_wait3A_225 = arith.constant 0 : i32
      %dma_wait3A_226 = tpu.memref_slice %arg2[%dma_wait3A_224, %dma_wait3A_225] : memref<2600000x32xf32, #tpu.memory_space<hbm>> -> memref<2600000x32xf32, #tpu.memory_space<hbm>>
      tpu.wait_indirect_dma semaphore(%arg14 : memref<!tpu.dma_semaphore, #tpu.memory_space<semaphore_mem>>) src(%dma_wait3A_226 : memref<2600000x32xf32, #tpu.memory_space<hbm>>) dst(%dma_wait3A_221 : memref<128x32xf32, #tpu.memory_space<vmem>>)
      %lt3A_227 = arith.constant 128 : i32
      %lt3A_228 = arith.cmpi slt, %add3A_75, %lt3A_227 : i32
      %convert_element_type3A_229 = arith.extui %lt3A_228 : i1 to i32
      %cond3A_230 = arith.constant 0 : i32
      %cond3A_231 = arith.cmpi ne, %convert_element_type3A_229, %cond3A_230 : i32
      scf.if %cond3A_231 {
        %add3A_249 = arith.addi %mul3A_2, %add3A_181 : i32
        %add3A_250 = arith.constant 2 : i32
        %add3A_251 = arith.addi %add3A_249, %add3A_250 : i32
        %mul3A_252 = arith.constant 640 : i32
        %mul3A_253 = arith.muli %add3A_251, %mul3A_252 : i32
        %dma_start3A_254 = tpu.memref_slice %arg3[%mul3A_253] : memref<2662400xi32, #tpu.memory_space<hbm>> -> memref<640xi32, #tpu.memory_space<hbm>>
        %dma_start3A_255 = tpu.memref_slice %arg3[%mul3A_253] : memref<2662400xi32, #tpu.memory_space<hbm>> -> memref<640xi32, #tpu.memory_space<hbm>>
        tpu.enqueue_dma source(%dma_start3A_255 : memref<640xi32, #tpu.memory_space<hbm>>) target(%arg6 : memref<640xi32, #tpu.memory_space<vmem>>) target_semaphore(%arg12 : memref<!tpu.dma_semaphore, #tpu.memory_space<semaphore_mem>>)
      } else {
      }
      %gt3A_232 = arith.constant 0 : i32
      %gt3A_233 = arith.cmpi sgt, %add3A_75, %gt3A_232 : i32
      %convert_element_type3A_234 = arith.extui %gt3A_233 : i1 to i32
      %cond3A_235 = arith.constant 0 : i32
      %cond3A_236 = arith.cmpi ne, %convert_element_type3A_234, %cond3A_235 : i32
      scf.if %cond3A_236 {
        %dma_wait3A_249 = arith.constant 0 : i32
        %dma_wait3A_250 = arith.constant 0 : i32
        %dma_wait3A_251 = tpu.memref_slice %arg4[%dma_wait3A_249, %dma_wait3A_250] : memref<665600x128xf32, #tpu.memory_space<hbm>> -> memref<160x128xf32, #tpu.memory_space<hbm>>
        %dma_wait3A_252 = arith.constant 0 : i32
        %dma_wait3A_253 = arith.constant 0 : i32
        %dma_wait3A_254 = tpu.memref_slice %arg4[%dma_wait3A_252, %dma_wait3A_253] : memref<665600x128xf32, #tpu.memory_space<hbm>> -> memref<160x128xf32, #tpu.memory_space<hbm>>
        tpu.wait_dma2 semaphore(%arg16 : memref<!tpu.dma_semaphore, #tpu.memory_space<semaphore_mem>>) src(%arg10 : memref<160x128xf32, #tpu.memory_space<vmem>>) dst(%dma_wait3A_254 : memref<160x128xf32, #tpu.memory_space<hbm>>)
      } else {
      }
      %scan3A_237 = arith.constant 0 : i32
      %scan3A_238 = arith.constant 160 : i32
      %scan3A_239 = arith.addi %scan3A_237, %scan3A_238 : i32
      %scan3A_240 = arith.constant 1 : i32
      scf.for %scan3A_249 = %scan3A_237 to %scan3A_239 step %scan3A_240  : i32 {
        %mul3A_250 = arith.constant 1 : i32
        %mul3A_251 = arith.muli %scan3A_249, %mul3A_250 : i32
        %add3A_252 = arith.constant 0 : i32
        %add3A_253 = arith.addi %add3A_252, %mul3A_251 : i32
        %mul3A_254 = arith.constant 4 : i32
        %mul3A_255 = arith.muli %add3A_253, %mul3A_254 : i32
        %add3A_256 = arith.constant 0 : i32
        %add3A_257 = arith.addi %mul3A_255, %add3A_256 : i32
        %get3A = arith.index_cast %add3A_257 : i32 to index
        %get3A_258 = arith.constant 0 : index
        %get3A_259 = tpu.vector_load %arg8[%get3A, %get3A_258] {strides = array<i32>} : memref<640x32xf32, #tpu.memory_space<vmem>>, vector<1x16xf32>,
        %get3A_260 = vector.shape_cast %get3A_259 : vector<1x16xf32> to vector<16xf32>
        %swap3A = arith.index_cast %add3A_253 : i32 to index
        %swap3A_261 = arith.constant 0 : index
        %swap3A_262 = tpu.vector_load %arg10[%swap3A, %swap3A_261] {strides = array<i32>} : memref<160x128xf32, #tpu.memory_space<vmem>>, vector<1x16xf32>,
        %swap3A_263 = vector.shape_cast %swap3A_262 : vector<1x16xf32> to vector<16xf32>
        %swap3A_264 = vector.shape_cast %get3A_260 : vector<16xf32> to vector<1x16xf32>
        tpu.vector_store %arg10[%swap3A, %swap3A_261], %swap3A_264 {strides = array<i32>} : memref<160x128xf32, #tpu.memory_space<vmem>>, vector<1x16xf32>,
        %mul3A_265 = arith.constant 4 : i32
        %mul3A_266 = arith.muli %add3A_253, %mul3A_265 : i32
        %add3A_267 = arith.constant 0 : i32
        %add3A_268 = arith.addi %mul3A_266, %add3A_267 : i32
        %get3A_269 = arith.index_cast %add3A_268 : i32 to index
        %get3A_270 = arith.constant 16 : index
        %get3A_271 = tpu.vector_load %arg8[%get3A_269, %get3A_270] {strides = array<i32>} : memref<640x32xf32, #tpu.memory_space<vmem>>, vector<1x16xf32>,
        %get3A_272 = vector.shape_cast %get3A_271 : vector<1x16xf32> to vector<16xf32>
        %swap3A_273 = arith.index_cast %add3A_253 : i32 to index
        %swap3A_274 = arith.constant 16 : index
        %swap3A_275 = tpu.vector_load %arg10[%swap3A_273, %swap3A_274] {strides = array<i32>} : memref<160x128xf32, #tpu.memory_space<vmem>>, vector<1x16xf32>,
        %swap3A_276 = vector.shape_cast %swap3A_275 : vector<1x16xf32> to vector<16xf32>
        %swap3A_277 = vector.shape_cast %get3A_272 : vector<16xf32> to vector<1x16xf32>
        tpu.vector_store %arg10[%swap3A_273, %swap3A_274], %swap3A_277 {strides = array<i32>} : memref<160x128xf32, #tpu.memory_space<vmem>>, vector<1x16xf32>,
        %mul3A_278 = arith.constant 4 : i32
        %mul3A_279 = arith.muli %add3A_253, %mul3A_278 : i32
        %add3A_280 = arith.constant 1 : i32
        %add3A_281 = arith.addi %mul3A_279, %add3A_280 : i32
        %get3A_282 = arith.index_cast %add3A_281 : i32 to index
        %get3A_283 = arith.constant 0 : index
        %get3A_284 = tpu.vector_load %arg8[%get3A_282, %get3A_283] {strides = array<i32>} : memref<640x32xf32, #tpu.memory_space<vmem>>, vector<1x16xf32>,
        %get3A_285 = vector.shape_cast %get3A_284 : vector<1x16xf32> to vector<16xf32>
        %swap3A_286 = arith.index_cast %add3A_253 : i32 to index
        %swap3A_287 = arith.constant 32 : index
        %swap3A_288 = tpu.vector_load %arg10[%swap3A_286, %swap3A_287] {strides = array<i32>} : memref<160x128xf32, #tpu.memory_space<vmem>>, vector<1x16xf32>,
        %swap3A_289 = vector.shape_cast %swap3A_288 : vector<1x16xf32> to vector<16xf32>
        %swap3A_290 = vector.shape_cast %get3A_285 : vector<16xf32> to vector<1x16xf32>
        tpu.vector_store %arg10[%swap3A_286, %swap3A_287], %swap3A_290 {strides = array<i32>} : memref<160x128xf32, #tpu.memory_space<vmem>>, vector<1x16xf32>,
        %mul3A_291 = arith.constant 4 : i32
        %mul3A_292 = arith.muli %add3A_253, %mul3A_291 : i32
        %add3A_293 = arith.constant 1 : i32
        %add3A_294 = arith.addi %mul3A_292, %add3A_293 : i32
        %get3A_295 = arith.index_cast %add3A_294 : i32 to index
        %get3A_296 = arith.constant 16 : index
        %get3A_297 = tpu.vector_load %arg8[%get3A_295, %get3A_296] {strides = array<i32>} : memref<640x32xf32, #tpu.memory_space<vmem>>, vector<1x16xf32>,
        %get3A_298 = vector.shape_cast %get3A_297 : vector<1x16xf32> to vector<16xf32>
        %swap3A_299 = arith.index_cast %add3A_253 : i32 to index
        %swap3A_300 = arith.constant 48 : index
        %swap3A_301 = tpu.vector_load %arg10[%swap3A_299, %swap3A_300] {strides = array<i32>} : memref<160x128xf32, #tpu.memory_space<vmem>>, vector<1x16xf32>,
        %swap3A_302 = vector.shape_cast %swap3A_301 : vector<1x16xf32> to vector<16xf32>
        %swap3A_303 = vector.shape_cast %get3A_298 : vector<16xf32> to vector<1x16xf32>
        tpu.vector_store %arg10[%swap3A_299, %swap3A_300], %swap3A_303 {strides = array<i32>} : memref<160x128xf32, #tpu.memory_space<vmem>>, vector<1x16xf32>,
        %mul3A_304 = arith.constant 4 : i32
        %mul3A_305 = arith.muli %add3A_253, %mul3A_304 : i32
        %add3A_306 = arith.constant 2 : i32
        %add3A_307 = arith.addi %mul3A_305, %add3A_306 : i32
        %get3A_308 = arith.index_cast %add3A_307 : i32 to index
        %get3A_309 = arith.constant 0 : index
        %get3A_310 = tpu.vector_load %arg8[%get3A_308, %get3A_309] {strides = array<i32>} : memref<640x32xf32, #tpu.memory_space<vmem>>, vector<1x16xf32>,
        %get3A_311 = vector.shape_cast %get3A_310 : vector<1x16xf32> to vector<16xf32>
        %swap3A_312 = arith.index_cast %add3A_253 : i32 to index
        %swap3A_313 = arith.constant 64 : index
        %swap3A_314 = tpu.vector_load %arg10[%swap3A_312, %swap3A_313] {strides = array<i32>} : memref<160x128xf32, #tpu.memory_space<vmem>>, vector<1x16xf32>,
        %swap3A_315 = vector.shape_cast %swap3A_314 : vector<1x16xf32> to vector<16xf32>
        %swap3A_316 = vector.shape_cast %get3A_311 : vector<16xf32> to vector<1x16xf32>
        tpu.vector_store %arg10[%swap3A_312, %swap3A_313], %swap3A_316 {strides = array<i32>} : memref<160x128xf32, #tpu.memory_space<vmem>>, vector<1x16xf32>,
        %mul3A_317 = arith.constant 4 : i32
        %mul3A_318 = arith.muli %add3A_253, %mul3A_317 : i32
        %add3A_319 = arith.constant 2 : i32
        %add3A_320 = arith.addi %mul3A_318, %add3A_319 : i32
        %get3A_321 = arith.index_cast %add3A_320 : i32 to index
        %get3A_322 = arith.constant 16 : index
        %get3A_323 = tpu.vector_load %arg8[%get3A_321, %get3A_322] {strides = array<i32>} : memref<640x32xf32, #tpu.memory_space<vmem>>, vector<1x16xf32>,
        %get3A_324 = vector.shape_cast %get3A_323 : vector<1x16xf32> to vector<16xf32>
        %swap3A_325 = arith.index_cast %add3A_253 : i32 to index
        %swap3A_326 = arith.constant 80 : index
        %swap3A_327 = tpu.vector_load %arg10[%swap3A_325, %swap3A_326] {strides = array<i32>} : memref<160x128xf32, #tpu.memory_space<vmem>>, vector<1x16xf32>,
        %swap3A_328 = vector.shape_cast %swap3A_327 : vector<1x16xf32> to vector<16xf32>
        %swap3A_329 = vector.shape_cast %get3A_324 : vector<16xf32> to vector<1x16xf32>
        tpu.vector_store %arg10[%swap3A_325, %swap3A_326], %swap3A_329 {strides = array<i32>} : memref<160x128xf32, #tpu.memory_space<vmem>>, vector<1x16xf32>,
        %mul3A_330 = arith.constant 4 : i32
        %mul3A_331 = arith.muli %add3A_253, %mul3A_330 : i32
        %add3A_332 = arith.constant 3 : i32
        %add3A_333 = arith.addi %mul3A_331, %add3A_332 : i32
        %get3A_334 = arith.index_cast %add3A_333 : i32 to index
        %get3A_335 = arith.constant 0 : index
        %get3A_336 = tpu.vector_load %arg8[%get3A_334, %get3A_335] {strides = array<i32>} : memref<640x32xf32, #tpu.memory_space<vmem>>, vector<1x16xf32>,
        %get3A_337 = vector.shape_cast %get3A_336 : vector<1x16xf32> to vector<16xf32>
        %swap3A_338 = arith.index_cast %add3A_253 : i32 to index
        %swap3A_339 = arith.constant 96 : index
        %swap3A_340 = tpu.vector_load %arg10[%swap3A_338, %swap3A_339] {strides = array<i32>} : memref<160x128xf32, #tpu.memory_space<vmem>>, vector<1x16xf32>,
        %swap3A_341 = vector.shape_cast %swap3A_340 : vector<1x16xf32> to vector<16xf32>
        %swap3A_342 = vector.shape_cast %get3A_337 : vector<16xf32> to vector<1x16xf32>
        tpu.vector_store %arg10[%swap3A_338, %swap3A_339], %swap3A_342 {strides = array<i32>} : memref<160x128xf32, #tpu.memory_space<vmem>>, vector<1x16xf32>,
        %mul3A_343 = arith.constant 4 : i32
        %mul3A_344 = arith.muli %add3A_253, %mul3A_343 : i32
        %add3A_345 = arith.constant 3 : i32
        %add3A_346 = arith.addi %mul3A_344, %add3A_345 : i32
        %get3A_347 = arith.index_cast %add3A_346 : i32 to index
        %get3A_348 = arith.constant 16 : index
        %get3A_349 = tpu.vector_load %arg8[%get3A_347, %get3A_348] {strides = array<i32>} : memref<640x32xf32, #tpu.memory_space<vmem>>, vector<1x16xf32>,
        %get3A_350 = vector.shape_cast %get3A_349 : vector<1x16xf32> to vector<16xf32>
        %swap3A_351 = arith.index_cast %add3A_253 : i32 to index
        %swap3A_352 = arith.constant 112 : index
        %swap3A_353 = tpu.vector_load %arg10[%swap3A_351, %swap3A_352] {strides = array<i32>} : memref<160x128xf32, #tpu.memory_space<vmem>>, vector<1x16xf32>,
        %swap3A_354 = vector.shape_cast %swap3A_353 : vector<1x16xf32> to vector<16xf32>
        %swap3A_355 = vector.shape_cast %get3A_350 : vector<16xf32> to vector<1x16xf32>
        tpu.vector_store %arg10[%swap3A_351, %swap3A_352], %swap3A_355 {strides = array<i32>} : memref<160x128xf32, #tpu.memory_space<vmem>>, vector<1x16xf32>,
      }
      %scan3A_241 = arith.constant 160 : i32
      %add3A_242 = arith.addi %mul3A_2, %add3A_181 : i32
      %mul3A_243 = arith.constant 160 : i32
      %mul3A_244 = arith.muli %add3A_242, %mul3A_243 : i32
      %dma_start3A_245 = arith.constant 0 : i32
      %dma_start3A_246 = tpu.memref_slice %arg4[%mul3A_244, %dma_start3A_245] : memref<665600x128xf32, #tpu.memory_space<hbm>> -> memref<160x128xf32, #tpu.memory_space<hbm>>
      %dma_start3A_247 = arith.constant 0 : i32
      %dma_start3A_248 = tpu.memref_slice %arg4[%mul3A_244, %dma_start3A_247] : memref<665600x128xf32, #tpu.memory_space<hbm>> -> memref<160x128xf32, #tpu.memory_space<hbm>>
      tpu.enqueue_dma source(%arg10 : memref<160x128xf32, #tpu.memory_space<vmem>>) target(%dma_start3A_248 : memref<160x128xf32, #tpu.memory_space<hbm>>) target_semaphore(%arg16 : memref<!tpu.dma_semaphore, #tpu.memory_space<semaphore_mem>>)
    }
    %scan3A_58 = arith.constant 65 : i32
    %dma_wait3A_59 = arith.constant 0 : i32
    %dma_wait3A_60 = arith.constant 0 : i32
    %dma_wait3A_61 = tpu.memref_slice %arg4[%dma_wait3A_59, %dma_wait3A_60] : memref<665600x128xf32, #tpu.memory_space<hbm>> -> memref<160x128xf32, #tpu.memory_space<hbm>>
    %dma_wait3A_62 = arith.constant 0 : i32
    %dma_wait3A_63 = arith.constant 0 : i32
    %dma_wait3A_64 = tpu.memref_slice %arg4[%dma_wait3A_62, %dma_wait3A_63] : memref<665600x128xf32, #tpu.memory_space<hbm>> -> memref<160x128xf32, #tpu.memory_space<hbm>>
    tpu.wait_dma2 semaphore(%arg15 : memref<!tpu.dma_semaphore, #tpu.memory_space<semaphore_mem>>) src(%arg9 : memref<160x128xf32, #tpu.memory_space<vmem>>) dst(%dma_wait3A_64 : memref<160x128xf32, #tpu.memory_space<hbm>>)
    %dma_wait3A_65 = arith.constant 0 : i32
    %dma_wait3A_66 = arith.constant 0 : i32
    %dma_wait3A_67 = tpu.memref_slice %arg4[%dma_wait3A_65, %dma_wait3A_66] : memref<665600x128xf32, #tpu.memory_space<hbm>> -> memref<160x128xf32, #tpu.memory_space<hbm>>
    %dma_wait3A_68 = arith.constant 0 : i32
    %dma_wait3A_69 = arith.constant 0 : i32
    %dma_wait3A_70 = tpu.memref_slice %arg4[%dma_wait3A_68, %dma_wait3A_69] : memref<665600x128xf32, #tpu.memory_space<hbm>> -> memref<160x128xf32, #tpu.memory_space<hbm>>
    tpu.wait_dma2 semaphore(%arg16 : memref<!tpu.dma_semaphore, #tpu.memory_space<semaphore_mem>>) src(%arg10 : memref<160x128xf32, #tpu.memory_space<vmem>>) dst(%dma_wait3A_70 : memref<160x128xf32, #tpu.memory_space<hbm>>)
    return
  }
}

module attributes {stable_mosaic.version = 14 : i64} {
  func.func @_tr_body(%arg0: i32, %arg1: memref<50x64x128xf32, #tpu.memory_space<vmem>>, %arg2: memref<8192x50xf32, #tpu.memory_space<vmem>>) attributes {dimension_semantics = [#tpu.dimension_semantics<arbitrary>], iteration_bounds = array<i64: 208>, scalar_prefetch = 0 : i64, scratch_operands = 0 : i64, tpu.core_type = #tpu.core_type<tc>, window_params = [{transform_indices = @transform_0, window_bounds = array<i64: 50, 64, 128>}, {transform_indices = @transform_1, window_bounds = array<i64: 8192, 50>}]} {
    %get3A = arith.constant 0 : index
    %get3A_0 = arith.constant 0 : index
    %get3A_1 = arith.constant 0 : index
    %get3A_2 = vector.load %arg1[%get3A, %get3A_0, %get3A_1] : memref<50x64x128xf32, #tpu.memory_space<vmem>>, vector<50x1x128xf32>
    %get3A_3 = vector.shape_cast %get3A_2 : vector<50x1x128xf32> to vector<50x128xf32>
    %transpose3A = tpu.transpose %get3A_3, [1, 0] : vector<50x128xf32> -> vector<128x50xf32>
    %swap3A = arith.constant 0 : index
    %swap3A_4 = arith.constant 0 : index
    %swap3A_5 = vector.load %arg2[%swap3A, %swap3A_4] : memref<8192x50xf32, #tpu.memory_space<vmem>>, vector<128x50xf32>
    tpu.vector_store %arg2[%swap3A, %swap3A_4], %transpose3A {strides = array<i32>} : memref<8192x50xf32, #tpu.memory_space<vmem>>, vector<128x50xf32>,
    %get3A_6 = arith.constant 0 : index
    %get3A_7 = arith.constant 1 : index
    %get3A_8 = arith.constant 0 : index
    %get3A_9 = vector.load %arg1[%get3A_6, %get3A_7, %get3A_8] : memref<50x64x128xf32, #tpu.memory_space<vmem>>, vector<50x1x128xf32>
    %get3A_10 = vector.shape_cast %get3A_9 : vector<50x1x128xf32> to vector<50x128xf32>
    %transpose3A_11 = tpu.transpose %get3A_10, [1, 0] : vector<50x128xf32> -> vector<128x50xf32>
    %swap3A_12 = arith.constant 128 : index
    %swap3A_13 = arith.constant 0 : index
    %swap3A_14 = vector.load %arg2[%swap3A_12, %swap3A_13] : memref<8192x50xf32, #tpu.memory_space<vmem>>, vector<128x50xf32>
    tpu.vector_store %arg2[%swap3A_12, %swap3A_13], %transpose3A_11 {strides = array<i32>} : memref<8192x50xf32, #tpu.memory_space<vmem>>, vector<128x50xf32>,
    %get3A_15 = arith.constant 0 : index
    %get3A_16 = arith.constant 2 : index
    %get3A_17 = arith.constant 0 : index
    %get3A_18 = vector.load %arg1[%get3A_15, %get3A_16, %get3A_17] : memref<50x64x128xf32, #tpu.memory_space<vmem>>, vector<50x1x128xf32>
    %get3A_19 = vector.shape_cast %get3A_18 : vector<50x1x128xf32> to vector<50x128xf32>
    %transpose3A_20 = tpu.transpose %get3A_19, [1, 0] : vector<50x128xf32> -> vector<128x50xf32>
    %swap3A_21 = arith.constant 256 : index
    %swap3A_22 = arith.constant 0 : index
    %swap3A_23 = vector.load %arg2[%swap3A_21, %swap3A_22] : memref<8192x50xf32, #tpu.memory_space<vmem>>, vector<128x50xf32>
    tpu.vector_store %arg2[%swap3A_21, %swap3A_22], %transpose3A_20 {strides = array<i32>} : memref<8192x50xf32, #tpu.memory_space<vmem>>, vector<128x50xf32>,
    %get3A_24 = arith.constant 0 : index
    %get3A_25 = arith.constant 3 : index
    %get3A_26 = arith.constant 0 : index
    %get3A_27 = vector.load %arg1[%get3A_24, %get3A_25, %get3A_26] : memref<50x64x128xf32, #tpu.memory_space<vmem>>, vector<50x1x128xf32>
    %get3A_28 = vector.shape_cast %get3A_27 : vector<50x1x128xf32> to vector<50x128xf32>
    %transpose3A_29 = tpu.transpose %get3A_28, [1, 0] : vector<50x128xf32> -> vector<128x50xf32>
    %swap3A_30 = arith.constant 384 : index
    %swap3A_31 = arith.constant 0 : index
    %swap3A_32 = vector.load %arg2[%swap3A_30, %swap3A_31] : memref<8192x50xf32, #tpu.memory_space<vmem>>, vector<128x50xf32>
    tpu.vector_store %arg2[%swap3A_30, %swap3A_31], %transpose3A_29 {strides = array<i32>} : memref<8192x50xf32, #tpu.memory_space<vmem>>, vector<128x50xf32>,
    %get3A_33 = arith.constant 0 : index
    %get3A_34 = arith.constant 4 : index
    %get3A_35 = arith.constant 0 : index
    %get3A_36 = vector.load %arg1[%get3A_33, %get3A_34, %get3A_35] : memref<50x64x128xf32, #tpu.memory_space<vmem>>, vector<50x1x128xf32>
    %get3A_37 = vector.shape_cast %get3A_36 : vector<50x1x128xf32> to vector<50x128xf32>
    %transpose3A_38 = tpu.transpose %get3A_37, [1, 0] : vector<50x128xf32> -> vector<128x50xf32>
    %swap3A_39 = arith.constant 512 : index
    %swap3A_40 = arith.constant 0 : index
    %swap3A_41 = vector.load %arg2[%swap3A_39, %swap3A_40] : memref<8192x50xf32, #tpu.memory_space<vmem>>, vector<128x50xf32>
    tpu.vector_store %arg2[%swap3A_39, %swap3A_40], %transpose3A_38 {strides = array<i32>} : memref<8192x50xf32, #tpu.memory_space<vmem>>, vector<128x50xf32>,
    %get3A_42 = arith.constant 0 : index
    %get3A_43 = arith.constant 5 : index
    %get3A_44 = arith.constant 0 : index
    %get3A_45 = vector.load %arg1[%get3A_42, %get3A_43, %get3A_44] : memref<50x64x128xf32, #tpu.memory_space<vmem>>, vector<50x1x128xf32>
    %get3A_46 = vector.shape_cast %get3A_45 : vector<50x1x128xf32> to vector<50x128xf32>
    %transpose3A_47 = tpu.transpose %get3A_46, [1, 0] : vector<50x128xf32> -> vector<128x50xf32>
    %swap3A_48 = arith.constant 640 : index
    %swap3A_49 = arith.constant 0 : index
    %swap3A_50 = vector.load %arg2[%swap3A_48, %swap3A_49] : memref<8192x50xf32, #tpu.memory_space<vmem>>, vector<128x50xf32>
    tpu.vector_store %arg2[%swap3A_48, %swap3A_49], %transpose3A_47 {strides = array<i32>} : memref<8192x50xf32, #tpu.memory_space<vmem>>, vector<128x50xf32>,
    %get3A_51 = arith.constant 0 : index
    %get3A_52 = arith.constant 6 : index
    %get3A_53 = arith.constant 0 : index
    %get3A_54 = vector.load %arg1[%get3A_51, %get3A_52, %get3A_53] : memref<50x64x128xf32, #tpu.memory_space<vmem>>, vector<50x1x128xf32>
    %get3A_55 = vector.shape_cast %get3A_54 : vector<50x1x128xf32> to vector<50x128xf32>
    %transpose3A_56 = tpu.transpose %get3A_55, [1, 0] : vector<50x128xf32> -> vector<128x50xf32>
    %swap3A_57 = arith.constant 768 : index
    %swap3A_58 = arith.constant 0 : index
    %swap3A_59 = vector.load %arg2[%swap3A_57, %swap3A_58] : memref<8192x50xf32, #tpu.memory_space<vmem>>, vector<128x50xf32>
    tpu.vector_store %arg2[%swap3A_57, %swap3A_58], %transpose3A_56 {strides = array<i32>} : memref<8192x50xf32, #tpu.memory_space<vmem>>, vector<128x50xf32>,
    %get3A_60 = arith.constant 0 : index
    %get3A_61 = arith.constant 7 : index
    %get3A_62 = arith.constant 0 : index
    %get3A_63 = vector.load %arg1[%get3A_60, %get3A_61, %get3A_62] : memref<50x64x128xf32, #tpu.memory_space<vmem>>, vector<50x1x128xf32>
    %get3A_64 = vector.shape_cast %get3A_63 : vector<50x1x128xf32> to vector<50x128xf32>
    %transpose3A_65 = tpu.transpose %get3A_64, [1, 0] : vector<50x128xf32> -> vector<128x50xf32>
    %swap3A_66 = arith.constant 896 : index
    %swap3A_67 = arith.constant 0 : index
    %swap3A_68 = vector.load %arg2[%swap3A_66, %swap3A_67] : memref<8192x50xf32, #tpu.memory_space<vmem>>, vector<128x50xf32>
    tpu.vector_store %arg2[%swap3A_66, %swap3A_67], %transpose3A_65 {strides = array<i32>} : memref<8192x50xf32, #tpu.memory_space<vmem>>, vector<128x50xf32>,
    %get3A_69 = arith.constant 0 : index
    %get3A_70 = arith.constant 8 : index
    %get3A_71 = arith.constant 0 : index
    %get3A_72 = vector.load %arg1[%get3A_69, %get3A_70, %get3A_71] : memref<50x64x128xf32, #tpu.memory_space<vmem>>, vector<50x1x128xf32>
    %get3A_73 = vector.shape_cast %get3A_72 : vector<50x1x128xf32> to vector<50x128xf32>
    %transpose3A_74 = tpu.transpose %get3A_73, [1, 0] : vector<50x128xf32> -> vector<128x50xf32>
    %swap3A_75 = arith.constant 1024 : index
    %swap3A_76 = arith.constant 0 : index
    %swap3A_77 = vector.load %arg2[%swap3A_75, %swap3A_76] : memref<8192x50xf32, #tpu.memory_space<vmem>>, vector<128x50xf32>
    tpu.vector_store %arg2[%swap3A_75, %swap3A_76], %transpose3A_74 {strides = array<i32>} : memref<8192x50xf32, #tpu.memory_space<vmem>>, vector<128x50xf32>,
    %get3A_78 = arith.constant 0 : index
    %get3A_79 = arith.constant 9 : index
    %get3A_80 = arith.constant 0 : index
    %get3A_81 = vector.load %arg1[%get3A_78, %get3A_79, %get3A_80] : memref<50x64x128xf32, #tpu.memory_space<vmem>>, vector<50x1x128xf32>
    %get3A_82 = vector.shape_cast %get3A_81 : vector<50x1x128xf32> to vector<50x128xf32>
    %transpose3A_83 = tpu.transpose %get3A_82, [1, 0] : vector<50x128xf32> -> vector<128x50xf32>
    %swap3A_84 = arith.constant 1152 : index
    %swap3A_85 = arith.constant 0 : index
    %swap3A_86 = vector.load %arg2[%swap3A_84, %swap3A_85] : memref<8192x50xf32, #tpu.memory_space<vmem>>, vector<128x50xf32>
    tpu.vector_store %arg2[%swap3A_84, %swap3A_85], %transpose3A_83 {strides = array<i32>} : memref<8192x50xf32, #tpu.memory_space<vmem>>, vector<128x50xf32>,
    %get3A_87 = arith.constant 0 : index
    %get3A_88 = arith.constant 10 : index
    %get3A_89 = arith.constant 0 : index
    %get3A_90 = vector.load %arg1[%get3A_87, %get3A_88, %get3A_89] : memref<50x64x128xf32, #tpu.memory_space<vmem>>, vector<50x1x128xf32>
    %get3A_91 = vector.shape_cast %get3A_90 : vector<50x1x128xf32> to vector<50x128xf32>
    %transpose3A_92 = tpu.transpose %get3A_91, [1, 0] : vector<50x128xf32> -> vector<128x50xf32>
    %swap3A_93 = arith.constant 1280 : index
    %swap3A_94 = arith.constant 0 : index
    %swap3A_95 = vector.load %arg2[%swap3A_93, %swap3A_94] : memref<8192x50xf32, #tpu.memory_space<vmem>>, vector<128x50xf32>
    tpu.vector_store %arg2[%swap3A_93, %swap3A_94], %transpose3A_92 {strides = array<i32>} : memref<8192x50xf32, #tpu.memory_space<vmem>>, vector<128x50xf32>,
    %get3A_96 = arith.constant 0 : index
    %get3A_97 = arith.constant 11 : index
    %get3A_98 = arith.constant 0 : index
    %get3A_99 = vector.load %arg1[%get3A_96, %get3A_97, %get3A_98] : memref<50x64x128xf32, #tpu.memory_space<vmem>>, vector<50x1x128xf32>
    %get3A_100 = vector.shape_cast %get3A_99 : vector<50x1x128xf32> to vector<50x128xf32>
    %transpose3A_101 = tpu.transpose %get3A_100, [1, 0] : vector<50x128xf32> -> vector<128x50xf32>
    %swap3A_102 = arith.constant 1408 : index
    %swap3A_103 = arith.constant 0 : index
    %swap3A_104 = vector.load %arg2[%swap3A_102, %swap3A_103] : memref<8192x50xf32, #tpu.memory_space<vmem>>, vector<128x50xf32>
    tpu.vector_store %arg2[%swap3A_102, %swap3A_103], %transpose3A_101 {strides = array<i32>} : memref<8192x50xf32, #tpu.memory_space<vmem>>, vector<128x50xf32>,
    %get3A_105 = arith.constant 0 : index
    %get3A_106 = arith.constant 12 : index
    %get3A_107 = arith.constant 0 : index
    %get3A_108 = vector.load %arg1[%get3A_105, %get3A_106, %get3A_107] : memref<50x64x128xf32, #tpu.memory_space<vmem>>, vector<50x1x128xf32>
    %get3A_109 = vector.shape_cast %get3A_108 : vector<50x1x128xf32> to vector<50x128xf32>
    %transpose3A_110 = tpu.transpose %get3A_109, [1, 0] : vector<50x128xf32> -> vector<128x50xf32>
    %swap3A_111 = arith.constant 1536 : index
    %swap3A_112 = arith.constant 0 : index
    %swap3A_113 = vector.load %arg2[%swap3A_111, %swap3A_112] : memref<8192x50xf32, #tpu.memory_space<vmem>>, vector<128x50xf32>
    tpu.vector_store %arg2[%swap3A_111, %swap3A_112], %transpose3A_110 {strides = array<i32>} : memref<8192x50xf32, #tpu.memory_space<vmem>>, vector<128x50xf32>,
    %get3A_114 = arith.constant 0 : index
    %get3A_115 = arith.constant 13 : index
    %get3A_116 = arith.constant 0 : index
    %get3A_117 = vector.load %arg1[%get3A_114, %get3A_115, %get3A_116] : memref<50x64x128xf32, #tpu.memory_space<vmem>>, vector<50x1x128xf32>
    %get3A_118 = vector.shape_cast %get3A_117 : vector<50x1x128xf32> to vector<50x128xf32>
    %transpose3A_119 = tpu.transpose %get3A_118, [1, 0] : vector<50x128xf32> -> vector<128x50xf32>
    %swap3A_120 = arith.constant 1664 : index
    %swap3A_121 = arith.constant 0 : index
    %swap3A_122 = vector.load %arg2[%swap3A_120, %swap3A_121] : memref<8192x50xf32, #tpu.memory_space<vmem>>, vector<128x50xf32>
    tpu.vector_store %arg2[%swap3A_120, %swap3A_121], %transpose3A_119 {strides = array<i32>} : memref<8192x50xf32, #tpu.memory_space<vmem>>, vector<128x50xf32>,
    %get3A_123 = arith.constant 0 : index
    %get3A_124 = arith.constant 14 : index
    %get3A_125 = arith.constant 0 : index
    %get3A_126 = vector.load %arg1[%get3A_123, %get3A_124, %get3A_125] : memref<50x64x128xf32, #tpu.memory_space<vmem>>, vector<50x1x128xf32>
    %get3A_127 = vector.shape_cast %get3A_126 : vector<50x1x128xf32> to vector<50x128xf32>
    %transpose3A_128 = tpu.transpose %get3A_127, [1, 0] : vector<50x128xf32> -> vector<128x50xf32>
    %swap3A_129 = arith.constant 1792 : index
    %swap3A_130 = arith.constant 0 : index
    %swap3A_131 = vector.load %arg2[%swap3A_129, %swap3A_130] : memref<8192x50xf32, #tpu.memory_space<vmem>>, vector<128x50xf32>
    tpu.vector_store %arg2[%swap3A_129, %swap3A_130], %transpose3A_128 {strides = array<i32>} : memref<8192x50xf32, #tpu.memory_space<vmem>>, vector<128x50xf32>,
    %get3A_132 = arith.constant 0 : index
    %get3A_133 = arith.constant 15 : index
    %get3A_134 = arith.constant 0 : index
    %get3A_135 = vector.load %arg1[%get3A_132, %get3A_133, %get3A_134] : memref<50x64x128xf32, #tpu.memory_space<vmem>>, vector<50x1x128xf32>
    %get3A_136 = vector.shape_cast %get3A_135 : vector<50x1x128xf32> to vector<50x128xf32>
    %transpose3A_137 = tpu.transpose %get3A_136, [1, 0] : vector<50x128xf32> -> vector<128x50xf32>
    %swap3A_138 = arith.constant 1920 : index
    %swap3A_139 = arith.constant 0 : index
    %swap3A_140 = vector.load %arg2[%swap3A_138, %swap3A_139] : memref<8192x50xf32, #tpu.memory_space<vmem>>, vector<128x50xf32>
    tpu.vector_store %arg2[%swap3A_138, %swap3A_139], %transpose3A_137 {strides = array<i32>} : memref<8192x50xf32, #tpu.memory_space<vmem>>, vector<128x50xf32>,
    %get3A_141 = arith.constant 0 : index
    %get3A_142 = arith.constant 16 : index
    %get3A_143 = arith.constant 0 : index
    %get3A_144 = vector.load %arg1[%get3A_141, %get3A_142, %get3A_143] : memref<50x64x128xf32, #tpu.memory_space<vmem>>, vector<50x1x128xf32>
    %get3A_145 = vector.shape_cast %get3A_144 : vector<50x1x128xf32> to vector<50x128xf32>
    %transpose3A_146 = tpu.transpose %get3A_145, [1, 0] : vector<50x128xf32> -> vector<128x50xf32>
    %swap3A_147 = arith.constant 2048 : index
    %swap3A_148 = arith.constant 0 : index
    %swap3A_149 = vector.load %arg2[%swap3A_147, %swap3A_148] : memref<8192x50xf32, #tpu.memory_space<vmem>>, vector<128x50xf32>
    tpu.vector_store %arg2[%swap3A_147, %swap3A_148], %transpose3A_146 {strides = array<i32>} : memref<8192x50xf32, #tpu.memory_space<vmem>>, vector<128x50xf32>,
    %get3A_150 = arith.constant 0 : index
    %get3A_151 = arith.constant 17 : index
    %get3A_152 = arith.constant 0 : index
    %get3A_153 = vector.load %arg1[%get3A_150, %get3A_151, %get3A_152] : memref<50x64x128xf32, #tpu.memory_space<vmem>>, vector<50x1x128xf32>
    %get3A_154 = vector.shape_cast %get3A_153 : vector<50x1x128xf32> to vector<50x128xf32>
    %transpose3A_155 = tpu.transpose %get3A_154, [1, 0] : vector<50x128xf32> -> vector<128x50xf32>
    %swap3A_156 = arith.constant 2176 : index
    %swap3A_157 = arith.constant 0 : index
    %swap3A_158 = vector.load %arg2[%swap3A_156, %swap3A_157] : memref<8192x50xf32, #tpu.memory_space<vmem>>, vector<128x50xf32>
    tpu.vector_store %arg2[%swap3A_156, %swap3A_157], %transpose3A_155 {strides = array<i32>} : memref<8192x50xf32, #tpu.memory_space<vmem>>, vector<128x50xf32>,
    %get3A_159 = arith.constant 0 : index
    %get3A_160 = arith.constant 18 : index
    %get3A_161 = arith.constant 0 : index
    %get3A_162 = vector.load %arg1[%get3A_159, %get3A_160, %get3A_161] : memref<50x64x128xf32, #tpu.memory_space<vmem>>, vector<50x1x128xf32>
    %get3A_163 = vector.shape_cast %get3A_162 : vector<50x1x128xf32> to vector<50x128xf32>
    %transpose3A_164 = tpu.transpose %get3A_163, [1, 0] : vector<50x128xf32> -> vector<128x50xf32>
    %swap3A_165 = arith.constant 2304 : index
    %swap3A_166 = arith.constant 0 : index
    %swap3A_167 = vector.load %arg2[%swap3A_165, %swap3A_166] : memref<8192x50xf32, #tpu.memory_space<vmem>>, vector<128x50xf32>
    tpu.vector_store %arg2[%swap3A_165, %swap3A_166], %transpose3A_164 {strides = array<i32>} : memref<8192x50xf32, #tpu.memory_space<vmem>>, vector<128x50xf32>,
    %get3A_168 = arith.constant 0 : index
    %get3A_169 = arith.constant 19 : index
    %get3A_170 = arith.constant 0 : index
    %get3A_171 = vector.load %arg1[%get3A_168, %get3A_169, %get3A_170] : memref<50x64x128xf32, #tpu.memory_space<vmem>>, vector<50x1x128xf32>
    %get3A_172 = vector.shape_cast %get3A_171 : vector<50x1x128xf32> to vector<50x128xf32>
    %transpose3A_173 = tpu.transpose %get3A_172, [1, 0] : vector<50x128xf32> -> vector<128x50xf32>
    %swap3A_174 = arith.constant 2432 : index
    %swap3A_175 = arith.constant 0 : index
    %swap3A_176 = vector.load %arg2[%swap3A_174, %swap3A_175] : memref<8192x50xf32, #tpu.memory_space<vmem>>, vector<128x50xf32>
    tpu.vector_store %arg2[%swap3A_174, %swap3A_175], %transpose3A_173 {strides = array<i32>} : memref<8192x50xf32, #tpu.memory_space<vmem>>, vector<128x50xf32>,
    %get3A_177 = arith.constant 0 : index
    %get3A_178 = arith.constant 20 : index
    %get3A_179 = arith.constant 0 : index
    %get3A_180 = vector.load %arg1[%get3A_177, %get3A_178, %get3A_179] : memref<50x64x128xf32, #tpu.memory_space<vmem>>, vector<50x1x128xf32>
    %get3A_181 = vector.shape_cast %get3A_180 : vector<50x1x128xf32> to vector<50x128xf32>
    %transpose3A_182 = tpu.transpose %get3A_181, [1, 0] : vector<50x128xf32> -> vector<128x50xf32>
    %swap3A_183 = arith.constant 2560 : index
    %swap3A_184 = arith.constant 0 : index
    %swap3A_185 = vector.load %arg2[%swap3A_183, %swap3A_184] : memref<8192x50xf32, #tpu.memory_space<vmem>>, vector<128x50xf32>
    tpu.vector_store %arg2[%swap3A_183, %swap3A_184], %transpose3A_182 {strides = array<i32>} : memref<8192x50xf32, #tpu.memory_space<vmem>>, vector<128x50xf32>,
    %get3A_186 = arith.constant 0 : index
    %get3A_187 = arith.constant 21 : index
    %get3A_188 = arith.constant 0 : index
    %get3A_189 = vector.load %arg1[%get3A_186, %get3A_187, %get3A_188] : memref<50x64x128xf32, #tpu.memory_space<vmem>>, vector<50x1x128xf32>
    %get3A_190 = vector.shape_cast %get3A_189 : vector<50x1x128xf32> to vector<50x128xf32>
    %transpose3A_191 = tpu.transpose %get3A_190, [1, 0] : vector<50x128xf32> -> vector<128x50xf32>
    %swap3A_192 = arith.constant 2688 : index
    %swap3A_193 = arith.constant 0 : index
    %swap3A_194 = vector.load %arg2[%swap3A_192, %swap3A_193] : memref<8192x50xf32, #tpu.memory_space<vmem>>, vector<128x50xf32>
    tpu.vector_store %arg2[%swap3A_192, %swap3A_193], %transpose3A_191 {strides = array<i32>} : memref<8192x50xf32, #tpu.memory_space<vmem>>, vector<128x50xf32>,
    %get3A_195 = arith.constant 0 : index
    %get3A_196 = arith.constant 22 : index
    %get3A_197 = arith.constant 0 : index
    %get3A_198 = vector.load %arg1[%get3A_195, %get3A_196, %get3A_197] : memref<50x64x128xf32, #tpu.memory_space<vmem>>, vector<50x1x128xf32>
    %get3A_199 = vector.shape_cast %get3A_198 : vector<50x1x128xf32> to vector<50x128xf32>
    %transpose3A_200 = tpu.transpose %get3A_199, [1, 0] : vector<50x128xf32> -> vector<128x50xf32>
    %swap3A_201 = arith.constant 2816 : index
    %swap3A_202 = arith.constant 0 : index
    %swap3A_203 = vector.load %arg2[%swap3A_201, %swap3A_202] : memref<8192x50xf32, #tpu.memory_space<vmem>>, vector<128x50xf32>
    tpu.vector_store %arg2[%swap3A_201, %swap3A_202], %transpose3A_200 {strides = array<i32>} : memref<8192x50xf32, #tpu.memory_space<vmem>>, vector<128x50xf32>,
    %get3A_204 = arith.constant 0 : index
    %get3A_205 = arith.constant 23 : index
    %get3A_206 = arith.constant 0 : index
    %get3A_207 = vector.load %arg1[%get3A_204, %get3A_205, %get3A_206] : memref<50x64x128xf32, #tpu.memory_space<vmem>>, vector<50x1x128xf32>
    %get3A_208 = vector.shape_cast %get3A_207 : vector<50x1x128xf32> to vector<50x128xf32>
    %transpose3A_209 = tpu.transpose %get3A_208, [1, 0] : vector<50x128xf32> -> vector<128x50xf32>
    %swap3A_210 = arith.constant 2944 : index
    %swap3A_211 = arith.constant 0 : index
    %swap3A_212 = vector.load %arg2[%swap3A_210, %swap3A_211] : memref<8192x50xf32, #tpu.memory_space<vmem>>, vector<128x50xf32>
    tpu.vector_store %arg2[%swap3A_210, %swap3A_211], %transpose3A_209 {strides = array<i32>} : memref<8192x50xf32, #tpu.memory_space<vmem>>, vector<128x50xf32>,
    %get3A_213 = arith.constant 0 : index
    %get3A_214 = arith.constant 24 : index
    %get3A_215 = arith.constant 0 : index
    %get3A_216 = vector.load %arg1[%get3A_213, %get3A_214, %get3A_215] : memref<50x64x128xf32, #tpu.memory_space<vmem>>, vector<50x1x128xf32>
    %get3A_217 = vector.shape_cast %get3A_216 : vector<50x1x128xf32> to vector<50x128xf32>
    %transpose3A_218 = tpu.transpose %get3A_217, [1, 0] : vector<50x128xf32> -> vector<128x50xf32>
    %swap3A_219 = arith.constant 3072 : index
    %swap3A_220 = arith.constant 0 : index
    %swap3A_221 = vector.load %arg2[%swap3A_219, %swap3A_220] : memref<8192x50xf32, #tpu.memory_space<vmem>>, vector<128x50xf32>
    tpu.vector_store %arg2[%swap3A_219, %swap3A_220], %transpose3A_218 {strides = array<i32>} : memref<8192x50xf32, #tpu.memory_space<vmem>>, vector<128x50xf32>,
    %get3A_222 = arith.constant 0 : index
    %get3A_223 = arith.constant 25 : index
    %get3A_224 = arith.constant 0 : index
    %get3A_225 = vector.load %arg1[%get3A_222, %get3A_223, %get3A_224] : memref<50x64x128xf32, #tpu.memory_space<vmem>>, vector<50x1x128xf32>
    %get3A_226 = vector.shape_cast %get3A_225 : vector<50x1x128xf32> to vector<50x128xf32>
    %transpose3A_227 = tpu.transpose %get3A_226, [1, 0] : vector<50x128xf32> -> vector<128x50xf32>
    %swap3A_228 = arith.constant 3200 : index
    %swap3A_229 = arith.constant 0 : index
    %swap3A_230 = vector.load %arg2[%swap3A_228, %swap3A_229] : memref<8192x50xf32, #tpu.memory_space<vmem>>, vector<128x50xf32>
    tpu.vector_store %arg2[%swap3A_228, %swap3A_229], %transpose3A_227 {strides = array<i32>} : memref<8192x50xf32, #tpu.memory_space<vmem>>, vector<128x50xf32>,
    %get3A_231 = arith.constant 0 : index
    %get3A_232 = arith.constant 26 : index
    %get3A_233 = arith.constant 0 : index
    %get3A_234 = vector.load %arg1[%get3A_231, %get3A_232, %get3A_233] : memref<50x64x128xf32, #tpu.memory_space<vmem>>, vector<50x1x128xf32>
    %get3A_235 = vector.shape_cast %get3A_234 : vector<50x1x128xf32> to vector<50x128xf32>
    %transpose3A_236 = tpu.transpose %get3A_235, [1, 0] : vector<50x128xf32> -> vector<128x50xf32>
    %swap3A_237 = arith.constant 3328 : index
    %swap3A_238 = arith.constant 0 : index
    %swap3A_239 = vector.load %arg2[%swap3A_237, %swap3A_238] : memref<8192x50xf32, #tpu.memory_space<vmem>>, vector<128x50xf32>
    tpu.vector_store %arg2[%swap3A_237, %swap3A_238], %transpose3A_236 {strides = array<i32>} : memref<8192x50xf32, #tpu.memory_space<vmem>>, vector<128x50xf32>,
    %get3A_240 = arith.constant 0 : index
    %get3A_241 = arith.constant 27 : index
    %get3A_242 = arith.constant 0 : index
    %get3A_243 = vector.load %arg1[%get3A_240, %get3A_241, %get3A_242] : memref<50x64x128xf32, #tpu.memory_space<vmem>>, vector<50x1x128xf32>
    %get3A_244 = vector.shape_cast %get3A_243 : vector<50x1x128xf32> to vector<50x128xf32>
    %transpose3A_245 = tpu.transpose %get3A_244, [1, 0] : vector<50x128xf32> -> vector<128x50xf32>
    %swap3A_246 = arith.constant 3456 : index
    %swap3A_247 = arith.constant 0 : index
    %swap3A_248 = vector.load %arg2[%swap3A_246, %swap3A_247] : memref<8192x50xf32, #tpu.memory_space<vmem>>, vector<128x50xf32>
    tpu.vector_store %arg2[%swap3A_246, %swap3A_247], %transpose3A_245 {strides = array<i32>} : memref<8192x50xf32, #tpu.memory_space<vmem>>, vector<128x50xf32>,
    %get3A_249 = arith.constant 0 : index
    %get3A_250 = arith.constant 28 : index
    %get3A_251 = arith.constant 0 : index
    %get3A_252 = vector.load %arg1[%get3A_249, %get3A_250, %get3A_251] : memref<50x64x128xf32, #tpu.memory_space<vmem>>, vector<50x1x128xf32>
    %get3A_253 = vector.shape_cast %get3A_252 : vector<50x1x128xf32> to vector<50x128xf32>
    %transpose3A_254 = tpu.transpose %get3A_253, [1, 0] : vector<50x128xf32> -> vector<128x50xf32>
    %swap3A_255 = arith.constant 3584 : index
    %swap3A_256 = arith.constant 0 : index
    %swap3A_257 = vector.load %arg2[%swap3A_255, %swap3A_256] : memref<8192x50xf32, #tpu.memory_space<vmem>>, vector<128x50xf32>
    tpu.vector_store %arg2[%swap3A_255, %swap3A_256], %transpose3A_254 {strides = array<i32>} : memref<8192x50xf32, #tpu.memory_space<vmem>>, vector<128x50xf32>,
    %get3A_258 = arith.constant 0 : index
    %get3A_259 = arith.constant 29 : index
    %get3A_260 = arith.constant 0 : index
    %get3A_261 = vector.load %arg1[%get3A_258, %get3A_259, %get3A_260] : memref<50x64x128xf32, #tpu.memory_space<vmem>>, vector<50x1x128xf32>
    %get3A_262 = vector.shape_cast %get3A_261 : vector<50x1x128xf32> to vector<50x128xf32>
    %transpose3A_263 = tpu.transpose %get3A_262, [1, 0] : vector<50x128xf32> -> vector<128x50xf32>
    %swap3A_264 = arith.constant 3712 : index
    %swap3A_265 = arith.constant 0 : index
    %swap3A_266 = vector.load %arg2[%swap3A_264, %swap3A_265] : memref<8192x50xf32, #tpu.memory_space<vmem>>, vector<128x50xf32>
    tpu.vector_store %arg2[%swap3A_264, %swap3A_265], %transpose3A_263 {strides = array<i32>} : memref<8192x50xf32, #tpu.memory_space<vmem>>, vector<128x50xf32>,
    %get3A_267 = arith.constant 0 : index
    %get3A_268 = arith.constant 30 : index
    %get3A_269 = arith.constant 0 : index
    %get3A_270 = vector.load %arg1[%get3A_267, %get3A_268, %get3A_269] : memref<50x64x128xf32, #tpu.memory_space<vmem>>, vector<50x1x128xf32>
    %get3A_271 = vector.shape_cast %get3A_270 : vector<50x1x128xf32> to vector<50x128xf32>
    %transpose3A_272 = tpu.transpose %get3A_271, [1, 0] : vector<50x128xf32> -> vector<128x50xf32>
    %swap3A_273 = arith.constant 3840 : index
    %swap3A_274 = arith.constant 0 : index
    %swap3A_275 = vector.load %arg2[%swap3A_273, %swap3A_274] : memref<8192x50xf32, #tpu.memory_space<vmem>>, vector<128x50xf32>
    tpu.vector_store %arg2[%swap3A_273, %swap3A_274], %transpose3A_272 {strides = array<i32>} : memref<8192x50xf32, #tpu.memory_space<vmem>>, vector<128x50xf32>,
    %get3A_276 = arith.constant 0 : index
    %get3A_277 = arith.constant 31 : index
    %get3A_278 = arith.constant 0 : index
    %get3A_279 = vector.load %arg1[%get3A_276, %get3A_277, %get3A_278] : memref<50x64x128xf32, #tpu.memory_space<vmem>>, vector<50x1x128xf32>
    %get3A_280 = vector.shape_cast %get3A_279 : vector<50x1x128xf32> to vector<50x128xf32>
    %transpose3A_281 = tpu.transpose %get3A_280, [1, 0] : vector<50x128xf32> -> vector<128x50xf32>
    %swap3A_282 = arith.constant 3968 : index
    %swap3A_283 = arith.constant 0 : index
    %swap3A_284 = vector.load %arg2[%swap3A_282, %swap3A_283] : memref<8192x50xf32, #tpu.memory_space<vmem>>, vector<128x50xf32>
    tpu.vector_store %arg2[%swap3A_282, %swap3A_283], %transpose3A_281 {strides = array<i32>} : memref<8192x50xf32, #tpu.memory_space<vmem>>, vector<128x50xf32>,
    %get3A_285 = arith.constant 0 : index
    %get3A_286 = arith.constant 32 : index
    %get3A_287 = arith.constant 0 : index
    %get3A_288 = vector.load %arg1[%get3A_285, %get3A_286, %get3A_287] : memref<50x64x128xf32, #tpu.memory_space<vmem>>, vector<50x1x128xf32>
    %get3A_289 = vector.shape_cast %get3A_288 : vector<50x1x128xf32> to vector<50x128xf32>
    %transpose3A_290 = tpu.transpose %get3A_289, [1, 0] : vector<50x128xf32> -> vector<128x50xf32>
    %swap3A_291 = arith.constant 4096 : index
    %swap3A_292 = arith.constant 0 : index
    %swap3A_293 = vector.load %arg2[%swap3A_291, %swap3A_292] : memref<8192x50xf32, #tpu.memory_space<vmem>>, vector<128x50xf32>
    tpu.vector_store %arg2[%swap3A_291, %swap3A_292], %transpose3A_290 {strides = array<i32>} : memref<8192x50xf32, #tpu.memory_space<vmem>>, vector<128x50xf32>,
    %get3A_294 = arith.constant 0 : index
    %get3A_295 = arith.constant 33 : index
    %get3A_296 = arith.constant 0 : index
    %get3A_297 = vector.load %arg1[%get3A_294, %get3A_295, %get3A_296] : memref<50x64x128xf32, #tpu.memory_space<vmem>>, vector<50x1x128xf32>
    %get3A_298 = vector.shape_cast %get3A_297 : vector<50x1x128xf32> to vector<50x128xf32>
    %transpose3A_299 = tpu.transpose %get3A_298, [1, 0] : vector<50x128xf32> -> vector<128x50xf32>
    %swap3A_300 = arith.constant 4224 : index
    %swap3A_301 = arith.constant 0 : index
    %swap3A_302 = vector.load %arg2[%swap3A_300, %swap3A_301] : memref<8192x50xf32, #tpu.memory_space<vmem>>, vector<128x50xf32>
    tpu.vector_store %arg2[%swap3A_300, %swap3A_301], %transpose3A_299 {strides = array<i32>} : memref<8192x50xf32, #tpu.memory_space<vmem>>, vector<128x50xf32>,
    %get3A_303 = arith.constant 0 : index
    %get3A_304 = arith.constant 34 : index
    %get3A_305 = arith.constant 0 : index
    %get3A_306 = vector.load %arg1[%get3A_303, %get3A_304, %get3A_305] : memref<50x64x128xf32, #tpu.memory_space<vmem>>, vector<50x1x128xf32>
    %get3A_307 = vector.shape_cast %get3A_306 : vector<50x1x128xf32> to vector<50x128xf32>
    %transpose3A_308 = tpu.transpose %get3A_307, [1, 0] : vector<50x128xf32> -> vector<128x50xf32>
    %swap3A_309 = arith.constant 4352 : index
    %swap3A_310 = arith.constant 0 : index
    %swap3A_311 = vector.load %arg2[%swap3A_309, %swap3A_310] : memref<8192x50xf32, #tpu.memory_space<vmem>>, vector<128x50xf32>
    tpu.vector_store %arg2[%swap3A_309, %swap3A_310], %transpose3A_308 {strides = array<i32>} : memref<8192x50xf32, #tpu.memory_space<vmem>>, vector<128x50xf32>,
    %get3A_312 = arith.constant 0 : index
    %get3A_313 = arith.constant 35 : index
    %get3A_314 = arith.constant 0 : index
    %get3A_315 = vector.load %arg1[%get3A_312, %get3A_313, %get3A_314] : memref<50x64x128xf32, #tpu.memory_space<vmem>>, vector<50x1x128xf32>
    %get3A_316 = vector.shape_cast %get3A_315 : vector<50x1x128xf32> to vector<50x128xf32>
    %transpose3A_317 = tpu.transpose %get3A_316, [1, 0] : vector<50x128xf32> -> vector<128x50xf32>
    %swap3A_318 = arith.constant 4480 : index
    %swap3A_319 = arith.constant 0 : index
    %swap3A_320 = vector.load %arg2[%swap3A_318, %swap3A_319] : memref<8192x50xf32, #tpu.memory_space<vmem>>, vector<128x50xf32>
    tpu.vector_store %arg2[%swap3A_318, %swap3A_319], %transpose3A_317 {strides = array<i32>} : memref<8192x50xf32, #tpu.memory_space<vmem>>, vector<128x50xf32>,
    %get3A_321 = arith.constant 0 : index
    %get3A_322 = arith.constant 36 : index
    %get3A_323 = arith.constant 0 : index
    %get3A_324 = vector.load %arg1[%get3A_321, %get3A_322, %get3A_323] : memref<50x64x128xf32, #tpu.memory_space<vmem>>, vector<50x1x128xf32>
    %get3A_325 = vector.shape_cast %get3A_324 : vector<50x1x128xf32> to vector<50x128xf32>
    %transpose3A_326 = tpu.transpose %get3A_325, [1, 0] : vector<50x128xf32> -> vector<128x50xf32>
    %swap3A_327 = arith.constant 4608 : index
    %swap3A_328 = arith.constant 0 : index
    %swap3A_329 = vector.load %arg2[%swap3A_327, %swap3A_328] : memref<8192x50xf32, #tpu.memory_space<vmem>>, vector<128x50xf32>
    tpu.vector_store %arg2[%swap3A_327, %swap3A_328], %transpose3A_326 {strides = array<i32>} : memref<8192x50xf32, #tpu.memory_space<vmem>>, vector<128x50xf32>,
    %get3A_330 = arith.constant 0 : index
    %get3A_331 = arith.constant 37 : index
    %get3A_332 = arith.constant 0 : index
    %get3A_333 = vector.load %arg1[%get3A_330, %get3A_331, %get3A_332] : memref<50x64x128xf32, #tpu.memory_space<vmem>>, vector<50x1x128xf32>
    %get3A_334 = vector.shape_cast %get3A_333 : vector<50x1x128xf32> to vector<50x128xf32>
    %transpose3A_335 = tpu.transpose %get3A_334, [1, 0] : vector<50x128xf32> -> vector<128x50xf32>
    %swap3A_336 = arith.constant 4736 : index
    %swap3A_337 = arith.constant 0 : index
    %swap3A_338 = vector.load %arg2[%swap3A_336, %swap3A_337] : memref<8192x50xf32, #tpu.memory_space<vmem>>, vector<128x50xf32>
    tpu.vector_store %arg2[%swap3A_336, %swap3A_337], %transpose3A_335 {strides = array<i32>} : memref<8192x50xf32, #tpu.memory_space<vmem>>, vector<128x50xf32>,
    %get3A_339 = arith.constant 0 : index
    %get3A_340 = arith.constant 38 : index
    %get3A_341 = arith.constant 0 : index
    %get3A_342 = vector.load %arg1[%get3A_339, %get3A_340, %get3A_341] : memref<50x64x128xf32, #tpu.memory_space<vmem>>, vector<50x1x128xf32>
    %get3A_343 = vector.shape_cast %get3A_342 : vector<50x1x128xf32> to vector<50x128xf32>
    %transpose3A_344 = tpu.transpose %get3A_343, [1, 0] : vector<50x128xf32> -> vector<128x50xf32>
    %swap3A_345 = arith.constant 4864 : index
    %swap3A_346 = arith.constant 0 : index
    %swap3A_347 = vector.load %arg2[%swap3A_345, %swap3A_346] : memref<8192x50xf32, #tpu.memory_space<vmem>>, vector<128x50xf32>
    tpu.vector_store %arg2[%swap3A_345, %swap3A_346], %transpose3A_344 {strides = array<i32>} : memref<8192x50xf32, #tpu.memory_space<vmem>>, vector<128x50xf32>,
    %get3A_348 = arith.constant 0 : index
    %get3A_349 = arith.constant 39 : index
    %get3A_350 = arith.constant 0 : index
    %get3A_351 = vector.load %arg1[%get3A_348, %get3A_349, %get3A_350] : memref<50x64x128xf32, #tpu.memory_space<vmem>>, vector<50x1x128xf32>
    %get3A_352 = vector.shape_cast %get3A_351 : vector<50x1x128xf32> to vector<50x128xf32>
    %transpose3A_353 = tpu.transpose %get3A_352, [1, 0] : vector<50x128xf32> -> vector<128x50xf32>
    %swap3A_354 = arith.constant 4992 : index
    %swap3A_355 = arith.constant 0 : index
    %swap3A_356 = vector.load %arg2[%swap3A_354, %swap3A_355] : memref<8192x50xf32, #tpu.memory_space<vmem>>, vector<128x50xf32>
    tpu.vector_store %arg2[%swap3A_354, %swap3A_355], %transpose3A_353 {strides = array<i32>} : memref<8192x50xf32, #tpu.memory_space<vmem>>, vector<128x50xf32>,
    %get3A_357 = arith.constant 0 : index
    %get3A_358 = arith.constant 40 : index
    %get3A_359 = arith.constant 0 : index
    %get3A_360 = vector.load %arg1[%get3A_357, %get3A_358, %get3A_359] : memref<50x64x128xf32, #tpu.memory_space<vmem>>, vector<50x1x128xf32>
    %get3A_361 = vector.shape_cast %get3A_360 : vector<50x1x128xf32> to vector<50x128xf32>
    %transpose3A_362 = tpu.transpose %get3A_361, [1, 0] : vector<50x128xf32> -> vector<128x50xf32>
    %swap3A_363 = arith.constant 5120 : index
    %swap3A_364 = arith.constant 0 : index
    %swap3A_365 = vector.load %arg2[%swap3A_363, %swap3A_364] : memref<8192x50xf32, #tpu.memory_space<vmem>>, vector<128x50xf32>
    tpu.vector_store %arg2[%swap3A_363, %swap3A_364], %transpose3A_362 {strides = array<i32>} : memref<8192x50xf32, #tpu.memory_space<vmem>>, vector<128x50xf32>,
    %get3A_366 = arith.constant 0 : index
    %get3A_367 = arith.constant 41 : index
    %get3A_368 = arith.constant 0 : index
    %get3A_369 = vector.load %arg1[%get3A_366, %get3A_367, %get3A_368] : memref<50x64x128xf32, #tpu.memory_space<vmem>>, vector<50x1x128xf32>
    %get3A_370 = vector.shape_cast %get3A_369 : vector<50x1x128xf32> to vector<50x128xf32>
    %transpose3A_371 = tpu.transpose %get3A_370, [1, 0] : vector<50x128xf32> -> vector<128x50xf32>
    %swap3A_372 = arith.constant 5248 : index
    %swap3A_373 = arith.constant 0 : index
    %swap3A_374 = vector.load %arg2[%swap3A_372, %swap3A_373] : memref<8192x50xf32, #tpu.memory_space<vmem>>, vector<128x50xf32>
    tpu.vector_store %arg2[%swap3A_372, %swap3A_373], %transpose3A_371 {strides = array<i32>} : memref<8192x50xf32, #tpu.memory_space<vmem>>, vector<128x50xf32>,
    %get3A_375 = arith.constant 0 : index
    %get3A_376 = arith.constant 42 : index
    %get3A_377 = arith.constant 0 : index
    %get3A_378 = vector.load %arg1[%get3A_375, %get3A_376, %get3A_377] : memref<50x64x128xf32, #tpu.memory_space<vmem>>, vector<50x1x128xf32>
    %get3A_379 = vector.shape_cast %get3A_378 : vector<50x1x128xf32> to vector<50x128xf32>
    %transpose3A_380 = tpu.transpose %get3A_379, [1, 0] : vector<50x128xf32> -> vector<128x50xf32>
    %swap3A_381 = arith.constant 5376 : index
    %swap3A_382 = arith.constant 0 : index
    %swap3A_383 = vector.load %arg2[%swap3A_381, %swap3A_382] : memref<8192x50xf32, #tpu.memory_space<vmem>>, vector<128x50xf32>
    tpu.vector_store %arg2[%swap3A_381, %swap3A_382], %transpose3A_380 {strides = array<i32>} : memref<8192x50xf32, #tpu.memory_space<vmem>>, vector<128x50xf32>,
    %get3A_384 = arith.constant 0 : index
    %get3A_385 = arith.constant 43 : index
    %get3A_386 = arith.constant 0 : index
    %get3A_387 = vector.load %arg1[%get3A_384, %get3A_385, %get3A_386] : memref<50x64x128xf32, #tpu.memory_space<vmem>>, vector<50x1x128xf32>
    %get3A_388 = vector.shape_cast %get3A_387 : vector<50x1x128xf32> to vector<50x128xf32>
    %transpose3A_389 = tpu.transpose %get3A_388, [1, 0] : vector<50x128xf32> -> vector<128x50xf32>
    %swap3A_390 = arith.constant 5504 : index
    %swap3A_391 = arith.constant 0 : index
    %swap3A_392 = vector.load %arg2[%swap3A_390, %swap3A_391] : memref<8192x50xf32, #tpu.memory_space<vmem>>, vector<128x50xf32>
    tpu.vector_store %arg2[%swap3A_390, %swap3A_391], %transpose3A_389 {strides = array<i32>} : memref<8192x50xf32, #tpu.memory_space<vmem>>, vector<128x50xf32>,
    %get3A_393 = arith.constant 0 : index
    %get3A_394 = arith.constant 44 : index
    %get3A_395 = arith.constant 0 : index
    %get3A_396 = vector.load %arg1[%get3A_393, %get3A_394, %get3A_395] : memref<50x64x128xf32, #tpu.memory_space<vmem>>, vector<50x1x128xf32>
    %get3A_397 = vector.shape_cast %get3A_396 : vector<50x1x128xf32> to vector<50x128xf32>
    %transpose3A_398 = tpu.transpose %get3A_397, [1, 0] : vector<50x128xf32> -> vector<128x50xf32>
    %swap3A_399 = arith.constant 5632 : index
    %swap3A_400 = arith.constant 0 : index
    %swap3A_401 = vector.load %arg2[%swap3A_399, %swap3A_400] : memref<8192x50xf32, #tpu.memory_space<vmem>>, vector<128x50xf32>
    tpu.vector_store %arg2[%swap3A_399, %swap3A_400], %transpose3A_398 {strides = array<i32>} : memref<8192x50xf32, #tpu.memory_space<vmem>>, vector<128x50xf32>,
    %get3A_402 = arith.constant 0 : index
    %get3A_403 = arith.constant 45 : index
    %get3A_404 = arith.constant 0 : index
    %get3A_405 = vector.load %arg1[%get3A_402, %get3A_403, %get3A_404] : memref<50x64x128xf32, #tpu.memory_space<vmem>>, vector<50x1x128xf32>
    %get3A_406 = vector.shape_cast %get3A_405 : vector<50x1x128xf32> to vector<50x128xf32>
    %transpose3A_407 = tpu.transpose %get3A_406, [1, 0] : vector<50x128xf32> -> vector<128x50xf32>
    %swap3A_408 = arith.constant 5760 : index
    %swap3A_409 = arith.constant 0 : index
    %swap3A_410 = vector.load %arg2[%swap3A_408, %swap3A_409] : memref<8192x50xf32, #tpu.memory_space<vmem>>, vector<128x50xf32>
    tpu.vector_store %arg2[%swap3A_408, %swap3A_409], %transpose3A_407 {strides = array<i32>} : memref<8192x50xf32, #tpu.memory_space<vmem>>, vector<128x50xf32>,
    %get3A_411 = arith.constant 0 : index
    %get3A_412 = arith.constant 46 : index
    %get3A_413 = arith.constant 0 : index
    %get3A_414 = vector.load %arg1[%get3A_411, %get3A_412, %get3A_413] : memref<50x64x128xf32, #tpu.memory_space<vmem>>, vector<50x1x128xf32>
    %get3A_415 = vector.shape_cast %get3A_414 : vector<50x1x128xf32> to vector<50x128xf32>
    %transpose3A_416 = tpu.transpose %get3A_415, [1, 0] : vector<50x128xf32> -> vector<128x50xf32>
    %swap3A_417 = arith.constant 5888 : index
    %swap3A_418 = arith.constant 0 : index
    %swap3A_419 = vector.load %arg2[%swap3A_417, %swap3A_418] : memref<8192x50xf32, #tpu.memory_space<vmem>>, vector<128x50xf32>
    tpu.vector_store %arg2[%swap3A_417, %swap3A_418], %transpose3A_416 {strides = array<i32>} : memref<8192x50xf32, #tpu.memory_space<vmem>>, vector<128x50xf32>,
    %get3A_420 = arith.constant 0 : index
    %get3A_421 = arith.constant 47 : index
    %get3A_422 = arith.constant 0 : index
    %get3A_423 = vector.load %arg1[%get3A_420, %get3A_421, %get3A_422] : memref<50x64x128xf32, #tpu.memory_space<vmem>>, vector<50x1x128xf32>
    %get3A_424 = vector.shape_cast %get3A_423 : vector<50x1x128xf32> to vector<50x128xf32>
    %transpose3A_425 = tpu.transpose %get3A_424, [1, 0] : vector<50x128xf32> -> vector<128x50xf32>
    %swap3A_426 = arith.constant 6016 : index
    %swap3A_427 = arith.constant 0 : index
    %swap3A_428 = vector.load %arg2[%swap3A_426, %swap3A_427] : memref<8192x50xf32, #tpu.memory_space<vmem>>, vector<128x50xf32>
    tpu.vector_store %arg2[%swap3A_426, %swap3A_427], %transpose3A_425 {strides = array<i32>} : memref<8192x50xf32, #tpu.memory_space<vmem>>, vector<128x50xf32>,
    %get3A_429 = arith.constant 0 : index
    %get3A_430 = arith.constant 48 : index
    %get3A_431 = arith.constant 0 : index
    %get3A_432 = vector.load %arg1[%get3A_429, %get3A_430, %get3A_431] : memref<50x64x128xf32, #tpu.memory_space<vmem>>, vector<50x1x128xf32>
    %get3A_433 = vector.shape_cast %get3A_432 : vector<50x1x128xf32> to vector<50x128xf32>
    %transpose3A_434 = tpu.transpose %get3A_433, [1, 0] : vector<50x128xf32> -> vector<128x50xf32>
    %swap3A_435 = arith.constant 6144 : index
    %swap3A_436 = arith.constant 0 : index
    %swap3A_437 = vector.load %arg2[%swap3A_435, %swap3A_436] : memref<8192x50xf32, #tpu.memory_space<vmem>>, vector<128x50xf32>
    tpu.vector_store %arg2[%swap3A_435, %swap3A_436], %transpose3A_434 {strides = array<i32>} : memref<8192x50xf32, #tpu.memory_space<vmem>>, vector<128x50xf32>,
    %get3A_438 = arith.constant 0 : index
    %get3A_439 = arith.constant 49 : index
    %get3A_440 = arith.constant 0 : index
    %get3A_441 = vector.load %arg1[%get3A_438, %get3A_439, %get3A_440] : memref<50x64x128xf32, #tpu.memory_space<vmem>>, vector<50x1x128xf32>
    %get3A_442 = vector.shape_cast %get3A_441 : vector<50x1x128xf32> to vector<50x128xf32>
    %transpose3A_443 = tpu.transpose %get3A_442, [1, 0] : vector<50x128xf32> -> vector<128x50xf32>
    %swap3A_444 = arith.constant 6272 : index
    %swap3A_445 = arith.constant 0 : index
    %swap3A_446 = vector.load %arg2[%swap3A_444, %swap3A_445] : memref<8192x50xf32, #tpu.memory_space<vmem>>, vector<128x50xf32>
    tpu.vector_store %arg2[%swap3A_444, %swap3A_445], %transpose3A_443 {strides = array<i32>} : memref<8192x50xf32, #tpu.memory_space<vmem>>, vector<128x50xf32>,
    %get3A_447 = arith.constant 0 : index
    %get3A_448 = arith.constant 50 : index
    %get3A_449 = arith.constant 0 : index
    %get3A_450 = vector.load %arg1[%get3A_447, %get3A_448, %get3A_449] : memref<50x64x128xf32, #tpu.memory_space<vmem>>, vector<50x1x128xf32>
    %get3A_451 = vector.shape_cast %get3A_450 : vector<50x1x128xf32> to vector<50x128xf32>
    %transpose3A_452 = tpu.transpose %get3A_451, [1, 0] : vector<50x128xf32> -> vector<128x50xf32>
    %swap3A_453 = arith.constant 6400 : index
    %swap3A_454 = arith.constant 0 : index
    %swap3A_455 = vector.load %arg2[%swap3A_453, %swap3A_454] : memref<8192x50xf32, #tpu.memory_space<vmem>>, vector<128x50xf32>
    tpu.vector_store %arg2[%swap3A_453, %swap3A_454], %transpose3A_452 {strides = array<i32>} : memref<8192x50xf32, #tpu.memory_space<vmem>>, vector<128x50xf32>,
    %get3A_456 = arith.constant 0 : index
    %get3A_457 = arith.constant 51 : index
    %get3A_458 = arith.constant 0 : index
    %get3A_459 = vector.load %arg1[%get3A_456, %get3A_457, %get3A_458] : memref<50x64x128xf32, #tpu.memory_space<vmem>>, vector<50x1x128xf32>
    %get3A_460 = vector.shape_cast %get3A_459 : vector<50x1x128xf32> to vector<50x128xf32>
    %transpose3A_461 = tpu.transpose %get3A_460, [1, 0] : vector<50x128xf32> -> vector<128x50xf32>
    %swap3A_462 = arith.constant 6528 : index
    %swap3A_463 = arith.constant 0 : index
    %swap3A_464 = vector.load %arg2[%swap3A_462, %swap3A_463] : memref<8192x50xf32, #tpu.memory_space<vmem>>, vector<128x50xf32>
    tpu.vector_store %arg2[%swap3A_462, %swap3A_463], %transpose3A_461 {strides = array<i32>} : memref<8192x50xf32, #tpu.memory_space<vmem>>, vector<128x50xf32>,
    %get3A_465 = arith.constant 0 : index
    %get3A_466 = arith.constant 52 : index
    %get3A_467 = arith.constant 0 : index
    %get3A_468 = vector.load %arg1[%get3A_465, %get3A_466, %get3A_467] : memref<50x64x128xf32, #tpu.memory_space<vmem>>, vector<50x1x128xf32>
    %get3A_469 = vector.shape_cast %get3A_468 : vector<50x1x128xf32> to vector<50x128xf32>
    %transpose3A_470 = tpu.transpose %get3A_469, [1, 0] : vector<50x128xf32> -> vector<128x50xf32>
    %swap3A_471 = arith.constant 6656 : index
    %swap3A_472 = arith.constant 0 : index
    %swap3A_473 = vector.load %arg2[%swap3A_471, %swap3A_472] : memref<8192x50xf32, #tpu.memory_space<vmem>>, vector<128x50xf32>
    tpu.vector_store %arg2[%swap3A_471, %swap3A_472], %transpose3A_470 {strides = array<i32>} : memref<8192x50xf32, #tpu.memory_space<vmem>>, vector<128x50xf32>,
    %get3A_474 = arith.constant 0 : index
    %get3A_475 = arith.constant 53 : index
    %get3A_476 = arith.constant 0 : index
    %get3A_477 = vector.load %arg1[%get3A_474, %get3A_475, %get3A_476] : memref<50x64x128xf32, #tpu.memory_space<vmem>>, vector<50x1x128xf32>
    %get3A_478 = vector.shape_cast %get3A_477 : vector<50x1x128xf32> to vector<50x128xf32>
    %transpose3A_479 = tpu.transpose %get3A_478, [1, 0] : vector<50x128xf32> -> vector<128x50xf32>
    %swap3A_480 = arith.constant 6784 : index
    %swap3A_481 = arith.constant 0 : index
    %swap3A_482 = vector.load %arg2[%swap3A_480, %swap3A_481] : memref<8192x50xf32, #tpu.memory_space<vmem>>, vector<128x50xf32>
    tpu.vector_store %arg2[%swap3A_480, %swap3A_481], %transpose3A_479 {strides = array<i32>} : memref<8192x50xf32, #tpu.memory_space<vmem>>, vector<128x50xf32>,
    %get3A_483 = arith.constant 0 : index
    %get3A_484 = arith.constant 54 : index
    %get3A_485 = arith.constant 0 : index
    %get3A_486 = vector.load %arg1[%get3A_483, %get3A_484, %get3A_485] : memref<50x64x128xf32, #tpu.memory_space<vmem>>, vector<50x1x128xf32>
    %get3A_487 = vector.shape_cast %get3A_486 : vector<50x1x128xf32> to vector<50x128xf32>
    %transpose3A_488 = tpu.transpose %get3A_487, [1, 0] : vector<50x128xf32> -> vector<128x50xf32>
    %swap3A_489 = arith.constant 6912 : index
    %swap3A_490 = arith.constant 0 : index
    %swap3A_491 = vector.load %arg2[%swap3A_489, %swap3A_490] : memref<8192x50xf32, #tpu.memory_space<vmem>>, vector<128x50xf32>
    tpu.vector_store %arg2[%swap3A_489, %swap3A_490], %transpose3A_488 {strides = array<i32>} : memref<8192x50xf32, #tpu.memory_space<vmem>>, vector<128x50xf32>,
    %get3A_492 = arith.constant 0 : index
    %get3A_493 = arith.constant 55 : index
    %get3A_494 = arith.constant 0 : index
    %get3A_495 = vector.load %arg1[%get3A_492, %get3A_493, %get3A_494] : memref<50x64x128xf32, #tpu.memory_space<vmem>>, vector<50x1x128xf32>
    %get3A_496 = vector.shape_cast %get3A_495 : vector<50x1x128xf32> to vector<50x128xf32>
    %transpose3A_497 = tpu.transpose %get3A_496, [1, 0] : vector<50x128xf32> -> vector<128x50xf32>
    %swap3A_498 = arith.constant 7040 : index
    %swap3A_499 = arith.constant 0 : index
    %swap3A_500 = vector.load %arg2[%swap3A_498, %swap3A_499] : memref<8192x50xf32, #tpu.memory_space<vmem>>, vector<128x50xf32>
    tpu.vector_store %arg2[%swap3A_498, %swap3A_499], %transpose3A_497 {strides = array<i32>} : memref<8192x50xf32, #tpu.memory_space<vmem>>, vector<128x50xf32>,
    %get3A_501 = arith.constant 0 : index
    %get3A_502 = arith.constant 56 : index
    %get3A_503 = arith.constant 0 : index
    %get3A_504 = vector.load %arg1[%get3A_501, %get3A_502, %get3A_503] : memref<50x64x128xf32, #tpu.memory_space<vmem>>, vector<50x1x128xf32>
    %get3A_505 = vector.shape_cast %get3A_504 : vector<50x1x128xf32> to vector<50x128xf32>
    %transpose3A_506 = tpu.transpose %get3A_505, [1, 0] : vector<50x128xf32> -> vector<128x50xf32>
    %swap3A_507 = arith.constant 7168 : index
    %swap3A_508 = arith.constant 0 : index
    %swap3A_509 = vector.load %arg2[%swap3A_507, %swap3A_508] : memref<8192x50xf32, #tpu.memory_space<vmem>>, vector<128x50xf32>
    tpu.vector_store %arg2[%swap3A_507, %swap3A_508], %transpose3A_506 {strides = array<i32>} : memref<8192x50xf32, #tpu.memory_space<vmem>>, vector<128x50xf32>,
    %get3A_510 = arith.constant 0 : index
    %get3A_511 = arith.constant 57 : index
    %get3A_512 = arith.constant 0 : index
    %get3A_513 = vector.load %arg1[%get3A_510, %get3A_511, %get3A_512] : memref<50x64x128xf32, #tpu.memory_space<vmem>>, vector<50x1x128xf32>
    %get3A_514 = vector.shape_cast %get3A_513 : vector<50x1x128xf32> to vector<50x128xf32>
    %transpose3A_515 = tpu.transpose %get3A_514, [1, 0] : vector<50x128xf32> -> vector<128x50xf32>
    %swap3A_516 = arith.constant 7296 : index
    %swap3A_517 = arith.constant 0 : index
    %swap3A_518 = vector.load %arg2[%swap3A_516, %swap3A_517] : memref<8192x50xf32, #tpu.memory_space<vmem>>, vector<128x50xf32>
    tpu.vector_store %arg2[%swap3A_516, %swap3A_517], %transpose3A_515 {strides = array<i32>} : memref<8192x50xf32, #tpu.memory_space<vmem>>, vector<128x50xf32>,
    %get3A_519 = arith.constant 0 : index
    %get3A_520 = arith.constant 58 : index
    %get3A_521 = arith.constant 0 : index
    %get3A_522 = vector.load %arg1[%get3A_519, %get3A_520, %get3A_521] : memref<50x64x128xf32, #tpu.memory_space<vmem>>, vector<50x1x128xf32>
    %get3A_523 = vector.shape_cast %get3A_522 : vector<50x1x128xf32> to vector<50x128xf32>
    %transpose3A_524 = tpu.transpose %get3A_523, [1, 0] : vector<50x128xf32> -> vector<128x50xf32>
    %swap3A_525 = arith.constant 7424 : index
    %swap3A_526 = arith.constant 0 : index
    %swap3A_527 = vector.load %arg2[%swap3A_525, %swap3A_526] : memref<8192x50xf32, #tpu.memory_space<vmem>>, vector<128x50xf32>
    tpu.vector_store %arg2[%swap3A_525, %swap3A_526], %transpose3A_524 {strides = array<i32>} : memref<8192x50xf32, #tpu.memory_space<vmem>>, vector<128x50xf32>,
    %get3A_528 = arith.constant 0 : index
    %get3A_529 = arith.constant 59 : index
    %get3A_530 = arith.constant 0 : index
    %get3A_531 = vector.load %arg1[%get3A_528, %get3A_529, %get3A_530] : memref<50x64x128xf32, #tpu.memory_space<vmem>>, vector<50x1x128xf32>
    %get3A_532 = vector.shape_cast %get3A_531 : vector<50x1x128xf32> to vector<50x128xf32>
    %transpose3A_533 = tpu.transpose %get3A_532, [1, 0] : vector<50x128xf32> -> vector<128x50xf32>
    %swap3A_534 = arith.constant 7552 : index
    %swap3A_535 = arith.constant 0 : index
    %swap3A_536 = vector.load %arg2[%swap3A_534, %swap3A_535] : memref<8192x50xf32, #tpu.memory_space<vmem>>, vector<128x50xf32>
    tpu.vector_store %arg2[%swap3A_534, %swap3A_535], %transpose3A_533 {strides = array<i32>} : memref<8192x50xf32, #tpu.memory_space<vmem>>, vector<128x50xf32>,
    %get3A_537 = arith.constant 0 : index
    %get3A_538 = arith.constant 60 : index
    %get3A_539 = arith.constant 0 : index
    %get3A_540 = vector.load %arg1[%get3A_537, %get3A_538, %get3A_539] : memref<50x64x128xf32, #tpu.memory_space<vmem>>, vector<50x1x128xf32>
    %get3A_541 = vector.shape_cast %get3A_540 : vector<50x1x128xf32> to vector<50x128xf32>
    %transpose3A_542 = tpu.transpose %get3A_541, [1, 0] : vector<50x128xf32> -> vector<128x50xf32>
    %swap3A_543 = arith.constant 7680 : index
    %swap3A_544 = arith.constant 0 : index
    %swap3A_545 = vector.load %arg2[%swap3A_543, %swap3A_544] : memref<8192x50xf32, #tpu.memory_space<vmem>>, vector<128x50xf32>
    tpu.vector_store %arg2[%swap3A_543, %swap3A_544], %transpose3A_542 {strides = array<i32>} : memref<8192x50xf32, #tpu.memory_space<vmem>>, vector<128x50xf32>,
    %get3A_546 = arith.constant 0 : index
    %get3A_547 = arith.constant 61 : index
    %get3A_548 = arith.constant 0 : index
    %get3A_549 = vector.load %arg1[%get3A_546, %get3A_547, %get3A_548] : memref<50x64x128xf32, #tpu.memory_space<vmem>>, vector<50x1x128xf32>
    %get3A_550 = vector.shape_cast %get3A_549 : vector<50x1x128xf32> to vector<50x128xf32>
    %transpose3A_551 = tpu.transpose %get3A_550, [1, 0] : vector<50x128xf32> -> vector<128x50xf32>
    %swap3A_552 = arith.constant 7808 : index
    %swap3A_553 = arith.constant 0 : index
    %swap3A_554 = vector.load %arg2[%swap3A_552, %swap3A_553] : memref<8192x50xf32, #tpu.memory_space<vmem>>, vector<128x50xf32>
    tpu.vector_store %arg2[%swap3A_552, %swap3A_553], %transpose3A_551 {strides = array<i32>} : memref<8192x50xf32, #tpu.memory_space<vmem>>, vector<128x50xf32>,
    %get3A_555 = arith.constant 0 : index
    %get3A_556 = arith.constant 62 : index
    %get3A_557 = arith.constant 0 : index
    %get3A_558 = vector.load %arg1[%get3A_555, %get3A_556, %get3A_557] : memref<50x64x128xf32, #tpu.memory_space<vmem>>, vector<50x1x128xf32>
    %get3A_559 = vector.shape_cast %get3A_558 : vector<50x1x128xf32> to vector<50x128xf32>
    %transpose3A_560 = tpu.transpose %get3A_559, [1, 0] : vector<50x128xf32> -> vector<128x50xf32>
    %swap3A_561 = arith.constant 7936 : index
    %swap3A_562 = arith.constant 0 : index
    %swap3A_563 = vector.load %arg2[%swap3A_561, %swap3A_562] : memref<8192x50xf32, #tpu.memory_space<vmem>>, vector<128x50xf32>
    tpu.vector_store %arg2[%swap3A_561, %swap3A_562], %transpose3A_560 {strides = array<i32>} : memref<8192x50xf32, #tpu.memory_space<vmem>>, vector<128x50xf32>,
    %get3A_564 = arith.constant 0 : index
    %get3A_565 = arith.constant 63 : index
    %get3A_566 = arith.constant 0 : index
    %get3A_567 = vector.load %arg1[%get3A_564, %get3A_565, %get3A_566] : memref<50x64x128xf32, #tpu.memory_space<vmem>>, vector<50x1x128xf32>
    %get3A_568 = vector.shape_cast %get3A_567 : vector<50x1x128xf32> to vector<50x128xf32>
    %transpose3A_569 = tpu.transpose %get3A_568, [1, 0] : vector<50x128xf32> -> vector<128x50xf32>
    %swap3A_570 = arith.constant 8064 : index
    %swap3A_571 = arith.constant 0 : index
    %swap3A_572 = vector.load %arg2[%swap3A_570, %swap3A_571] : memref<8192x50xf32, #tpu.memory_space<vmem>>, vector<128x50xf32>
    tpu.vector_store %arg2[%swap3A_570, %swap3A_571], %transpose3A_569 {strides = array<i32>} : memref<8192x50xf32, #tpu.memory_space<vmem>>, vector<128x50xf32>,
    return
  }
  func.func @transform_0(%arg0: i32) -> (i32, i32, i32) {
    %c0_i32 = arith.constant 0 : i32
    %c0_i32_0 = arith.constant 0 : i32
    %c0_i32_1 = arith.constant 0 : i32
    return %c0_i32, %arg0, %c0_i32_0 : i32, i32, i32
  }
  func.func @transform_1(%arg0: i32) -> (i32, i32) {
    %c0_i32 = arith.constant 0 : i32
    %c0_i32_0 = arith.constant 0 : i32
    return %arg0, %c0_i32 : i32, i32
  }
}

module attributes {stable_mosaic.version = 14 : i64} {
  func.func @_tr_body2(%arg0: i32, %arg1: memref<50x64x128xf32, #tpu.memory_space<vmem>>, %arg2: memref<3407872x50xf32, #tpu.memory_space<hbm>>, %arg3: memref<8192x50xf32, #tpu.memory_space<vmem>>) attributes {dimension_semantics = [#tpu.dimension_semantics<arbitrary>], iteration_bounds = array<i64: 208>, scalar_prefetch = 0 : i64, scratch_operands = 0 : i64, tpu.core_type = #tpu.core_type<tc>, window_params = [{transform_indices = @transform_0, window_bounds = array<i64: 50, 64, 128>}, {}, {transform_indices = @transform_2, window_bounds = array<i64: 8192, 50>}]} {
    %get3A = arith.constant 0 : index
    %get3A_0 = arith.constant 0 : index
    %get3A_1 = arith.constant 0 : index
    %get3A_2 = vector.load %arg1[%get3A, %get3A_0, %get3A_1] : memref<50x64x128xf32, #tpu.memory_space<vmem>>, vector<50x1x128xf32>
    %get3A_3 = vector.shape_cast %get3A_2 : vector<50x1x128xf32> to vector<50x128xf32>
    %transpose3A = tpu.transpose %get3A_3, [1, 0] : vector<50x128xf32> -> vector<128x50xf32>
    %swap3A = arith.constant 0 : index
    %swap3A_4 = arith.constant 0 : index
    %swap3A_5 = vector.load %arg3[%swap3A, %swap3A_4] : memref<8192x50xf32, #tpu.memory_space<vmem>>, vector<128x50xf32>
    tpu.vector_store %arg3[%swap3A, %swap3A_4], %transpose3A {strides = array<i32>} : memref<8192x50xf32, #tpu.memory_space<vmem>>, vector<128x50xf32>,
    %get3A_6 = arith.constant 0 : index
    %get3A_7 = arith.constant 1 : index
    %get3A_8 = arith.constant 0 : index
    %get3A_9 = vector.load %arg1[%get3A_6, %get3A_7, %get3A_8] : memref<50x64x128xf32, #tpu.memory_space<vmem>>, vector<50x1x128xf32>
    %get3A_10 = vector.shape_cast %get3A_9 : vector<50x1x128xf32> to vector<50x128xf32>
    %transpose3A_11 = tpu.transpose %get3A_10, [1, 0] : vector<50x128xf32> -> vector<128x50xf32>
    %swap3A_12 = arith.constant 128 : index
    %swap3A_13 = arith.constant 0 : index
    %swap3A_14 = vector.load %arg3[%swap3A_12, %swap3A_13] : memref<8192x50xf32, #tpu.memory_space<vmem>>, vector<128x50xf32>
    tpu.vector_store %arg3[%swap3A_12, %swap3A_13], %transpose3A_11 {strides = array<i32>} : memref<8192x50xf32, #tpu.memory_space<vmem>>, vector<128x50xf32>,
    %get3A_15 = arith.constant 0 : index
    %get3A_16 = arith.constant 2 : index
    %get3A_17 = arith.constant 0 : index
    %get3A_18 = vector.load %arg1[%get3A_15, %get3A_16, %get3A_17] : memref<50x64x128xf32, #tpu.memory_space<vmem>>, vector<50x1x128xf32>
    %get3A_19 = vector.shape_cast %get3A_18 : vector<50x1x128xf32> to vector<50x128xf32>
    %transpose3A_20 = tpu.transpose %get3A_19, [1, 0] : vector<50x128xf32> -> vector<128x50xf32>
    %swap3A_21 = arith.constant 256 : index
    %swap3A_22 = arith.constant 0 : index
    %swap3A_23 = vector.load %arg3[%swap3A_21, %swap3A_22] : memref<8192x50xf32, #tpu.memory_space<vmem>>, vector<128x50xf32>
    tpu.vector_store %arg3[%swap3A_21, %swap3A_22], %transpose3A_20 {strides = array<i32>} : memref<8192x50xf32, #tpu.memory_space<vmem>>, vector<128x50xf32>,
    %get3A_24 = arith.constant 0 : index
    %get3A_25 = arith.constant 3 : index
    %get3A_26 = arith.constant 0 : index
    %get3A_27 = vector.load %arg1[%get3A_24, %get3A_25, %get3A_26] : memref<50x64x128xf32, #tpu.memory_space<vmem>>, vector<50x1x128xf32>
    %get3A_28 = vector.shape_cast %get3A_27 : vector<50x1x128xf32> to vector<50x128xf32>
    %transpose3A_29 = tpu.transpose %get3A_28, [1, 0] : vector<50x128xf32> -> vector<128x50xf32>
    %swap3A_30 = arith.constant 384 : index
    %swap3A_31 = arith.constant 0 : index
    %swap3A_32 = vector.load %arg3[%swap3A_30, %swap3A_31] : memref<8192x50xf32, #tpu.memory_space<vmem>>, vector<128x50xf32>
    tpu.vector_store %arg3[%swap3A_30, %swap3A_31], %transpose3A_29 {strides = array<i32>} : memref<8192x50xf32, #tpu.memory_space<vmem>>, vector<128x50xf32>,
    %get3A_33 = arith.constant 0 : index
    %get3A_34 = arith.constant 4 : index
    %get3A_35 = arith.constant 0 : index
    %get3A_36 = vector.load %arg1[%get3A_33, %get3A_34, %get3A_35] : memref<50x64x128xf32, #tpu.memory_space<vmem>>, vector<50x1x128xf32>
    %get3A_37 = vector.shape_cast %get3A_36 : vector<50x1x128xf32> to vector<50x128xf32>
    %transpose3A_38 = tpu.transpose %get3A_37, [1, 0] : vector<50x128xf32> -> vector<128x50xf32>
    %swap3A_39 = arith.constant 512 : index
    %swap3A_40 = arith.constant 0 : index
    %swap3A_41 = vector.load %arg3[%swap3A_39, %swap3A_40] : memref<8192x50xf32, #tpu.memory_space<vmem>>, vector<128x50xf32>
    tpu.vector_store %arg3[%swap3A_39, %swap3A_40], %transpose3A_38 {strides = array<i32>} : memref<8192x50xf32, #tpu.memory_space<vmem>>, vector<128x50xf32>,
    %get3A_42 = arith.constant 0 : index
    %get3A_43 = arith.constant 5 : index
    %get3A_44 = arith.constant 0 : index
    %get3A_45 = vector.load %arg1[%get3A_42, %get3A_43, %get3A_44] : memref<50x64x128xf32, #tpu.memory_space<vmem>>, vector<50x1x128xf32>
    %get3A_46 = vector.shape_cast %get3A_45 : vector<50x1x128xf32> to vector<50x128xf32>
    %transpose3A_47 = tpu.transpose %get3A_46, [1, 0] : vector<50x128xf32> -> vector<128x50xf32>
    %swap3A_48 = arith.constant 640 : index
    %swap3A_49 = arith.constant 0 : index
    %swap3A_50 = vector.load %arg3[%swap3A_48, %swap3A_49] : memref<8192x50xf32, #tpu.memory_space<vmem>>, vector<128x50xf32>
    tpu.vector_store %arg3[%swap3A_48, %swap3A_49], %transpose3A_47 {strides = array<i32>} : memref<8192x50xf32, #tpu.memory_space<vmem>>, vector<128x50xf32>,
    %get3A_51 = arith.constant 0 : index
    %get3A_52 = arith.constant 6 : index
    %get3A_53 = arith.constant 0 : index
    %get3A_54 = vector.load %arg1[%get3A_51, %get3A_52, %get3A_53] : memref<50x64x128xf32, #tpu.memory_space<vmem>>, vector<50x1x128xf32>
    %get3A_55 = vector.shape_cast %get3A_54 : vector<50x1x128xf32> to vector<50x128xf32>
    %transpose3A_56 = tpu.transpose %get3A_55, [1, 0] : vector<50x128xf32> -> vector<128x50xf32>
    %swap3A_57 = arith.constant 768 : index
    %swap3A_58 = arith.constant 0 : index
    %swap3A_59 = vector.load %arg3[%swap3A_57, %swap3A_58] : memref<8192x50xf32, #tpu.memory_space<vmem>>, vector<128x50xf32>
    tpu.vector_store %arg3[%swap3A_57, %swap3A_58], %transpose3A_56 {strides = array<i32>} : memref<8192x50xf32, #tpu.memory_space<vmem>>, vector<128x50xf32>,
    %get3A_60 = arith.constant 0 : index
    %get3A_61 = arith.constant 7 : index
    %get3A_62 = arith.constant 0 : index
    %get3A_63 = vector.load %arg1[%get3A_60, %get3A_61, %get3A_62] : memref<50x64x128xf32, #tpu.memory_space<vmem>>, vector<50x1x128xf32>
    %get3A_64 = vector.shape_cast %get3A_63 : vector<50x1x128xf32> to vector<50x128xf32>
    %transpose3A_65 = tpu.transpose %get3A_64, [1, 0] : vector<50x128xf32> -> vector<128x50xf32>
    %swap3A_66 = arith.constant 896 : index
    %swap3A_67 = arith.constant 0 : index
    %swap3A_68 = vector.load %arg3[%swap3A_66, %swap3A_67] : memref<8192x50xf32, #tpu.memory_space<vmem>>, vector<128x50xf32>
    tpu.vector_store %arg3[%swap3A_66, %swap3A_67], %transpose3A_65 {strides = array<i32>} : memref<8192x50xf32, #tpu.memory_space<vmem>>, vector<128x50xf32>,
    %get3A_69 = arith.constant 0 : index
    %get3A_70 = arith.constant 8 : index
    %get3A_71 = arith.constant 0 : index
    %get3A_72 = vector.load %arg1[%get3A_69, %get3A_70, %get3A_71] : memref<50x64x128xf32, #tpu.memory_space<vmem>>, vector<50x1x128xf32>
    %get3A_73 = vector.shape_cast %get3A_72 : vector<50x1x128xf32> to vector<50x128xf32>
    %transpose3A_74 = tpu.transpose %get3A_73, [1, 0] : vector<50x128xf32> -> vector<128x50xf32>
    %swap3A_75 = arith.constant 1024 : index
    %swap3A_76 = arith.constant 0 : index
    %swap3A_77 = vector.load %arg3[%swap3A_75, %swap3A_76] : memref<8192x50xf32, #tpu.memory_space<vmem>>, vector<128x50xf32>
    tpu.vector_store %arg3[%swap3A_75, %swap3A_76], %transpose3A_74 {strides = array<i32>} : memref<8192x50xf32, #tpu.memory_space<vmem>>, vector<128x50xf32>,
    %get3A_78 = arith.constant 0 : index
    %get3A_79 = arith.constant 9 : index
    %get3A_80 = arith.constant 0 : index
    %get3A_81 = vector.load %arg1[%get3A_78, %get3A_79, %get3A_80] : memref<50x64x128xf32, #tpu.memory_space<vmem>>, vector<50x1x128xf32>
    %get3A_82 = vector.shape_cast %get3A_81 : vector<50x1x128xf32> to vector<50x128xf32>
    %transpose3A_83 = tpu.transpose %get3A_82, [1, 0] : vector<50x128xf32> -> vector<128x50xf32>
    %swap3A_84 = arith.constant 1152 : index
    %swap3A_85 = arith.constant 0 : index
    %swap3A_86 = vector.load %arg3[%swap3A_84, %swap3A_85] : memref<8192x50xf32, #tpu.memory_space<vmem>>, vector<128x50xf32>
    tpu.vector_store %arg3[%swap3A_84, %swap3A_85], %transpose3A_83 {strides = array<i32>} : memref<8192x50xf32, #tpu.memory_space<vmem>>, vector<128x50xf32>,
    %get3A_87 = arith.constant 0 : index
    %get3A_88 = arith.constant 10 : index
    %get3A_89 = arith.constant 0 : index
    %get3A_90 = vector.load %arg1[%get3A_87, %get3A_88, %get3A_89] : memref<50x64x128xf32, #tpu.memory_space<vmem>>, vector<50x1x128xf32>
    %get3A_91 = vector.shape_cast %get3A_90 : vector<50x1x128xf32> to vector<50x128xf32>
    %transpose3A_92 = tpu.transpose %get3A_91, [1, 0] : vector<50x128xf32> -> vector<128x50xf32>
    %swap3A_93 = arith.constant 1280 : index
    %swap3A_94 = arith.constant 0 : index
    %swap3A_95 = vector.load %arg3[%swap3A_93, %swap3A_94] : memref<8192x50xf32, #tpu.memory_space<vmem>>, vector<128x50xf32>
    tpu.vector_store %arg3[%swap3A_93, %swap3A_94], %transpose3A_92 {strides = array<i32>} : memref<8192x50xf32, #tpu.memory_space<vmem>>, vector<128x50xf32>,
    %get3A_96 = arith.constant 0 : index
    %get3A_97 = arith.constant 11 : index
    %get3A_98 = arith.constant 0 : index
    %get3A_99 = vector.load %arg1[%get3A_96, %get3A_97, %get3A_98] : memref<50x64x128xf32, #tpu.memory_space<vmem>>, vector<50x1x128xf32>
    %get3A_100 = vector.shape_cast %get3A_99 : vector<50x1x128xf32> to vector<50x128xf32>
    %transpose3A_101 = tpu.transpose %get3A_100, [1, 0] : vector<50x128xf32> -> vector<128x50xf32>
    %swap3A_102 = arith.constant 1408 : index
    %swap3A_103 = arith.constant 0 : index
    %swap3A_104 = vector.load %arg3[%swap3A_102, %swap3A_103] : memref<8192x50xf32, #tpu.memory_space<vmem>>, vector<128x50xf32>
    tpu.vector_store %arg3[%swap3A_102, %swap3A_103], %transpose3A_101 {strides = array<i32>} : memref<8192x50xf32, #tpu.memory_space<vmem>>, vector<128x50xf32>,
    %get3A_105 = arith.constant 0 : index
    %get3A_106 = arith.constant 12 : index
    %get3A_107 = arith.constant 0 : index
    %get3A_108 = vector.load %arg1[%get3A_105, %get3A_106, %get3A_107] : memref<50x64x128xf32, #tpu.memory_space<vmem>>, vector<50x1x128xf32>
    %get3A_109 = vector.shape_cast %get3A_108 : vector<50x1x128xf32> to vector<50x128xf32>
    %transpose3A_110 = tpu.transpose %get3A_109, [1, 0] : vector<50x128xf32> -> vector<128x50xf32>
    %swap3A_111 = arith.constant 1536 : index
    %swap3A_112 = arith.constant 0 : index
    %swap3A_113 = vector.load %arg3[%swap3A_111, %swap3A_112] : memref<8192x50xf32, #tpu.memory_space<vmem>>, vector<128x50xf32>
    tpu.vector_store %arg3[%swap3A_111, %swap3A_112], %transpose3A_110 {strides = array<i32>} : memref<8192x50xf32, #tpu.memory_space<vmem>>, vector<128x50xf32>,
    %get3A_114 = arith.constant 0 : index
    %get3A_115 = arith.constant 13 : index
    %get3A_116 = arith.constant 0 : index
    %get3A_117 = vector.load %arg1[%get3A_114, %get3A_115, %get3A_116] : memref<50x64x128xf32, #tpu.memory_space<vmem>>, vector<50x1x128xf32>
    %get3A_118 = vector.shape_cast %get3A_117 : vector<50x1x128xf32> to vector<50x128xf32>
    %transpose3A_119 = tpu.transpose %get3A_118, [1, 0] : vector<50x128xf32> -> vector<128x50xf32>
    %swap3A_120 = arith.constant 1664 : index
    %swap3A_121 = arith.constant 0 : index
    %swap3A_122 = vector.load %arg3[%swap3A_120, %swap3A_121] : memref<8192x50xf32, #tpu.memory_space<vmem>>, vector<128x50xf32>
    tpu.vector_store %arg3[%swap3A_120, %swap3A_121], %transpose3A_119 {strides = array<i32>} : memref<8192x50xf32, #tpu.memory_space<vmem>>, vector<128x50xf32>,
    %get3A_123 = arith.constant 0 : index
    %get3A_124 = arith.constant 14 : index
    %get3A_125 = arith.constant 0 : index
    %get3A_126 = vector.load %arg1[%get3A_123, %get3A_124, %get3A_125] : memref<50x64x128xf32, #tpu.memory_space<vmem>>, vector<50x1x128xf32>
    %get3A_127 = vector.shape_cast %get3A_126 : vector<50x1x128xf32> to vector<50x128xf32>
    %transpose3A_128 = tpu.transpose %get3A_127, [1, 0] : vector<50x128xf32> -> vector<128x50xf32>
    %swap3A_129 = arith.constant 1792 : index
    %swap3A_130 = arith.constant 0 : index
    %swap3A_131 = vector.load %arg3[%swap3A_129, %swap3A_130] : memref<8192x50xf32, #tpu.memory_space<vmem>>, vector<128x50xf32>
    tpu.vector_store %arg3[%swap3A_129, %swap3A_130], %transpose3A_128 {strides = array<i32>} : memref<8192x50xf32, #tpu.memory_space<vmem>>, vector<128x50xf32>,
    %get3A_132 = arith.constant 0 : index
    %get3A_133 = arith.constant 15 : index
    %get3A_134 = arith.constant 0 : index
    %get3A_135 = vector.load %arg1[%get3A_132, %get3A_133, %get3A_134] : memref<50x64x128xf32, #tpu.memory_space<vmem>>, vector<50x1x128xf32>
    %get3A_136 = vector.shape_cast %get3A_135 : vector<50x1x128xf32> to vector<50x128xf32>
    %transpose3A_137 = tpu.transpose %get3A_136, [1, 0] : vector<50x128xf32> -> vector<128x50xf32>
    %swap3A_138 = arith.constant 1920 : index
    %swap3A_139 = arith.constant 0 : index
    %swap3A_140 = vector.load %arg3[%swap3A_138, %swap3A_139] : memref<8192x50xf32, #tpu.memory_space<vmem>>, vector<128x50xf32>
    tpu.vector_store %arg3[%swap3A_138, %swap3A_139], %transpose3A_137 {strides = array<i32>} : memref<8192x50xf32, #tpu.memory_space<vmem>>, vector<128x50xf32>,
    %get3A_141 = arith.constant 0 : index
    %get3A_142 = arith.constant 16 : index
    %get3A_143 = arith.constant 0 : index
    %get3A_144 = vector.load %arg1[%get3A_141, %get3A_142, %get3A_143] : memref<50x64x128xf32, #tpu.memory_space<vmem>>, vector<50x1x128xf32>
    %get3A_145 = vector.shape_cast %get3A_144 : vector<50x1x128xf32> to vector<50x128xf32>
    %transpose3A_146 = tpu.transpose %get3A_145, [1, 0] : vector<50x128xf32> -> vector<128x50xf32>
    %swap3A_147 = arith.constant 2048 : index
    %swap3A_148 = arith.constant 0 : index
    %swap3A_149 = vector.load %arg3[%swap3A_147, %swap3A_148] : memref<8192x50xf32, #tpu.memory_space<vmem>>, vector<128x50xf32>
    tpu.vector_store %arg3[%swap3A_147, %swap3A_148], %transpose3A_146 {strides = array<i32>} : memref<8192x50xf32, #tpu.memory_space<vmem>>, vector<128x50xf32>,
    %get3A_150 = arith.constant 0 : index
    %get3A_151 = arith.constant 17 : index
    %get3A_152 = arith.constant 0 : index
    %get3A_153 = vector.load %arg1[%get3A_150, %get3A_151, %get3A_152] : memref<50x64x128xf32, #tpu.memory_space<vmem>>, vector<50x1x128xf32>
    %get3A_154 = vector.shape_cast %get3A_153 : vector<50x1x128xf32> to vector<50x128xf32>
    %transpose3A_155 = tpu.transpose %get3A_154, [1, 0] : vector<50x128xf32> -> vector<128x50xf32>
    %swap3A_156 = arith.constant 2176 : index
    %swap3A_157 = arith.constant 0 : index
    %swap3A_158 = vector.load %arg3[%swap3A_156, %swap3A_157] : memref<8192x50xf32, #tpu.memory_space<vmem>>, vector<128x50xf32>
    tpu.vector_store %arg3[%swap3A_156, %swap3A_157], %transpose3A_155 {strides = array<i32>} : memref<8192x50xf32, #tpu.memory_space<vmem>>, vector<128x50xf32>,
    %get3A_159 = arith.constant 0 : index
    %get3A_160 = arith.constant 18 : index
    %get3A_161 = arith.constant 0 : index
    %get3A_162 = vector.load %arg1[%get3A_159, %get3A_160, %get3A_161] : memref<50x64x128xf32, #tpu.memory_space<vmem>>, vector<50x1x128xf32>
    %get3A_163 = vector.shape_cast %get3A_162 : vector<50x1x128xf32> to vector<50x128xf32>
    %transpose3A_164 = tpu.transpose %get3A_163, [1, 0] : vector<50x128xf32> -> vector<128x50xf32>
    %swap3A_165 = arith.constant 2304 : index
    %swap3A_166 = arith.constant 0 : index
    %swap3A_167 = vector.load %arg3[%swap3A_165, %swap3A_166] : memref<8192x50xf32, #tpu.memory_space<vmem>>, vector<128x50xf32>
    tpu.vector_store %arg3[%swap3A_165, %swap3A_166], %transpose3A_164 {strides = array<i32>} : memref<8192x50xf32, #tpu.memory_space<vmem>>, vector<128x50xf32>,
    %get3A_168 = arith.constant 0 : index
    %get3A_169 = arith.constant 19 : index
    %get3A_170 = arith.constant 0 : index
    %get3A_171 = vector.load %arg1[%get3A_168, %get3A_169, %get3A_170] : memref<50x64x128xf32, #tpu.memory_space<vmem>>, vector<50x1x128xf32>
    %get3A_172 = vector.shape_cast %get3A_171 : vector<50x1x128xf32> to vector<50x128xf32>
    %transpose3A_173 = tpu.transpose %get3A_172, [1, 0] : vector<50x128xf32> -> vector<128x50xf32>
    %swap3A_174 = arith.constant 2432 : index
    %swap3A_175 = arith.constant 0 : index
    %swap3A_176 = vector.load %arg3[%swap3A_174, %swap3A_175] : memref<8192x50xf32, #tpu.memory_space<vmem>>, vector<128x50xf32>
    tpu.vector_store %arg3[%swap3A_174, %swap3A_175], %transpose3A_173 {strides = array<i32>} : memref<8192x50xf32, #tpu.memory_space<vmem>>, vector<128x50xf32>,
    %get3A_177 = arith.constant 0 : index
    %get3A_178 = arith.constant 20 : index
    %get3A_179 = arith.constant 0 : index
    %get3A_180 = vector.load %arg1[%get3A_177, %get3A_178, %get3A_179] : memref<50x64x128xf32, #tpu.memory_space<vmem>>, vector<50x1x128xf32>
    %get3A_181 = vector.shape_cast %get3A_180 : vector<50x1x128xf32> to vector<50x128xf32>
    %transpose3A_182 = tpu.transpose %get3A_181, [1, 0] : vector<50x128xf32> -> vector<128x50xf32>
    %swap3A_183 = arith.constant 2560 : index
    %swap3A_184 = arith.constant 0 : index
    %swap3A_185 = vector.load %arg3[%swap3A_183, %swap3A_184] : memref<8192x50xf32, #tpu.memory_space<vmem>>, vector<128x50xf32>
    tpu.vector_store %arg3[%swap3A_183, %swap3A_184], %transpose3A_182 {strides = array<i32>} : memref<8192x50xf32, #tpu.memory_space<vmem>>, vector<128x50xf32>,
    %get3A_186 = arith.constant 0 : index
    %get3A_187 = arith.constant 21 : index
    %get3A_188 = arith.constant 0 : index
    %get3A_189 = vector.load %arg1[%get3A_186, %get3A_187, %get3A_188] : memref<50x64x128xf32, #tpu.memory_space<vmem>>, vector<50x1x128xf32>
    %get3A_190 = vector.shape_cast %get3A_189 : vector<50x1x128xf32> to vector<50x128xf32>
    %transpose3A_191 = tpu.transpose %get3A_190, [1, 0] : vector<50x128xf32> -> vector<128x50xf32>
    %swap3A_192 = arith.constant 2688 : index
    %swap3A_193 = arith.constant 0 : index
    %swap3A_194 = vector.load %arg3[%swap3A_192, %swap3A_193] : memref<8192x50xf32, #tpu.memory_space<vmem>>, vector<128x50xf32>
    tpu.vector_store %arg3[%swap3A_192, %swap3A_193], %transpose3A_191 {strides = array<i32>} : memref<8192x50xf32, #tpu.memory_space<vmem>>, vector<128x50xf32>,
    %get3A_195 = arith.constant 0 : index
    %get3A_196 = arith.constant 22 : index
    %get3A_197 = arith.constant 0 : index
    %get3A_198 = vector.load %arg1[%get3A_195, %get3A_196, %get3A_197] : memref<50x64x128xf32, #tpu.memory_space<vmem>>, vector<50x1x128xf32>
    %get3A_199 = vector.shape_cast %get3A_198 : vector<50x1x128xf32> to vector<50x128xf32>
    %transpose3A_200 = tpu.transpose %get3A_199, [1, 0] : vector<50x128xf32> -> vector<128x50xf32>
    %swap3A_201 = arith.constant 2816 : index
    %swap3A_202 = arith.constant 0 : index
    %swap3A_203 = vector.load %arg3[%swap3A_201, %swap3A_202] : memref<8192x50xf32, #tpu.memory_space<vmem>>, vector<128x50xf32>
    tpu.vector_store %arg3[%swap3A_201, %swap3A_202], %transpose3A_200 {strides = array<i32>} : memref<8192x50xf32, #tpu.memory_space<vmem>>, vector<128x50xf32>,
    %get3A_204 = arith.constant 0 : index
    %get3A_205 = arith.constant 23 : index
    %get3A_206 = arith.constant 0 : index
    %get3A_207 = vector.load %arg1[%get3A_204, %get3A_205, %get3A_206] : memref<50x64x128xf32, #tpu.memory_space<vmem>>, vector<50x1x128xf32>
    %get3A_208 = vector.shape_cast %get3A_207 : vector<50x1x128xf32> to vector<50x128xf32>
    %transpose3A_209 = tpu.transpose %get3A_208, [1, 0] : vector<50x128xf32> -> vector<128x50xf32>
    %swap3A_210 = arith.constant 2944 : index
    %swap3A_211 = arith.constant 0 : index
    %swap3A_212 = vector.load %arg3[%swap3A_210, %swap3A_211] : memref<8192x50xf32, #tpu.memory_space<vmem>>, vector<128x50xf32>
    tpu.vector_store %arg3[%swap3A_210, %swap3A_211], %transpose3A_209 {strides = array<i32>} : memref<8192x50xf32, #tpu.memory_space<vmem>>, vector<128x50xf32>,
    %get3A_213 = arith.constant 0 : index
    %get3A_214 = arith.constant 24 : index
    %get3A_215 = arith.constant 0 : index
    %get3A_216 = vector.load %arg1[%get3A_213, %get3A_214, %get3A_215] : memref<50x64x128xf32, #tpu.memory_space<vmem>>, vector<50x1x128xf32>
    %get3A_217 = vector.shape_cast %get3A_216 : vector<50x1x128xf32> to vector<50x128xf32>
    %transpose3A_218 = tpu.transpose %get3A_217, [1, 0] : vector<50x128xf32> -> vector<128x50xf32>
    %swap3A_219 = arith.constant 3072 : index
    %swap3A_220 = arith.constant 0 : index
    %swap3A_221 = vector.load %arg3[%swap3A_219, %swap3A_220] : memref<8192x50xf32, #tpu.memory_space<vmem>>, vector<128x50xf32>
    tpu.vector_store %arg3[%swap3A_219, %swap3A_220], %transpose3A_218 {strides = array<i32>} : memref<8192x50xf32, #tpu.memory_space<vmem>>, vector<128x50xf32>,
    %get3A_222 = arith.constant 0 : index
    %get3A_223 = arith.constant 25 : index
    %get3A_224 = arith.constant 0 : index
    %get3A_225 = vector.load %arg1[%get3A_222, %get3A_223, %get3A_224] : memref<50x64x128xf32, #tpu.memory_space<vmem>>, vector<50x1x128xf32>
    %get3A_226 = vector.shape_cast %get3A_225 : vector<50x1x128xf32> to vector<50x128xf32>
    %transpose3A_227 = tpu.transpose %get3A_226, [1, 0] : vector<50x128xf32> -> vector<128x50xf32>
    %swap3A_228 = arith.constant 3200 : index
    %swap3A_229 = arith.constant 0 : index
    %swap3A_230 = vector.load %arg3[%swap3A_228, %swap3A_229] : memref<8192x50xf32, #tpu.memory_space<vmem>>, vector<128x50xf32>
    tpu.vector_store %arg3[%swap3A_228, %swap3A_229], %transpose3A_227 {strides = array<i32>} : memref<8192x50xf32, #tpu.memory_space<vmem>>, vector<128x50xf32>,
    %get3A_231 = arith.constant 0 : index
    %get3A_232 = arith.constant 26 : index
    %get3A_233 = arith.constant 0 : index
    %get3A_234 = vector.load %arg1[%get3A_231, %get3A_232, %get3A_233] : memref<50x64x128xf32, #tpu.memory_space<vmem>>, vector<50x1x128xf32>
    %get3A_235 = vector.shape_cast %get3A_234 : vector<50x1x128xf32> to vector<50x128xf32>
    %transpose3A_236 = tpu.transpose %get3A_235, [1, 0] : vector<50x128xf32> -> vector<128x50xf32>
    %swap3A_237 = arith.constant 3328 : index
    %swap3A_238 = arith.constant 0 : index
    %swap3A_239 = vector.load %arg3[%swap3A_237, %swap3A_238] : memref<8192x50xf32, #tpu.memory_space<vmem>>, vector<128x50xf32>
    tpu.vector_store %arg3[%swap3A_237, %swap3A_238], %transpose3A_236 {strides = array<i32>} : memref<8192x50xf32, #tpu.memory_space<vmem>>, vector<128x50xf32>,
    %get3A_240 = arith.constant 0 : index
    %get3A_241 = arith.constant 27 : index
    %get3A_242 = arith.constant 0 : index
    %get3A_243 = vector.load %arg1[%get3A_240, %get3A_241, %get3A_242] : memref<50x64x128xf32, #tpu.memory_space<vmem>>, vector<50x1x128xf32>
    %get3A_244 = vector.shape_cast %get3A_243 : vector<50x1x128xf32> to vector<50x128xf32>
    %transpose3A_245 = tpu.transpose %get3A_244, [1, 0] : vector<50x128xf32> -> vector<128x50xf32>
    %swap3A_246 = arith.constant 3456 : index
    %swap3A_247 = arith.constant 0 : index
    %swap3A_248 = vector.load %arg3[%swap3A_246, %swap3A_247] : memref<8192x50xf32, #tpu.memory_space<vmem>>, vector<128x50xf32>
    tpu.vector_store %arg3[%swap3A_246, %swap3A_247], %transpose3A_245 {strides = array<i32>} : memref<8192x50xf32, #tpu.memory_space<vmem>>, vector<128x50xf32>,
    %get3A_249 = arith.constant 0 : index
    %get3A_250 = arith.constant 28 : index
    %get3A_251 = arith.constant 0 : index
    %get3A_252 = vector.load %arg1[%get3A_249, %get3A_250, %get3A_251] : memref<50x64x128xf32, #tpu.memory_space<vmem>>, vector<50x1x128xf32>
    %get3A_253 = vector.shape_cast %get3A_252 : vector<50x1x128xf32> to vector<50x128xf32>
    %transpose3A_254 = tpu.transpose %get3A_253, [1, 0] : vector<50x128xf32> -> vector<128x50xf32>
    %swap3A_255 = arith.constant 3584 : index
    %swap3A_256 = arith.constant 0 : index
    %swap3A_257 = vector.load %arg3[%swap3A_255, %swap3A_256] : memref<8192x50xf32, #tpu.memory_space<vmem>>, vector<128x50xf32>
    tpu.vector_store %arg3[%swap3A_255, %swap3A_256], %transpose3A_254 {strides = array<i32>} : memref<8192x50xf32, #tpu.memory_space<vmem>>, vector<128x50xf32>,
    %get3A_258 = arith.constant 0 : index
    %get3A_259 = arith.constant 29 : index
    %get3A_260 = arith.constant 0 : index
    %get3A_261 = vector.load %arg1[%get3A_258, %get3A_259, %get3A_260] : memref<50x64x128xf32, #tpu.memory_space<vmem>>, vector<50x1x128xf32>
    %get3A_262 = vector.shape_cast %get3A_261 : vector<50x1x128xf32> to vector<50x128xf32>
    %transpose3A_263 = tpu.transpose %get3A_262, [1, 0] : vector<50x128xf32> -> vector<128x50xf32>
    %swap3A_264 = arith.constant 3712 : index
    %swap3A_265 = arith.constant 0 : index
    %swap3A_266 = vector.load %arg3[%swap3A_264, %swap3A_265] : memref<8192x50xf32, #tpu.memory_space<vmem>>, vector<128x50xf32>
    tpu.vector_store %arg3[%swap3A_264, %swap3A_265], %transpose3A_263 {strides = array<i32>} : memref<8192x50xf32, #tpu.memory_space<vmem>>, vector<128x50xf32>,
    %get3A_267 = arith.constant 0 : index
    %get3A_268 = arith.constant 30 : index
    %get3A_269 = arith.constant 0 : index
    %get3A_270 = vector.load %arg1[%get3A_267, %get3A_268, %get3A_269] : memref<50x64x128xf32, #tpu.memory_space<vmem>>, vector<50x1x128xf32>
    %get3A_271 = vector.shape_cast %get3A_270 : vector<50x1x128xf32> to vector<50x128xf32>
    %transpose3A_272 = tpu.transpose %get3A_271, [1, 0] : vector<50x128xf32> -> vector<128x50xf32>
    %swap3A_273 = arith.constant 3840 : index
    %swap3A_274 = arith.constant 0 : index
    %swap3A_275 = vector.load %arg3[%swap3A_273, %swap3A_274] : memref<8192x50xf32, #tpu.memory_space<vmem>>, vector<128x50xf32>
    tpu.vector_store %arg3[%swap3A_273, %swap3A_274], %transpose3A_272 {strides = array<i32>} : memref<8192x50xf32, #tpu.memory_space<vmem>>, vector<128x50xf32>,
    %get3A_276 = arith.constant 0 : index
    %get3A_277 = arith.constant 31 : index
    %get3A_278 = arith.constant 0 : index
    %get3A_279 = vector.load %arg1[%get3A_276, %get3A_277, %get3A_278] : memref<50x64x128xf32, #tpu.memory_space<vmem>>, vector<50x1x128xf32>
    %get3A_280 = vector.shape_cast %get3A_279 : vector<50x1x128xf32> to vector<50x128xf32>
    %transpose3A_281 = tpu.transpose %get3A_280, [1, 0] : vector<50x128xf32> -> vector<128x50xf32>
    %swap3A_282 = arith.constant 3968 : index
    %swap3A_283 = arith.constant 0 : index
    %swap3A_284 = vector.load %arg3[%swap3A_282, %swap3A_283] : memref<8192x50xf32, #tpu.memory_space<vmem>>, vector<128x50xf32>
    tpu.vector_store %arg3[%swap3A_282, %swap3A_283], %transpose3A_281 {strides = array<i32>} : memref<8192x50xf32, #tpu.memory_space<vmem>>, vector<128x50xf32>,
    %get3A_285 = arith.constant 0 : index
    %get3A_286 = arith.constant 32 : index
    %get3A_287 = arith.constant 0 : index
    %get3A_288 = vector.load %arg1[%get3A_285, %get3A_286, %get3A_287] : memref<50x64x128xf32, #tpu.memory_space<vmem>>, vector<50x1x128xf32>
    %get3A_289 = vector.shape_cast %get3A_288 : vector<50x1x128xf32> to vector<50x128xf32>
    %transpose3A_290 = tpu.transpose %get3A_289, [1, 0] : vector<50x128xf32> -> vector<128x50xf32>
    %swap3A_291 = arith.constant 4096 : index
    %swap3A_292 = arith.constant 0 : index
    %swap3A_293 = vector.load %arg3[%swap3A_291, %swap3A_292] : memref<8192x50xf32, #tpu.memory_space<vmem>>, vector<128x50xf32>
    tpu.vector_store %arg3[%swap3A_291, %swap3A_292], %transpose3A_290 {strides = array<i32>} : memref<8192x50xf32, #tpu.memory_space<vmem>>, vector<128x50xf32>,
    %get3A_294 = arith.constant 0 : index
    %get3A_295 = arith.constant 33 : index
    %get3A_296 = arith.constant 0 : index
    %get3A_297 = vector.load %arg1[%get3A_294, %get3A_295, %get3A_296] : memref<50x64x128xf32, #tpu.memory_space<vmem>>, vector<50x1x128xf32>
    %get3A_298 = vector.shape_cast %get3A_297 : vector<50x1x128xf32> to vector<50x128xf32>
    %transpose3A_299 = tpu.transpose %get3A_298, [1, 0] : vector<50x128xf32> -> vector<128x50xf32>
    %swap3A_300 = arith.constant 4224 : index
    %swap3A_301 = arith.constant 0 : index
    %swap3A_302 = vector.load %arg3[%swap3A_300, %swap3A_301] : memref<8192x50xf32, #tpu.memory_space<vmem>>, vector<128x50xf32>
    tpu.vector_store %arg3[%swap3A_300, %swap3A_301], %transpose3A_299 {strides = array<i32>} : memref<8192x50xf32, #tpu.memory_space<vmem>>, vector<128x50xf32>,
    %get3A_303 = arith.constant 0 : index
    %get3A_304 = arith.constant 34 : index
    %get3A_305 = arith.constant 0 : index
    %get3A_306 = vector.load %arg1[%get3A_303, %get3A_304, %get3A_305] : memref<50x64x128xf32, #tpu.memory_space<vmem>>, vector<50x1x128xf32>
    %get3A_307 = vector.shape_cast %get3A_306 : vector<50x1x128xf32> to vector<50x128xf32>
    %transpose3A_308 = tpu.transpose %get3A_307, [1, 0] : vector<50x128xf32> -> vector<128x50xf32>
    %swap3A_309 = arith.constant 4352 : index
    %swap3A_310 = arith.constant 0 : index
    %swap3A_311 = vector.load %arg3[%swap3A_309, %swap3A_310] : memref<8192x50xf32, #tpu.memory_space<vmem>>, vector<128x50xf32>
    tpu.vector_store %arg3[%swap3A_309, %swap3A_310], %transpose3A_308 {strides = array<i32>} : memref<8192x50xf32, #tpu.memory_space<vmem>>, vector<128x50xf32>,
    %get3A_312 = arith.constant 0 : index
    %get3A_313 = arith.constant 35 : index
    %get3A_314 = arith.constant 0 : index
    %get3A_315 = vector.load %arg1[%get3A_312, %get3A_313, %get3A_314] : memref<50x64x128xf32, #tpu.memory_space<vmem>>, vector<50x1x128xf32>
    %get3A_316 = vector.shape_cast %get3A_315 : vector<50x1x128xf32> to vector<50x128xf32>
    %transpose3A_317 = tpu.transpose %get3A_316, [1, 0] : vector<50x128xf32> -> vector<128x50xf32>
    %swap3A_318 = arith.constant 4480 : index
    %swap3A_319 = arith.constant 0 : index
    %swap3A_320 = vector.load %arg3[%swap3A_318, %swap3A_319] : memref<8192x50xf32, #tpu.memory_space<vmem>>, vector<128x50xf32>
    tpu.vector_store %arg3[%swap3A_318, %swap3A_319], %transpose3A_317 {strides = array<i32>} : memref<8192x50xf32, #tpu.memory_space<vmem>>, vector<128x50xf32>,
    %get3A_321 = arith.constant 0 : index
    %get3A_322 = arith.constant 36 : index
    %get3A_323 = arith.constant 0 : index
    %get3A_324 = vector.load %arg1[%get3A_321, %get3A_322, %get3A_323] : memref<50x64x128xf32, #tpu.memory_space<vmem>>, vector<50x1x128xf32>
    %get3A_325 = vector.shape_cast %get3A_324 : vector<50x1x128xf32> to vector<50x128xf32>
    %transpose3A_326 = tpu.transpose %get3A_325, [1, 0] : vector<50x128xf32> -> vector<128x50xf32>
    %swap3A_327 = arith.constant 4608 : index
    %swap3A_328 = arith.constant 0 : index
    %swap3A_329 = vector.load %arg3[%swap3A_327, %swap3A_328] : memref<8192x50xf32, #tpu.memory_space<vmem>>, vector<128x50xf32>
    tpu.vector_store %arg3[%swap3A_327, %swap3A_328], %transpose3A_326 {strides = array<i32>} : memref<8192x50xf32, #tpu.memory_space<vmem>>, vector<128x50xf32>,
    %get3A_330 = arith.constant 0 : index
    %get3A_331 = arith.constant 37 : index
    %get3A_332 = arith.constant 0 : index
    %get3A_333 = vector.load %arg1[%get3A_330, %get3A_331, %get3A_332] : memref<50x64x128xf32, #tpu.memory_space<vmem>>, vector<50x1x128xf32>
    %get3A_334 = vector.shape_cast %get3A_333 : vector<50x1x128xf32> to vector<50x128xf32>
    %transpose3A_335 = tpu.transpose %get3A_334, [1, 0] : vector<50x128xf32> -> vector<128x50xf32>
    %swap3A_336 = arith.constant 4736 : index
    %swap3A_337 = arith.constant 0 : index
    %swap3A_338 = vector.load %arg3[%swap3A_336, %swap3A_337] : memref<8192x50xf32, #tpu.memory_space<vmem>>, vector<128x50xf32>
    tpu.vector_store %arg3[%swap3A_336, %swap3A_337], %transpose3A_335 {strides = array<i32>} : memref<8192x50xf32, #tpu.memory_space<vmem>>, vector<128x50xf32>,
    %get3A_339 = arith.constant 0 : index
    %get3A_340 = arith.constant 38 : index
    %get3A_341 = arith.constant 0 : index
    %get3A_342 = vector.load %arg1[%get3A_339, %get3A_340, %get3A_341] : memref<50x64x128xf32, #tpu.memory_space<vmem>>, vector<50x1x128xf32>
    %get3A_343 = vector.shape_cast %get3A_342 : vector<50x1x128xf32> to vector<50x128xf32>
    %transpose3A_344 = tpu.transpose %get3A_343, [1, 0] : vector<50x128xf32> -> vector<128x50xf32>
    %swap3A_345 = arith.constant 4864 : index
    %swap3A_346 = arith.constant 0 : index
    %swap3A_347 = vector.load %arg3[%swap3A_345, %swap3A_346] : memref<8192x50xf32, #tpu.memory_space<vmem>>, vector<128x50xf32>
    tpu.vector_store %arg3[%swap3A_345, %swap3A_346], %transpose3A_344 {strides = array<i32>} : memref<8192x50xf32, #tpu.memory_space<vmem>>, vector<128x50xf32>,
    %get3A_348 = arith.constant 0 : index
    %get3A_349 = arith.constant 39 : index
    %get3A_350 = arith.constant 0 : index
    %get3A_351 = vector.load %arg1[%get3A_348, %get3A_349, %get3A_350] : memref<50x64x128xf32, #tpu.memory_space<vmem>>, vector<50x1x128xf32>
    %get3A_352 = vector.shape_cast %get3A_351 : vector<50x1x128xf32> to vector<50x128xf32>
    %transpose3A_353 = tpu.transpose %get3A_352, [1, 0] : vector<50x128xf32> -> vector<128x50xf32>
    %swap3A_354 = arith.constant 4992 : index
    %swap3A_355 = arith.constant 0 : index
    %swap3A_356 = vector.load %arg3[%swap3A_354, %swap3A_355] : memref<8192x50xf32, #tpu.memory_space<vmem>>, vector<128x50xf32>
    tpu.vector_store %arg3[%swap3A_354, %swap3A_355], %transpose3A_353 {strides = array<i32>} : memref<8192x50xf32, #tpu.memory_space<vmem>>, vector<128x50xf32>,
    %get3A_357 = arith.constant 0 : index
    %get3A_358 = arith.constant 40 : index
    %get3A_359 = arith.constant 0 : index
    %get3A_360 = vector.load %arg1[%get3A_357, %get3A_358, %get3A_359] : memref<50x64x128xf32, #tpu.memory_space<vmem>>, vector<50x1x128xf32>
    %get3A_361 = vector.shape_cast %get3A_360 : vector<50x1x128xf32> to vector<50x128xf32>
    %transpose3A_362 = tpu.transpose %get3A_361, [1, 0] : vector<50x128xf32> -> vector<128x50xf32>
    %swap3A_363 = arith.constant 5120 : index
    %swap3A_364 = arith.constant 0 : index
    %swap3A_365 = vector.load %arg3[%swap3A_363, %swap3A_364] : memref<8192x50xf32, #tpu.memory_space<vmem>>, vector<128x50xf32>
    tpu.vector_store %arg3[%swap3A_363, %swap3A_364], %transpose3A_362 {strides = array<i32>} : memref<8192x50xf32, #tpu.memory_space<vmem>>, vector<128x50xf32>,
    %get3A_366 = arith.constant 0 : index
    %get3A_367 = arith.constant 41 : index
    %get3A_368 = arith.constant 0 : index
    %get3A_369 = vector.load %arg1[%get3A_366, %get3A_367, %get3A_368] : memref<50x64x128xf32, #tpu.memory_space<vmem>>, vector<50x1x128xf32>
    %get3A_370 = vector.shape_cast %get3A_369 : vector<50x1x128xf32> to vector<50x128xf32>
    %transpose3A_371 = tpu.transpose %get3A_370, [1, 0] : vector<50x128xf32> -> vector<128x50xf32>
    %swap3A_372 = arith.constant 5248 : index
    %swap3A_373 = arith.constant 0 : index
    %swap3A_374 = vector.load %arg3[%swap3A_372, %swap3A_373] : memref<8192x50xf32, #tpu.memory_space<vmem>>, vector<128x50xf32>
    tpu.vector_store %arg3[%swap3A_372, %swap3A_373], %transpose3A_371 {strides = array<i32>} : memref<8192x50xf32, #tpu.memory_space<vmem>>, vector<128x50xf32>,
    %get3A_375 = arith.constant 0 : index
    %get3A_376 = arith.constant 42 : index
    %get3A_377 = arith.constant 0 : index
    %get3A_378 = vector.load %arg1[%get3A_375, %get3A_376, %get3A_377] : memref<50x64x128xf32, #tpu.memory_space<vmem>>, vector<50x1x128xf32>
    %get3A_379 = vector.shape_cast %get3A_378 : vector<50x1x128xf32> to vector<50x128xf32>
    %transpose3A_380 = tpu.transpose %get3A_379, [1, 0] : vector<50x128xf32> -> vector<128x50xf32>
    %swap3A_381 = arith.constant 5376 : index
    %swap3A_382 = arith.constant 0 : index
    %swap3A_383 = vector.load %arg3[%swap3A_381, %swap3A_382] : memref<8192x50xf32, #tpu.memory_space<vmem>>, vector<128x50xf32>
    tpu.vector_store %arg3[%swap3A_381, %swap3A_382], %transpose3A_380 {strides = array<i32>} : memref<8192x50xf32, #tpu.memory_space<vmem>>, vector<128x50xf32>,
    %get3A_384 = arith.constant 0 : index
    %get3A_385 = arith.constant 43 : index
    %get3A_386 = arith.constant 0 : index
    %get3A_387 = vector.load %arg1[%get3A_384, %get3A_385, %get3A_386] : memref<50x64x128xf32, #tpu.memory_space<vmem>>, vector<50x1x128xf32>
    %get3A_388 = vector.shape_cast %get3A_387 : vector<50x1x128xf32> to vector<50x128xf32>
    %transpose3A_389 = tpu.transpose %get3A_388, [1, 0] : vector<50x128xf32> -> vector<128x50xf32>
    %swap3A_390 = arith.constant 5504 : index
    %swap3A_391 = arith.constant 0 : index
    %swap3A_392 = vector.load %arg3[%swap3A_390, %swap3A_391] : memref<8192x50xf32, #tpu.memory_space<vmem>>, vector<128x50xf32>
    tpu.vector_store %arg3[%swap3A_390, %swap3A_391], %transpose3A_389 {strides = array<i32>} : memref<8192x50xf32, #tpu.memory_space<vmem>>, vector<128x50xf32>,
    %get3A_393 = arith.constant 0 : index
    %get3A_394 = arith.constant 44 : index
    %get3A_395 = arith.constant 0 : index
    %get3A_396 = vector.load %arg1[%get3A_393, %get3A_394, %get3A_395] : memref<50x64x128xf32, #tpu.memory_space<vmem>>, vector<50x1x128xf32>
    %get3A_397 = vector.shape_cast %get3A_396 : vector<50x1x128xf32> to vector<50x128xf32>
    %transpose3A_398 = tpu.transpose %get3A_397, [1, 0] : vector<50x128xf32> -> vector<128x50xf32>
    %swap3A_399 = arith.constant 5632 : index
    %swap3A_400 = arith.constant 0 : index
    %swap3A_401 = vector.load %arg3[%swap3A_399, %swap3A_400] : memref<8192x50xf32, #tpu.memory_space<vmem>>, vector<128x50xf32>
    tpu.vector_store %arg3[%swap3A_399, %swap3A_400], %transpose3A_398 {strides = array<i32>} : memref<8192x50xf32, #tpu.memory_space<vmem>>, vector<128x50xf32>,
    %get3A_402 = arith.constant 0 : index
    %get3A_403 = arith.constant 45 : index
    %get3A_404 = arith.constant 0 : index
    %get3A_405 = vector.load %arg1[%get3A_402, %get3A_403, %get3A_404] : memref<50x64x128xf32, #tpu.memory_space<vmem>>, vector<50x1x128xf32>
    %get3A_406 = vector.shape_cast %get3A_405 : vector<50x1x128xf32> to vector<50x128xf32>
    %transpose3A_407 = tpu.transpose %get3A_406, [1, 0] : vector<50x128xf32> -> vector<128x50xf32>
    %swap3A_408 = arith.constant 5760 : index
    %swap3A_409 = arith.constant 0 : index
    %swap3A_410 = vector.load %arg3[%swap3A_408, %swap3A_409] : memref<8192x50xf32, #tpu.memory_space<vmem>>, vector<128x50xf32>
    tpu.vector_store %arg3[%swap3A_408, %swap3A_409], %transpose3A_407 {strides = array<i32>} : memref<8192x50xf32, #tpu.memory_space<vmem>>, vector<128x50xf32>,
    %get3A_411 = arith.constant 0 : index
    %get3A_412 = arith.constant 46 : index
    %get3A_413 = arith.constant 0 : index
    %get3A_414 = vector.load %arg1[%get3A_411, %get3A_412, %get3A_413] : memref<50x64x128xf32, #tpu.memory_space<vmem>>, vector<50x1x128xf32>
    %get3A_415 = vector.shape_cast %get3A_414 : vector<50x1x128xf32> to vector<50x128xf32>
    %transpose3A_416 = tpu.transpose %get3A_415, [1, 0] : vector<50x128xf32> -> vector<128x50xf32>
    %swap3A_417 = arith.constant 5888 : index
    %swap3A_418 = arith.constant 0 : index
    %swap3A_419 = vector.load %arg3[%swap3A_417, %swap3A_418] : memref<8192x50xf32, #tpu.memory_space<vmem>>, vector<128x50xf32>
    tpu.vector_store %arg3[%swap3A_417, %swap3A_418], %transpose3A_416 {strides = array<i32>} : memref<8192x50xf32, #tpu.memory_space<vmem>>, vector<128x50xf32>,
    %get3A_420 = arith.constant 0 : index
    %get3A_421 = arith.constant 47 : index
    %get3A_422 = arith.constant 0 : index
    %get3A_423 = vector.load %arg1[%get3A_420, %get3A_421, %get3A_422] : memref<50x64x128xf32, #tpu.memory_space<vmem>>, vector<50x1x128xf32>
    %get3A_424 = vector.shape_cast %get3A_423 : vector<50x1x128xf32> to vector<50x128xf32>
    %transpose3A_425 = tpu.transpose %get3A_424, [1, 0] : vector<50x128xf32> -> vector<128x50xf32>
    %swap3A_426 = arith.constant 6016 : index
    %swap3A_427 = arith.constant 0 : index
    %swap3A_428 = vector.load %arg3[%swap3A_426, %swap3A_427] : memref<8192x50xf32, #tpu.memory_space<vmem>>, vector<128x50xf32>
    tpu.vector_store %arg3[%swap3A_426, %swap3A_427], %transpose3A_425 {strides = array<i32>} : memref<8192x50xf32, #tpu.memory_space<vmem>>, vector<128x50xf32>,
    %get3A_429 = arith.constant 0 : index
    %get3A_430 = arith.constant 48 : index
    %get3A_431 = arith.constant 0 : index
    %get3A_432 = vector.load %arg1[%get3A_429, %get3A_430, %get3A_431] : memref<50x64x128xf32, #tpu.memory_space<vmem>>, vector<50x1x128xf32>
    %get3A_433 = vector.shape_cast %get3A_432 : vector<50x1x128xf32> to vector<50x128xf32>
    %transpose3A_434 = tpu.transpose %get3A_433, [1, 0] : vector<50x128xf32> -> vector<128x50xf32>
    %swap3A_435 = arith.constant 6144 : index
    %swap3A_436 = arith.constant 0 : index
    %swap3A_437 = vector.load %arg3[%swap3A_435, %swap3A_436] : memref<8192x50xf32, #tpu.memory_space<vmem>>, vector<128x50xf32>
    tpu.vector_store %arg3[%swap3A_435, %swap3A_436], %transpose3A_434 {strides = array<i32>} : memref<8192x50xf32, #tpu.memory_space<vmem>>, vector<128x50xf32>,
    %get3A_438 = arith.constant 0 : index
    %get3A_439 = arith.constant 49 : index
    %get3A_440 = arith.constant 0 : index
    %get3A_441 = vector.load %arg1[%get3A_438, %get3A_439, %get3A_440] : memref<50x64x128xf32, #tpu.memory_space<vmem>>, vector<50x1x128xf32>
    %get3A_442 = vector.shape_cast %get3A_441 : vector<50x1x128xf32> to vector<50x128xf32>
    %transpose3A_443 = tpu.transpose %get3A_442, [1, 0] : vector<50x128xf32> -> vector<128x50xf32>
    %swap3A_444 = arith.constant 6272 : index
    %swap3A_445 = arith.constant 0 : index
    %swap3A_446 = vector.load %arg3[%swap3A_444, %swap3A_445] : memref<8192x50xf32, #tpu.memory_space<vmem>>, vector<128x50xf32>
    tpu.vector_store %arg3[%swap3A_444, %swap3A_445], %transpose3A_443 {strides = array<i32>} : memref<8192x50xf32, #tpu.memory_space<vmem>>, vector<128x50xf32>,
    %get3A_447 = arith.constant 0 : index
    %get3A_448 = arith.constant 50 : index
    %get3A_449 = arith.constant 0 : index
    %get3A_450 = vector.load %arg1[%get3A_447, %get3A_448, %get3A_449] : memref<50x64x128xf32, #tpu.memory_space<vmem>>, vector<50x1x128xf32>
    %get3A_451 = vector.shape_cast %get3A_450 : vector<50x1x128xf32> to vector<50x128xf32>
    %transpose3A_452 = tpu.transpose %get3A_451, [1, 0] : vector<50x128xf32> -> vector<128x50xf32>
    %swap3A_453 = arith.constant 6400 : index
    %swap3A_454 = arith.constant 0 : index
    %swap3A_455 = vector.load %arg3[%swap3A_453, %swap3A_454] : memref<8192x50xf32, #tpu.memory_space<vmem>>, vector<128x50xf32>
    tpu.vector_store %arg3[%swap3A_453, %swap3A_454], %transpose3A_452 {strides = array<i32>} : memref<8192x50xf32, #tpu.memory_space<vmem>>, vector<128x50xf32>,
    %get3A_456 = arith.constant 0 : index
    %get3A_457 = arith.constant 51 : index
    %get3A_458 = arith.constant 0 : index
    %get3A_459 = vector.load %arg1[%get3A_456, %get3A_457, %get3A_458] : memref<50x64x128xf32, #tpu.memory_space<vmem>>, vector<50x1x128xf32>
    %get3A_460 = vector.shape_cast %get3A_459 : vector<50x1x128xf32> to vector<50x128xf32>
    %transpose3A_461 = tpu.transpose %get3A_460, [1, 0] : vector<50x128xf32> -> vector<128x50xf32>
    %swap3A_462 = arith.constant 6528 : index
    %swap3A_463 = arith.constant 0 : index
    %swap3A_464 = vector.load %arg3[%swap3A_462, %swap3A_463] : memref<8192x50xf32, #tpu.memory_space<vmem>>, vector<128x50xf32>
    tpu.vector_store %arg3[%swap3A_462, %swap3A_463], %transpose3A_461 {strides = array<i32>} : memref<8192x50xf32, #tpu.memory_space<vmem>>, vector<128x50xf32>,
    %get3A_465 = arith.constant 0 : index
    %get3A_466 = arith.constant 52 : index
    %get3A_467 = arith.constant 0 : index
    %get3A_468 = vector.load %arg1[%get3A_465, %get3A_466, %get3A_467] : memref<50x64x128xf32, #tpu.memory_space<vmem>>, vector<50x1x128xf32>
    %get3A_469 = vector.shape_cast %get3A_468 : vector<50x1x128xf32> to vector<50x128xf32>
    %transpose3A_470 = tpu.transpose %get3A_469, [1, 0] : vector<50x128xf32> -> vector<128x50xf32>
    %swap3A_471 = arith.constant 6656 : index
    %swap3A_472 = arith.constant 0 : index
    %swap3A_473 = vector.load %arg3[%swap3A_471, %swap3A_472] : memref<8192x50xf32, #tpu.memory_space<vmem>>, vector<128x50xf32>
    tpu.vector_store %arg3[%swap3A_471, %swap3A_472], %transpose3A_470 {strides = array<i32>} : memref<8192x50xf32, #tpu.memory_space<vmem>>, vector<128x50xf32>,
    %get3A_474 = arith.constant 0 : index
    %get3A_475 = arith.constant 53 : index
    %get3A_476 = arith.constant 0 : index
    %get3A_477 = vector.load %arg1[%get3A_474, %get3A_475, %get3A_476] : memref<50x64x128xf32, #tpu.memory_space<vmem>>, vector<50x1x128xf32>
    %get3A_478 = vector.shape_cast %get3A_477 : vector<50x1x128xf32> to vector<50x128xf32>
    %transpose3A_479 = tpu.transpose %get3A_478, [1, 0] : vector<50x128xf32> -> vector<128x50xf32>
    %swap3A_480 = arith.constant 6784 : index
    %swap3A_481 = arith.constant 0 : index
    %swap3A_482 = vector.load %arg3[%swap3A_480, %swap3A_481] : memref<8192x50xf32, #tpu.memory_space<vmem>>, vector<128x50xf32>
    tpu.vector_store %arg3[%swap3A_480, %swap3A_481], %transpose3A_479 {strides = array<i32>} : memref<8192x50xf32, #tpu.memory_space<vmem>>, vector<128x50xf32>,
    %get3A_483 = arith.constant 0 : index
    %get3A_484 = arith.constant 54 : index
    %get3A_485 = arith.constant 0 : index
    %get3A_486 = vector.load %arg1[%get3A_483, %get3A_484, %get3A_485] : memref<50x64x128xf32, #tpu.memory_space<vmem>>, vector<50x1x128xf32>
    %get3A_487 = vector.shape_cast %get3A_486 : vector<50x1x128xf32> to vector<50x128xf32>
    %transpose3A_488 = tpu.transpose %get3A_487, [1, 0] : vector<50x128xf32> -> vector<128x50xf32>
    %swap3A_489 = arith.constant 6912 : index
    %swap3A_490 = arith.constant 0 : index
    %swap3A_491 = vector.load %arg3[%swap3A_489, %swap3A_490] : memref<8192x50xf32, #tpu.memory_space<vmem>>, vector<128x50xf32>
    tpu.vector_store %arg3[%swap3A_489, %swap3A_490], %transpose3A_488 {strides = array<i32>} : memref<8192x50xf32, #tpu.memory_space<vmem>>, vector<128x50xf32>,
    %get3A_492 = arith.constant 0 : index
    %get3A_493 = arith.constant 55 : index
    %get3A_494 = arith.constant 0 : index
    %get3A_495 = vector.load %arg1[%get3A_492, %get3A_493, %get3A_494] : memref<50x64x128xf32, #tpu.memory_space<vmem>>, vector<50x1x128xf32>
    %get3A_496 = vector.shape_cast %get3A_495 : vector<50x1x128xf32> to vector<50x128xf32>
    %transpose3A_497 = tpu.transpose %get3A_496, [1, 0] : vector<50x128xf32> -> vector<128x50xf32>
    %swap3A_498 = arith.constant 7040 : index
    %swap3A_499 = arith.constant 0 : index
    %swap3A_500 = vector.load %arg3[%swap3A_498, %swap3A_499] : memref<8192x50xf32, #tpu.memory_space<vmem>>, vector<128x50xf32>
    tpu.vector_store %arg3[%swap3A_498, %swap3A_499], %transpose3A_497 {strides = array<i32>} : memref<8192x50xf32, #tpu.memory_space<vmem>>, vector<128x50xf32>,
    %get3A_501 = arith.constant 0 : index
    %get3A_502 = arith.constant 56 : index
    %get3A_503 = arith.constant 0 : index
    %get3A_504 = vector.load %arg1[%get3A_501, %get3A_502, %get3A_503] : memref<50x64x128xf32, #tpu.memory_space<vmem>>, vector<50x1x128xf32>
    %get3A_505 = vector.shape_cast %get3A_504 : vector<50x1x128xf32> to vector<50x128xf32>
    %transpose3A_506 = tpu.transpose %get3A_505, [1, 0] : vector<50x128xf32> -> vector<128x50xf32>
    %swap3A_507 = arith.constant 7168 : index
    %swap3A_508 = arith.constant 0 : index
    %swap3A_509 = vector.load %arg3[%swap3A_507, %swap3A_508] : memref<8192x50xf32, #tpu.memory_space<vmem>>, vector<128x50xf32>
    tpu.vector_store %arg3[%swap3A_507, %swap3A_508], %transpose3A_506 {strides = array<i32>} : memref<8192x50xf32, #tpu.memory_space<vmem>>, vector<128x50xf32>,
    %get3A_510 = arith.constant 0 : index
    %get3A_511 = arith.constant 57 : index
    %get3A_512 = arith.constant 0 : index
    %get3A_513 = vector.load %arg1[%get3A_510, %get3A_511, %get3A_512] : memref<50x64x128xf32, #tpu.memory_space<vmem>>, vector<50x1x128xf32>
    %get3A_514 = vector.shape_cast %get3A_513 : vector<50x1x128xf32> to vector<50x128xf32>
    %transpose3A_515 = tpu.transpose %get3A_514, [1, 0] : vector<50x128xf32> -> vector<128x50xf32>
    %swap3A_516 = arith.constant 7296 : index
    %swap3A_517 = arith.constant 0 : index
    %swap3A_518 = vector.load %arg3[%swap3A_516, %swap3A_517] : memref<8192x50xf32, #tpu.memory_space<vmem>>, vector<128x50xf32>
    tpu.vector_store %arg3[%swap3A_516, %swap3A_517], %transpose3A_515 {strides = array<i32>} : memref<8192x50xf32, #tpu.memory_space<vmem>>, vector<128x50xf32>,
    %get3A_519 = arith.constant 0 : index
    %get3A_520 = arith.constant 58 : index
    %get3A_521 = arith.constant 0 : index
    %get3A_522 = vector.load %arg1[%get3A_519, %get3A_520, %get3A_521] : memref<50x64x128xf32, #tpu.memory_space<vmem>>, vector<50x1x128xf32>
    %get3A_523 = vector.shape_cast %get3A_522 : vector<50x1x128xf32> to vector<50x128xf32>
    %transpose3A_524 = tpu.transpose %get3A_523, [1, 0] : vector<50x128xf32> -> vector<128x50xf32>
    %swap3A_525 = arith.constant 7424 : index
    %swap3A_526 = arith.constant 0 : index
    %swap3A_527 = vector.load %arg3[%swap3A_525, %swap3A_526] : memref<8192x50xf32, #tpu.memory_space<vmem>>, vector<128x50xf32>
    tpu.vector_store %arg3[%swap3A_525, %swap3A_526], %transpose3A_524 {strides = array<i32>} : memref<8192x50xf32, #tpu.memory_space<vmem>>, vector<128x50xf32>,
    %get3A_528 = arith.constant 0 : index
    %get3A_529 = arith.constant 59 : index
    %get3A_530 = arith.constant 0 : index
    %get3A_531 = vector.load %arg1[%get3A_528, %get3A_529, %get3A_530] : memref<50x64x128xf32, #tpu.memory_space<vmem>>, vector<50x1x128xf32>
    %get3A_532 = vector.shape_cast %get3A_531 : vector<50x1x128xf32> to vector<50x128xf32>
    %transpose3A_533 = tpu.transpose %get3A_532, [1, 0] : vector<50x128xf32> -> vector<128x50xf32>
    %swap3A_534 = arith.constant 7552 : index
    %swap3A_535 = arith.constant 0 : index
    %swap3A_536 = vector.load %arg3[%swap3A_534, %swap3A_535] : memref<8192x50xf32, #tpu.memory_space<vmem>>, vector<128x50xf32>
    tpu.vector_store %arg3[%swap3A_534, %swap3A_535], %transpose3A_533 {strides = array<i32>} : memref<8192x50xf32, #tpu.memory_space<vmem>>, vector<128x50xf32>,
    %get3A_537 = arith.constant 0 : index
    %get3A_538 = arith.constant 60 : index
    %get3A_539 = arith.constant 0 : index
    %get3A_540 = vector.load %arg1[%get3A_537, %get3A_538, %get3A_539] : memref<50x64x128xf32, #tpu.memory_space<vmem>>, vector<50x1x128xf32>
    %get3A_541 = vector.shape_cast %get3A_540 : vector<50x1x128xf32> to vector<50x128xf32>
    %transpose3A_542 = tpu.transpose %get3A_541, [1, 0] : vector<50x128xf32> -> vector<128x50xf32>
    %swap3A_543 = arith.constant 7680 : index
    %swap3A_544 = arith.constant 0 : index
    %swap3A_545 = vector.load %arg3[%swap3A_543, %swap3A_544] : memref<8192x50xf32, #tpu.memory_space<vmem>>, vector<128x50xf32>
    tpu.vector_store %arg3[%swap3A_543, %swap3A_544], %transpose3A_542 {strides = array<i32>} : memref<8192x50xf32, #tpu.memory_space<vmem>>, vector<128x50xf32>,
    %get3A_546 = arith.constant 0 : index
    %get3A_547 = arith.constant 61 : index
    %get3A_548 = arith.constant 0 : index
    %get3A_549 = vector.load %arg1[%get3A_546, %get3A_547, %get3A_548] : memref<50x64x128xf32, #tpu.memory_space<vmem>>, vector<50x1x128xf32>
    %get3A_550 = vector.shape_cast %get3A_549 : vector<50x1x128xf32> to vector<50x128xf32>
    %transpose3A_551 = tpu.transpose %get3A_550, [1, 0] : vector<50x128xf32> -> vector<128x50xf32>
    %swap3A_552 = arith.constant 7808 : index
    %swap3A_553 = arith.constant 0 : index
    %swap3A_554 = vector.load %arg3[%swap3A_552, %swap3A_553] : memref<8192x50xf32, #tpu.memory_space<vmem>>, vector<128x50xf32>
    tpu.vector_store %arg3[%swap3A_552, %swap3A_553], %transpose3A_551 {strides = array<i32>} : memref<8192x50xf32, #tpu.memory_space<vmem>>, vector<128x50xf32>,
    %get3A_555 = arith.constant 0 : index
    %get3A_556 = arith.constant 62 : index
    %get3A_557 = arith.constant 0 : index
    %get3A_558 = vector.load %arg1[%get3A_555, %get3A_556, %get3A_557] : memref<50x64x128xf32, #tpu.memory_space<vmem>>, vector<50x1x128xf32>
    %get3A_559 = vector.shape_cast %get3A_558 : vector<50x1x128xf32> to vector<50x128xf32>
    %transpose3A_560 = tpu.transpose %get3A_559, [1, 0] : vector<50x128xf32> -> vector<128x50xf32>
    %swap3A_561 = arith.constant 7936 : index
    %swap3A_562 = arith.constant 0 : index
    %swap3A_563 = vector.load %arg3[%swap3A_561, %swap3A_562] : memref<8192x50xf32, #tpu.memory_space<vmem>>, vector<128x50xf32>
    tpu.vector_store %arg3[%swap3A_561, %swap3A_562], %transpose3A_560 {strides = array<i32>} : memref<8192x50xf32, #tpu.memory_space<vmem>>, vector<128x50xf32>,
    %get3A_564 = arith.constant 0 : index
    %get3A_565 = arith.constant 63 : index
    %get3A_566 = arith.constant 0 : index
    %get3A_567 = vector.load %arg1[%get3A_564, %get3A_565, %get3A_566] : memref<50x64x128xf32, #tpu.memory_space<vmem>>, vector<50x1x128xf32>
    %get3A_568 = vector.shape_cast %get3A_567 : vector<50x1x128xf32> to vector<50x128xf32>
    %transpose3A_569 = tpu.transpose %get3A_568, [1, 0] : vector<50x128xf32> -> vector<128x50xf32>
    %swap3A_570 = arith.constant 8064 : index
    %swap3A_571 = arith.constant 0 : index
    %swap3A_572 = vector.load %arg3[%swap3A_570, %swap3A_571] : memref<8192x50xf32, #tpu.memory_space<vmem>>, vector<128x50xf32>
    tpu.vector_store %arg3[%swap3A_570, %swap3A_571], %transpose3A_569 {strides = array<i32>} : memref<8192x50xf32, #tpu.memory_space<vmem>>, vector<128x50xf32>,
    return
  }
  func.func @transform_0(%arg0: i32) -> (i32, i32, i32) {
    %c0_i32 = arith.constant 0 : i32
    %c0_i32_0 = arith.constant 0 : i32
    %c0_i32_1 = arith.constant 0 : i32
    return %c0_i32, %arg0, %c0_i32_0 : i32, i32, i32
  }
  func.func @transform_2(%arg0: i32) -> (i32, i32) {
    %add3A = arith.constant 208 : i32
    %add3A_0 = arith.addi %add3A, %arg0 : i32
    %c0_i32 = arith.constant 0 : i32
    %c0_i32_1 = arith.constant 0 : i32
    return %add3A_0, %c0_i32 : i32, i32
  }
}

</mosaic_0001>

<sc_bundles>
// kernel: kernel.6.cloned.1.call-start
scs
__scs_entry_jumppad:
0x0: {  	(pc) =	sbr.rel $0x88, $3  }
0x1: {  	(tag) =	ssettag $0x0;
	lr =	simm.s32 $0x1  }
0x2: {  	[smem:$0x3F9F] =	sst lr;
	_ =	strace $0xD0000000  }
0x3: {  	_ = 	snop  }
0x4: {  	_ = 	snop  }
0x5: {  	_ = 	snop  }
0x6: {  	_ = 	snop  }
0x7: {  	_ = 	snop  }
__scs_overlays_trampoline_lowered:
0x8: {  	[smem:$0x3FAE] =	sst s0  }
0x9: {  	[smem:$0x3FAF] =	sst s1  }
0xa: {  	[smem:$0x3FB0] =	sst s2  }
0xb: {  	[smem:$0x3FB1] =	sst s3  }
0xc: {  	[smem:$0x3FB2] =	sst s4  }
0xd: {  	[smem:$0x3FB3] =	sst s5  }
0xe: {  	[smem:$0x3FB4] =	sst s6  }
0xf: {  	[smem:$0x3FB5] =	sst s7  }
0x10: {  	[smem:$0x3FB6] =	sst s8  }
0x11: {  	[smem:$0x3FB7] =	sst s9;
	s0 =	simm.s32 @!p0 $0x0  }
0x12: {  	s1 =	sld [smem:$0x3F9D];
	s0 =	simm.s32 @p0 $0x1  }
0x13: {  	[smem:$0x3FB8] =	sst s0;
	s0 =	simm.s32 @!p1 $0x0  }
0x14: {  	s2 =	sld [smem:$0x3F9C];
	s0 =	simm.s32 @p1 $0x1  }
0x15: {  	[smem:$0x3FB9] =	sst s0;
	s0 =	simm.s32 @!p2 $0x0  }
0x16: {  	s3 =	sld [smem:$0x3FDB];
	s0 =	simm.s32 @p2 $0x1  }
0x17: {  	s4 =	simm.s32 $0x1BF5;
	[smem:$0x3FBB] =	sst s0  }
0x18: {  	s0 =	sld [smem:$0x3F9E];
	_ =	swait.ge [sflag:s4], $0x0  }
0x19: {  	s7 =	sld [smem:$0x3F9F]  }
0x1a: {  	s8 =	sadd.s32 $0xFFFFE003, lr  }
0x1b: {  	s9 =	sadd.s32 $0xFFFFFEF7, lr;
	s5 =	simm.s32 $0xFFFFFFFF;
	p2 =	slt.u32 s8, $0xFFFFF086  }
0x1c: {  	p1 =	slt.u32 s9, $0xF7A;
	s5 =	simm.s32 @!p2 $0x0  }
0x1d: {  	s5 =	simm.s32 @p1 $0x1;
	p0 =	seq.s32 s7, s2  }
0x1e: {  	s7 =	smul.u32 @!p0 $0xF7A, s2;
	p2 =	seq.s32 @!p0 s5, $0x0  }
0x1f: {  	s9 =	smul.u32 $0xF7A, s1;
	s8 =	simm.s32 @!p0 $0x1BF5;
	p2 =	por !p2, p0  }
0x20: {  	[sflag:s8] =	ssyncset.s32 @!p0 $0xFFFFF086;
	s6 =	sadd.s32 @!p0 s3, s7;
	s7 =	simm.s32 @!p0 $0x108  }
0x21: {  	s3 =	sadd.s32 s3, s9;
	s6 =	sadd.s32 @!p0 $0x88, s6;
	s7 =	simm.s32 @p2 $0x1082  }
0x22: {  	[simem:s7], [sflag:s8] =	dma.local @!p0 [hbm:s6], $0xF7A  }
0x23: {  	s9 =	sor.u32 $0xD0000000, s2;
	s6 =	simm.s32 $0x108;
	_ =	swait.ge @!p0 [sflag:s8], $0x0  }
0x24: {  	s3 =	sadd.s32 $0x88, s3;
	s6 =	simm.s32 @!p1 $0x1082;
	[sflag:s4] =	ssyncset.s32 $0xFFFFF086  }
0x25: {  	[simem:s6], [sflag:s4] =	dma.local [hbm:s3], $0xF7A  }
0x26: {  	[smem:$0x3F9F] =	sst s1;
	(tag) =	ssettag s2;
	_ =	strace s9  }
0x27: {  	s1 =	sld [smem:$0x3FAF]  }
0x28: {  	s2 =	sld [smem:$0x3FB0]  }
0x29: {  	s4 =	sld [smem:$0x3FB2]  }
0x2a: {  	p0 =	seq.s32 s5, $0x0;
	s5 =	sld [smem:$0x3FB3]  }
0x2b: {  	s6 =	sld [smem:$0x3FB4]  }
0x2c: {  	s7 =	sld [smem:$0x3FB5]  }
0x2d: {  	s3 =	simm.s32 $0x108;
	s8 =	sld [smem:$0x3FB6]  }
0x2e: {  	s3 =	simm.s32 @!p0 $0x1082;
	s9 =	sld [smem:$0x3FB7]  }
0x2f: {  	lr =	sadd.s32 s0, s3;
	s0 =	sld [smem:$0x3FAE]  }
0x30: {  	s3 =	sld [smem:$0x3FB1]  }
0x31: {  	[smem:$0x3FBA] =	sst s10  }
0x32: {  	s10 =	sld [smem:$0x3FB8];
	_ =	sdelay $0x3  }
0x33: {  	p0 =	seq.s32 s10, $0x1;
	s10 =	sld [smem:$0x3FBA];
	_ =	sdelay $0x3  }
0x34: {  	[smem:$0x3FBA] =	sst s10  }
0x35: {  	s10 =	sld [smem:$0x3FB9];
	_ =	sdelay $0x3  }
0x36: {  	p1 =	seq.s32 s10, $0x1;
	s10 =	sld [smem:$0x3FBA];
	_ =	sdelay $0x3  }
0x37: {  	[smem:$0x3FBA] =	sst s10  }
0x38: {  	s10 =	sld [smem:$0x3FBB]  }
0x39: {  	_ = 	snop;
	(pc) =	sbr.ind lr, $3  }
0x3a: {  	_ = 	snop  }
0x3b: {  	_ = 	snop  }
0x3c: {  	p2 =	seq.s32 s10, $0x1;
	s10 =	sld [smem:$0x3FBA]  }
0x3d: {  	_ =	shalt  }
0x3e: {  	_ =	shalt  }
0x3f: {  	_ =	shalt  }
0x40: {  	_ =	shalt  }
0x41: {  	_ =	shalt  }
0x42: {  	_ =	shalt  }
0x43: {  	_ =	shalt  }
0x44: {  	_ =	shalt  }
0x45: {  	_ =	shalt  }
0x46: {  	_ =	shalt  }
0x47: {  	_ =	shalt  }
0x48: {  	_ =	shalt  }
0x49: {  	_ =	shalt  }
0x4a: {  	_ =	shalt  }
0x4b: {  	_ =	shalt  }
0x4c: {  	_ =	shalt  }
0x4d: {  	_ =	shalt  }
0x4e: {  	_ =	shalt  }
0x4f: {  	_ =	shalt  }
0x50: {  	_ =	shalt  }
0x51: {  	_ =	shalt  }
0x52: {  	_ =	shalt  }
0x53: {  	_ =	shalt  }
0x54: {  	_ =	shalt  }
0x55: {  	_ =	shalt  }
0x56: {  	_ =	shalt  }
0x57: {  	_ =	shalt  }
0x58: {  	_ =	shalt  }
0x59: {  	_ =	shalt  }
0x5a: {  	_ =	shalt  }
0x5b: {  	_ =	shalt  }
0x5c: {  	_ =	shalt  }
0x5d: {  	_ =	shalt  }
0x5e: {  	_ =	shalt  }
0x5f: {  	_ =	shalt  }
0x60: {  	_ =	shalt  }
0x61: {  	_ =	shalt  }
0x62: {  	_ =	shalt  }
0x63: {  	_ =	shalt  }
0x64: {  	_ =	shalt  }
0x65: {  	_ =	shalt  }
0x66: {  	_ =	shalt  }
0x67: {  	_ =	shalt  }
0x68: {  	_ =	shalt  }
0x69: {  	_ =	shalt  }
0x6a: {  	_ =	shalt  }
0x6b: {  	_ =	shalt  }
0x6c: {  	_ =	shalt  }
0x6d: {  	_ =	shalt  }
0x6e: {  	_ =	shalt  }
0x6f: {  	_ =	shalt  }
0x70: {  	_ =	shalt  }
0x71: {  	_ =	shalt  }
0x72: {  	_ =	shalt  }
0x73: {  	_ =	shalt  }
0x74: {  	_ =	shalt  }
0x75: {  	_ =	shalt  }
0x76: {  	_ =	shalt  }
0x77: {  	_ =	shalt  }
0x78: {  	_ =	shalt  }
0x79: {  	_ =	shalt  }
0x7a: {  	_ =	shalt  }
0x7b: {  	_ =	shalt  }
0x7c: {  	_ =	shalt  }
0x7d: {  	_ =	shalt  }
0x7e: {  	_ =	shalt  }
0x7f: {  	_ =	shalt  }
0x80: {  	_ =	shalt  }
0x81: {  	_ =	shalt  }
0x82: {  	_ =	shalt  }
0x83: {  	_ =	shalt  }
0x84: {  	_ =	shalt  }
0x85: {  	_ =	shalt  }
0x86: {  	_ =	shalt  }
0x87: {  	_ =	shalt  }
.Lfunc_end0:
.L_simem_size_0:
called_computation.1_lowered:
.L_overlay_start_0:
0x88: {  	s2 =	sld [smem:$0x3FD9]  }
0x89: {  	s3 =	sld [smem:$0x3FFE];
	_ =	sdelay $0x1  }
0x8a: {  	s1 =	srdreg.scid  }
0x8b: {  	s0 =	sand.u32 $0x1, s1  }
0x8c: {  	s16 =	sshll.u32 s0, $0xA;
	s2 =	sadd.s32 s3, s2  }
0x8d: {  	s2 =	sadd.s32 s2, s16  }
0x8e: {  	[smem:$0x3FC6] =	sst s2  }
0x8f: {  	_ = 	snop  }
0x90: {  	(tm) =	ssettm $0x1  }
0x91: {  	s17 =	sld [smem:$0x3FFB];
	_ =	sdelay $0x3  }
0x92: {  	_ =	strace s17  }
0x93: {  	s2 =	sld [smem:$0x3FFC];
	_ =	sdelay $0x3  }
0x94: {  	_ =	strace s2  }
0x95: {  	s2 =	sld [smem:$0x3FFD];
	_ =	sdelay $0x3  }
0x96: {  	_ =	strace s2  }
0x97: {  	_ =	strace $0x8FFFFFFF  }
0x98: {  	s18 =	sld [smem:$0x3FDB];
	_ =	sdelay $0x1  }
0x99: {  	s19 =	simm.s32 $_scs_section_size  }
0x9a: {  	s4 =	simm.s32 $_size__tile_overlayer_lowered;
	s5 =	simm.s32 $_tile_overlayer_lowered  }
0x9b: {  	s22 =	simm.s32 $0x1BFF;
	s21 =	sshll.u32 s5, $0x1;
	s2 =	sadd.s32 s19, s18  }
0x9c: {  	s6 =	simm.s32 $0x0;
	s20 =	sshll.u32 s4, $0x1;
	s4 =	sadd.s32 s21, s2  }
0x9d: {  	[timem:s6], [sflag:s22] =	dma.local [hbm:s4], s20  }
0x9e: {  	_ =	swait.ge [sflag:s22], s20  }
0x9f: {  	s3 =	ssub.s32 $0x0, s20;
	[sflag:s22] =	ssyncset.done $0x0  }
0xa0: {  	[sflag:s22] =	ssyncadd.s32 s3;
	_ =	sdelay $0x1  }
0xa1: {  	s23 =	simm.s32 $0x1B8B  }
0xa2: {  	_ =	swait.ge [sflag:s23], $0x1  }
0xa3: {  	[sflag:s23] =	ssyncset.done $0x0  }
0xa4: {  	s25 =	simm.s32 $0x1B8E;
	s24 =	sld [smem:$0x3FFE];
	[sflag:s23] =	ssyncadd.s32 $0xFFFFFFFF  }
0xa5: {  	s26 =	simm.s32 $execute0_lowered;
	[smem:$0x3FD2] =	sst s25  }
0xa6: {  	s4 =	sshll.u32 s26, $0x1;
	_ =	strace $0x80000046;
	[dreg:$0x1] =	wrdreg $0xFFFFFFFF  }
0xa7: {  	s28 =	simm.s32 $_size_execute0_lowered;
	s2 =	sadd.s32 s2, s4;
	[dreg:$0x0] =	wrdreg $0x0  }
0xa8: {  	s4 =	sshll.u32 s28, $0x1;
	[dreg:$0x2] =	wrdreg s2  }
0xa9: {  	[dreg:$0x3] =	wrdreg s4  }
0xaa: {  	[dreg:$0x4] =	wrdreg $0xC0  }
0xab: {  	_ =	task [dreg:s6], $0x5FFFF  }
0xac: {  	[dreg:$0x1] =	wrdreg $0xFFFFFFFF  }
0xad: {  	[dreg:$0x0] =	wrdreg $0x60  }
0xae: {  	[dreg:$0x2] =	wrdreg s24  }
0xaf: {  	[dreg:$0x3] =	wrdreg $0x9  }
0xb0: {  	_ =	task.clear_ibuf [dreg:s6], $0x4FFFF;
	_ =	strace $0x90000046  }
0xb1: {  	s29 =	simm.s32 $0x9;
	_ =	strace $0x80000048  }
0xb2: {  	_ =	swait.ge [sflag:s29], $0x1  }
0xb3: {  	[sflag:s29] =	ssyncadd.s32 $0xFFFFFFFF  }
0xb4: {  	_ =	strace $0x90000048  }
0xb5: {  	_ =	sfence  }
0xb6: {  	s30 =	sld [smem:$0x0];
	_ =	sdelay $0x2  }
0xb7: {  	s31 =	sshll.u32 s1, $0xD;
	s1 =	sshrl.u32 s1, $0x2  }
0xb8: {  	s3 =	sand.u32 $0x4000, s31;
	s1 =	sadd.s32 s1, s30  }
0xb9: {  	s0 =	sor.u32 s3, s0;
	s1 =	sshll.u32 s1, $0x11  }
0xba: {  	s0 =	sor.u32 s1, s0  }
0xbb: {  	s0 =	sadd.s32 $0x8F2B, s0  }
0xbc: {  	[sflag:s0] =	ssyncadd.remote.s32 $0x1  }
0xbd: {  	_ =	sfence.sel $0xFFFF  }
0xbe: {  	[dreg:$0x0] =	wrdreg $0xFFFFFFFF;
	(pc) =	sbr.abs _section_cstart, $3  }
0xbf: {  	[dreg:$0x1] =	wrdreg $0xFFFFFFFF  }
0xc0: {  	_ =	task.clear_ibuf [dreg:s6], $0x2FFFF;
	_ =	strace $0x9FFFFFFF  }
0xc1: {  	(tm) =	ssettm $0x7FFFFFFF  }
tec
execute0_lowered:
.L_overlay_start_1:
0x0: {  	(tag) =	ssettag $0x1  }
0x1: {  	s0 =	rddreg [dreg:$0x0]  }
0x2: {  	s2 =	simm.s32 $0x0;
	s1 =	srdreg.scid;
	s3 =	stileid.u32  }
0x3: {  	s10 =	simm.s32 $0x280;
	s11 =	simm.s32 $0x1;
	s12 =	simm.s32 $0x80  }
0x4: {  	s21 =	simm.s32 $0x2;
	s22 =	simm.s32 $0x5500;
	s23 =	simm.s32 $0x300  }
0x5: {  	s28 =	simm.s32 $0x400;
	s29 =	simm.s32 $0x8500;
	s30 =	simm.s32 $0x480  }
0x6: {  	s31 =	simm.s32 $0x9500;
	s13 =	simm.s32 $0x4;
	s14 =	simm.s32 $0xF500  }
0x7: {  	s15 =	simm.s32 $0x5;
	s16 =	simm.s32 $0x6;
	s17 =	simm.s32 $0x0  }
0x8: {  	[smem:$0x7FF] =	sst s2;
	s1 =	sand.u32 $0x1, s1;
	s3 =	sshll.u32 s3, $0x1  }
0x9: {  	s4 =	sadd.s32 $0x1000, s0;
	s5 =	sadd.s32 $0xB7000, s0;
	s6 =	sor.u32 s1, s3  }
0xa: {  	_ =	strace $0x80000047;
	s1 =	ssub.s32 $0x2, s1;
	s9 =	smul.u32 $0x28A0, s6  }
0xb: {  	s3 =	sadd.s32 $0x2863400, s0;
	s7 =	smul.u32 $0x14500, s6;
	s8 =	sshrl.u32 s1, $0x1  }
0xc: {  	s6 =	smul.u32 $0x82, s6;
	s24 =	ssub.s32 s1, s8;
	s26 =	sadd.s32 s4, s9  }
0xd: {  	s25 =	sshrl.u32 s7, $0x3;
	s0 =	smax.u32 s24, $0x1;
	[dreg:$0x2] =	wrdreg s26  }
0xe: {  	s24 =	simm.s32 $0x6500;
	s1 =	sadd.s32 s4, s25;
	[dreg:$0x4] =	wrdreg s0  }
0xf: {  	s25 =	simm.s32 $0x380;
	s26 =	simm.s32 $0x7500;
	s1 =	sadd.s32 $0x50, s1  }
0x10: {  	s0 =	simm.s32 $0x3;
	[dreg:$0x3] =	wrdreg s1;
	s1 =	simm.s32 $0xA500  }
.LBB2_1:
0x11: {  	s7 =	rddreg [dreg:$0x2]  }
0x12: {  	[tilespmem:s2], [sflag:$0x1] =	stream.linear.gather [hbm4b:s7+s2], $0x280, $0x38;
	[tilespmem:$0x14500] =	vst v63  }
0x13: {  	s9 =	rddreg [dreg:$0x3]  }
0x14: {  	[tilespmem:s10], [sflag:$0x2] =	stream.linear.gather [hbm4b:s9+s2], $0x280, $0x38;
	[tilespmem:$0x14500] =	vst v63  }
0x15: {  	_ =	swait.ge [sflag:s11], $0x280  }
0x16: {  	[sflag:s11] =	ssyncset.done $0x0  }
0x17: {  	s18 =	simm.s32 $0x500;
	[sflag:s11] =	ssyncadd.s32 $0xFFFFFD80  }
0x18: {  	[tilespmem:s18], [sflag:$0x3] =	stream.indirect.gather [hbm4b:s3+s12], $0x20, s2, s12, $0xb8;
	[tilespmem:$0x14500] =	vst v63  }
0x19: {  	s19 =	simm.s32 $0x1500  }
0x1a: {  	[tilespmem:s19], [sflag:$0x3] =	stream.indirect.gather [hbm4b:s3+s12], $0x20, s12, s12, $0xb8;
	[tilespmem:$0x14500] =	vst v63  }
0x1b: {  	s20 =	simm.s32 $0x100;
	s8 =	simm.s32 $0x2500  }
0x1c: {  	[tilespmem:s8], [sflag:$0x3] =	stream.indirect.gather [hbm4b:s3+s12], $0x20, s20, s12, $0xb8;
	[tilespmem:$0x14500] =	vst v63  }
0x1d: {  	s9 =	simm.s32 $0x180;
	s18 =	simm.s32 $0x3500  }
0x1e: {  	[tilespmem:s18], [sflag:$0x3] =	stream.indirect.gather [hbm4b:s3+s12], $0x20, s9, s12, $0xb8;
	[tilespmem:$0x14500] =	vst v63  }
0x1f: {  	s19 =	simm.s32 $0x200;
	s20 =	simm.s32 $0x4500;
	s18 =	simm.s32 $0x0  }
0x20: {  	[tilespmem:s20], [sflag:$0x3] =	stream.indirect.gather [hbm4b:s3+s12], $0x20, s19, s12, $0xb8;
	[tilespmem:$0x14500] =	vst v63  }
.LBB2_2:
0x21: {  	_ =	swait.ge [sflag:s21], $0x280  }
0x22: {  	[sflag:s21] =	ssyncset.done $0x0  }
0x23: {  	[sflag:s21] =	ssyncadd.s32 $0xFFFFFD80  }
0x24: {  	[tilespmem:s22], [sflag:$0x4] =	stream.indirect.gather [hbm4b:s3+s12], $0x20, s10, s12, $0xb8;
	[tilespmem:$0x14500] =	vst v63  }
0x25: {  	_ = 	snop  }
0x26: {  	[tilespmem:s24], [sflag:$0x4] =	stream.indirect.gather [hbm4b:s3+s12], $0x20, s23, s12, $0xb8;
	[tilespmem:$0x14500] =	vst v63  }
0x27: {  	_ = 	snop  }
0x28: {  	[tilespmem:s26], [sflag:$0x4] =	stream.indirect.gather [hbm4b:s3+s12], $0x20, s25, s12, $0xb8;
	[tilespmem:$0x14500] =	vst v63  }
0x29: {  	_ = 	snop  }
0x2a: {  	[tilespmem:s29], [sflag:$0x4] =	stream.indirect.gather [hbm4b:s3+s12], $0x20, s28, s12, $0xb8;
	[tilespmem:$0x14500] =	vst v63  }
0x2b: {  	_ = 	snop  }
0x2c: {  	[tilespmem:s31], [sflag:$0x4] =	stream.indirect.gather [hbm4b:s3+s12], $0x20, s30, s12, $0xb8;
	[tilespmem:$0x14500] =	vst v63  }
0x2d: {  	_ =	swait.ge [sflag:s0], $0x1000  }
0x2e: {  	[sflag:s0] =	ssyncset.done $0x0  }
0x2f: {  	[sflag:s0] =	ssyncadd.s32 $0xFFFFF000  }
0x30: {  	_ =	swait.ge [sflag:s0], $0x1000  }
0x31: {  	[sflag:s0] =	ssyncset.done $0x0  }
0x32: {  	[sflag:s0] =	ssyncadd.s32 $0xFFFFF000  }
0x33: {  	_ =	swait.ge [sflag:s0], $0x1000  }
0x34: {  	[sflag:s0] =	ssyncset.done $0x0  }
0x35: {  	s19 =	sshll.u32 s18, $0x1;
	p0 =	seq.s32 s18, $0x40;
	[sflag:s0] =	ssyncadd.s32 $0xFFFFF000  }
0x36: {  	s7 =	sadd.s32 @!p0 s6, s19;
	p1 =	seq.s32 @!p0 s18, $0x0;
	_ =	swait.ge [sflag:s0], $0x1000  }
0x37: {  	s7 =	smul.u32 @!p0 $0x280, s7;
	p1 =	por p0, !p1;
	[sflag:s0] =	ssyncset.done $0x0  }
.Ltmp0:
0x38: {  	[sflag:s0] =	ssyncadd.s32 $0xFFFFF000;
	(pc) =	sbr.rel @!p1 .LBB2_3-.Ltmp0, $4  }
0x39: {  	s7 =	sshrl.u32 @!p0 s7, $0x3;
	_ =	swait.ge [sflag:s0], $0x1000  }
0x3a: {  	s7 =	sadd.s32 @!p0 s4, s7;
	[sflag:s0] =	ssyncset.done $0x0  }
0x3b: {  	s8 =	simm.s32 @!p0 $0x0;
	s7 =	sadd.s32 @!p0 $0xA0, s7;
	[sflag:s0] =	ssyncadd.s32 $0xFFFFF000  }
0x3c: {  	[tilespmem:s8], [sflag:$0x1] =	stream.linear.gather @!p0 [hbm4b:s7+s8], $0x280, $0x38;
	[tilespmem:$0x14500] =	vst v63  }
.Ltmp1:
0x3d: {  	(pc) =	sbr.rel .LBB2_5-.Ltmp1, $4  }
0x3e: {  	_ = 	snop  }
0x3f: {  	_ =	swait.ge [sflag:s15], $0x5000  }
0x40: {  	[sflag:s15] =	ssyncset.done $0x0  }
0x41: {  	p1 =	por $0x0, $0x0;
	[sflag:s15] =	ssyncadd.s32 $0xFFFFB000  }
.LBB2_3:
0x42: {  	p1 =	por @!p0 $0x1, $0x1  }
.LBB2_5:
0x43: {  	s20 =	simm.s32 $0x0  }
0x44: {  	v3 =	vld [tilespmem:s20+$0x570]  }
0x45: {  	v4 =	vld [tilespmem:s20+$0x500]  }
0x46: {  	v5 =	vld [tilespmem:s20+$0x510]  }
0x47: {  	v2 =	vld [tilespmem:s20+$0x520]  }
0x48: {  	v0 =	vld [tilespmem:s20+$0x530]  }
0x49: {  	v1 =	vld [tilespmem:s20+$0x540];
	[tilespmem:s20+$0xA570] =	vst v3  }
0x4a: {  	[tilespmem:s20+$0xA500] =	vst v4;
	v3 =	vld [tilespmem:s20+$0x550]  }
0x4b: {  	s7 =	simm.s32 $0x80;
	s8 =	simm.s32 $0x400;
	[tilespmem:s20+$0xA510] =	vst v5;
	v4 =	vld [tilespmem:s20+$0x560]  }
.LBB2_6:
0x4c: {  	p2 =	sne.s32 s8, $0x13E00;
	v5 =	vld [tilespmem:s7+$0x570];
	[tilespmem:s20+$0xA520] =	vst v2  }
0x4d: {  	v6 =	vld [tilespmem:s7+$0x500];
	[tilespmem:s20+$0xA530] =	vst v0  }
0x4e: {  	v7 =	vld [tilespmem:s7+$0x510];
	[tilespmem:s20+$0xA540] =	vst v1  }
.Ltmp2:
0x4f: {  	v2 =	vld [tilespmem:s7+$0x520];
	[tilespmem:s20+$0xA550] =	vst v3;
	(pc) =	sbr.rel @p2 .LBB2_6-.Ltmp2, $4  }
0x50: {  	v0 =	vld [tilespmem:s7+$0x530];
	[tilespmem:s20+$0xA560] =	vst v4;
	s20 =	smov.u32 s7  }
0x51: {  	v1 =	vld [tilespmem:s20+$0x540];
	[tilespmem:s20+$0xA570] =	vst v5  }
0x52: {  	[tilespmem:s20+$0xA500] =	vst v6;
	v3 =	vld [tilespmem:s20+$0x550]  }
0x53: {  	s7 =	sshra.s32 s8, $0x2;
	s8 =	sadd.s32 $0x200, s8;
	[tilespmem:s20+$0xA510] =	vst v7;
	v4 =	vld [tilespmem:s20+$0x560]  }
0x54: {  	v5 =	vld [tilespmem:s7+$0x570];
	[tilespmem:s20+$0xA520] =	vst v2  }
0x55: {  	v2 =	vld [tilespmem:s7+$0x500];
	[tilespmem:s20+$0xA530] =	vst v0  }
0x56: {  	v0 =	vld [tilespmem:s7+$0x510];
	[tilespmem:s20+$0xA540] =	vst v1  }
0x57: {  	v1 =	vld [tilespmem:s7+$0x520];
	[tilespmem:s20+$0xA550] =	vst v3  }
0x58: {  	v3 =	vld [tilespmem:s7+$0x530];
	[tilespmem:s20+$0xA560] =	vst v4  }
0x59: {  	v4 =	vld [tilespmem:s7+$0x540];
	[tilespmem:s7+$0xA570] =	vst v5  }
0x5a: {  	[tilespmem:s7+$0xA500] =	vst v2;
	v2 =	vld [tilespmem:s7+$0x550]  }
0x5b: {  	[tilespmem:s7+$0xA510] =	vst v0;
	v0 =	vld [tilespmem:s7+$0x560]  }
0x5c: {  	[tilespmem:s7+$0xA520] =	vst v1  }
0x5d: {  	s8 =	sadd.s32 s6, s19;
	[tilespmem:s7+$0xA530] =	vst v3  }
0x5e: {  	s8 =	smul.u32 $0xA00, s8;
	[tilespmem:s7+$0xA540] =	vst v4  }
0x5f: {  	[tilespmem:s7+$0xA550] =	vst v2  }
0x60: {  	s20 =	sadd.s32 s5, s8;
	[tilespmem:s7+$0xA560] =	vst v0;
	s7 =	simm.s32 @!p0 $0x1  }
0x61: {  	[hbm4b:s20+s2] =	stream.linear.scatter [tilespmem:s1], [sflag:$0x5], $0x5000, $0x38;
	[tilespmem:$0x14500] =	vst v63  }
0x62: {  	_ =	swait.ge @!p0 [sflag:s7], $0x280  }
0x63: {  	s8 =	simm.s32 @!p0 $0x0;
	[sflag:s7] =	ssyncset.done @!p0 $0x0  }
0x64: {  	s20 =	simm.s32 @!p0 $0x500;
	[sflag:s7] =	ssyncadd.s32 @!p0 $0xFFFFFD80;
	s7 =	simm.s32 @!p0 $0x80  }
0x65: {  	[tilespmem:s20], [sflag:$0x3] =	stream.indirect.gather @!p0 [hbm4b:s3+s7], $0x20, s8, s7, $0xb8;
	[tilespmem:$0x14500] =	vst v63  }
0x66: {  	s20 =	simm.s32 @!p0 $0x1500  }
0x67: {  	[tilespmem:s20], [sflag:$0x3] =	stream.indirect.gather @!p0 [hbm4b:s3+s7], $0x20, s7, s7, $0xb8;
	[tilespmem:$0x14500] =	vst v63  }
0x68: {  	s9 =	simm.s32 @!p0 $0x2500;
	s20 =	simm.s32 @!p0 $0x100  }
0x69: {  	[tilespmem:s9], [sflag:$0x3] =	stream.indirect.gather @!p0 [hbm4b:s3+s7], $0x20, s20, s7, $0xb8;
	[tilespmem:$0x14500] =	vst v63  }
0x6a: {  	s9 =	simm.s32 @!p0 $0x180;
	s20 =	simm.s32 @!p0 $0x3500  }
0x6b: {  	[tilespmem:s20], [sflag:$0x3] =	stream.indirect.gather @!p0 [hbm4b:s3+s7], $0x20, s9, s7, $0xb8;
	[tilespmem:$0x14500] =	vst v63  }
0x6c: {  	s9 =	simm.s32 @!p0 $0x200;
	s20 =	simm.s32 @!p0 $0x4500  }
0x6d: {  	[tilespmem:s20], [sflag:$0x3] =	stream.indirect.gather @!p0 [hbm4b:s3+s7], $0x20, s9, s7, $0xb8;
	[tilespmem:$0x14500] =	vst v63  }
0x6e: {  	_ =	swait.ge [sflag:s13], $0x1000  }
0x6f: {  	[sflag:s13] =	ssyncset.done $0x0  }
0x70: {  	[sflag:s13] =	ssyncadd.s32 $0xFFFFF000  }
0x71: {  	_ =	swait.ge [sflag:s13], $0x1000  }
0x72: {  	[sflag:s13] =	ssyncset.done $0x0  }
0x73: {  	[sflag:s13] =	ssyncadd.s32 $0xFFFFF000  }
0x74: {  	_ =	swait.ge [sflag:s13], $0x1000  }
0x75: {  	[sflag:s13] =	ssyncset.done $0x0  }
0x76: {  	s19 =	sor.u32 $0x1, s19;
	[sflag:s13] =	ssyncadd.s32 $0xFFFFF000  }
0x77: {  	s7 =	sadd.s32 @!p0 s6, s19;
	_ =	swait.ge [sflag:s13], $0x1000  }
0x78: {  	s7 =	smul.u32 @!p0 $0x280, s7;
	[sflag:s13] =	ssyncset.done $0x0  }
0x79: {  	[sflag:s13] =	ssyncadd.s32 $0xFFFFF000  }
0x7a: {  	s7 =	sshrl.u32 @!p0 s7, $0x3;
	_ =	swait.ge [sflag:s13], $0x1000  }
0x7b: {  	s7 =	sadd.s32 @!p0 s4, s7;
	[sflag:s13] =	ssyncset.done $0x0  }
0x7c: {  	s9 =	simm.s32 @!p0 $0x280;
	s7 =	sadd.s32 @!p0 $0xA0, s7;
	[sflag:s13] =	ssyncadd.s32 $0xFFFFF000  }
0x7d: {  	[tilespmem:s9], [sflag:$0x2] =	stream.linear.gather @!p0 [hbm4b:s7+s8], $0x280, $0x38;
	[tilespmem:$0x14500] =	vst v63  }
0x7e: {  	s7 =	simm.s32 @!p1 $0x6  }
0x7f: {  	_ =	swait.ge @!p1 [sflag:s7], $0x5000  }
0x80: {  	[sflag:s7] =	ssyncset.done @!p1 $0x0  }
0x81: {  	s20 =	simm.s32 $0x0;
	[sflag:s7] =	ssyncadd.s32 @!p1 $0xFFFFB000  }
0x82: {  	v3 =	vld [tilespmem:s20+$0x5570]  }
0x83: {  	v4 =	vld [tilespmem:s20+$0x5500]  }
0x84: {  	v5 =	vld [tilespmem:s20+$0x5510]  }
0x85: {  	v2 =	vld [tilespmem:s20+$0x5520]  }
0x86: {  	v0 =	vld [tilespmem:s20+$0x5530]  }
0x87: {  	v1 =	vld [tilespmem:s20+$0x5540];
	[tilespmem:s20+$0xF570] =	vst v3  }
0x88: {  	[tilespmem:s20+$0xF500] =	vst v4;
	v3 =	vld [tilespmem:s20+$0x5550]  }
0x89: {  	s8 =	simm.s32 $0x400;
	s7 =	simm.s32 $0x80;
	[tilespmem:s20+$0xF510] =	vst v5;
	v4 =	vld [tilespmem:s20+$0x5560]  }
.LBB2_8:
0x8a: {  	p0 =	sne.s32 s8, $0x13E00;
	v5 =	vld [tilespmem:s7+$0x5570];
	[tilespmem:s20+$0xF520] =	vst v2  }
0x8b: {  	v6 =	vld [tilespmem:s7+$0x5500];
	[tilespmem:s20+$0xF530] =	vst v0  }
0x8c: {  	v7 =	vld [tilespmem:s7+$0x5510];
	[tilespmem:s20+$0xF540] =	vst v1  }
.Ltmp3:
0x8d: {  	v2 =	vld [tilespmem:s7+$0x5520];
	[tilespmem:s20+$0xF550] =	vst v3;
	(pc) =	sbr.rel @p0 .LBB2_8-.Ltmp3, $4  }
0x8e: {  	v0 =	vld [tilespmem:s7+$0x5530];
	[tilespmem:s20+$0xF560] =	vst v4;
	s20 =	smov.u32 s7  }
0x8f: {  	v1 =	vld [tilespmem:s20+$0x5540];
	[tilespmem:s20+$0xF570] =	vst v5  }
0x90: {  	[tilespmem:s20+$0xF500] =	vst v6;
	v3 =	vld [tilespmem:s20+$0x5550]  }
0x91: {  	s7 =	sshra.s32 s8, $0x2;
	s8 =	sadd.s32 $0x200, s8;
	[tilespmem:s20+$0xF510] =	vst v7;
	v4 =	vld [tilespmem:s20+$0x5560]  }
0x92: {  	v5 =	vld [tilespmem:s7+$0x5570];
	[tilespmem:s20+$0xF520] =	vst v2  }
0x93: {  	v2 =	vld [tilespmem:s7+$0x5500];
	[tilespmem:s20+$0xF530] =	vst v0  }
0x94: {  	v0 =	vld [tilespmem:s7+$0x5510];
	[tilespmem:s20+$0xF540] =	vst v1  }
0x95: {  	v1 =	vld [tilespmem:s7+$0x5520];
	[tilespmem:s20+$0xF550] =	vst v3  }
0x96: {  	v3 =	vld [tilespmem:s7+$0x5530];
	[tilespmem:s20+$0xF560] =	vst v4  }
0x97: {  	v4 =	vld [tilespmem:s7+$0x5540];
	[tilespmem:s7+$0xF570] =	vst v5  }
0x98: {  	v62 =	vld [tilespmem:s7+$0x5550];
	[tilespmem:s7+$0xF500] =	vst v2  }
0x99: {  	s18 =	sadd.s32 $0x1, s18;
	v63 =	vld [tilespmem:s7+$0x5560];
	[tilespmem:s7+$0xF510] =	vst v0  }
0x9a: {  	p0 =	sne.s32 s18, $0x41;
	[tilespmem:s7+$0xF520] =	vst v1  }
.Ltmp4:
0x9b: {  	s8 =	sadd.s32 s6, s19;
	[tilespmem:s7+$0xF530] =	vst v3;
	(pc) =	sbr.rel @p0 .LBB2_2-.Ltmp4, $4  }
0x9c: {  	s8 =	smul.u32 $0xA00, s8;
	[tilespmem:s7+$0xF540] =	vst v4  }
0x9d: {  	[tilespmem:s7+$0xF550] =	vst v62  }
0x9e: {  	s20 =	sadd.s32 s5, s8;
	[tilespmem:s7+$0xF560] =	vst v63  }
0x9f: {  	[hbm4b:s20+s2] =	stream.linear.scatter [tilespmem:s14], [sflag:$0x6], $0x5000, $0x38;
	[tilespmem:$0x14500] =	vst v63  }
0xa0: {  	_ =	swait.ge [sflag:s15], $0x5000  }
0xa1: {  	[sflag:s15] =	ssyncset.done $0x0  }
0xa2: {  	[sflag:s15] =	ssyncadd.s32 $0xFFFFB000  }
0xa3: {  	_ =	swait.ge [sflag:s16], $0x5000  }
0xa4: {  	s17 =	sadd.s32 $0x1, s17;
	s7 =	rddreg [dreg:$0x4]  }
0xa5: {  	p0 =	sne.s32 s17, s7  }
.Ltmp5:
0xa6: {  	_ = 	snop;
	(pc) =	sbr.rel @p0 .LBB2_1-.Ltmp5, $3  }
0xa7: {  	_ =	sdelay $0x1  }
0xa8: {  	[sflag:s16] =	ssyncset.done $0x0  }
0xa9: {  	[sflag:s16] =	ssyncadd.s32 $0xFFFFB000  }
0xaa: {  	_ =	sfence.sel $0x180000  }
0xab: {  	[bflag:$0x0] =	sbarrier.arrive $0xFFFF  }
0xac: {  	_ =	strace $0x90000047  }
0xad: {  	s0 =	stileid.u32;
	[bflag:$0x2] =	sbarrier.arrive $0xFFFF  }
0xae: {  	p0 =	sne.s32 s0, $0x0;
	s0 =	rddreg [dreg:$0x1]  }
0xaf: {  	s0 =	sadd.s32 @!p0 $0x100000, s0  }
0xb0: {  	[sflag:s0] =	ssyncadd.tile.s32 @!p0 $0x1;
	_ =	shalt  }
.Lfunc_end2:
_tile_overlayer_lowered:
.L_overlay_start_2:
0xb1: {  	(tag) =	ssettag $0x2  }
0xb2: {  	s0 =	rddreg [dreg:$0x0];
	s2 =	stileid.u32  }
0xb3: {  	s1 =	rddreg [dreg:$0x1];
	p0 =	sne.s32 s2, $0x0  }
0xb4: {  	s3 =	rddreg [dreg:$0x2];
	[bflag:$0x3] =	sbarrier.arrive $0xFFFF;
	s2 =	simm.s32 @!p0 $0x1C07  }
0xb5: {  	[timem:s3], [sflag:s2] =	dma.local @!p0 [hbm:s0], s1  }
0xb6: {  	s0 =	simm.s32 @!p0 $0x7  }
0xb7: {  	_ =	swait.ge @!p0 [sflag:s0], s1  }
0xb8: {  	s1 =	ssub.s32 @!p0 $0x0, s1;
	[sflag:s0] =	ssyncset.done @!p0 $0x0  }
0xb9: {  	[sflag:s0] =	ssyncadd.s32 @!p0 s1  }
0xba: {  	[bflag:$0x3] =	sbarrier.arrive $0xFFFF  }
0xbb: {  	_ =	shalt  }

// kernel: kernel.9.cloned.1.call-start
scs
__scs_entry_jumppad:
0x0: {  	(pc) =	sbr.rel $0x88, $3  }
0x1: {  	(tag) =	ssettag $0x0;
	lr =	simm.s32 $0x1  }
0x2: {  	[smem:$0x3F9F] =	sst lr;
	_ =	strace $0xD0000000  }
0x3: {  	_ = 	snop  }
0x4: {  	_ = 	snop  }
0x5: {  	_ = 	snop  }
0x6: {  	_ = 	snop  }
0x7: {  	_ = 	snop  }
__scs_overlays_trampoline_lowered:
0x8: {  	[smem:$0x3FAE] =	sst s0  }
0x9: {  	[smem:$0x3FAF] =	sst s1  }
0xa: {  	[smem:$0x3FB0] =	sst s2  }
0xb: {  	[smem:$0x3FB1] =	sst s3  }
0xc: {  	[smem:$0x3FB2] =	sst s4  }
0xd: {  	[smem:$0x3FB3] =	sst s5  }
0xe: {  	[smem:$0x3FB4] =	sst s6  }
0xf: {  	[smem:$0x3FB5] =	sst s7  }
0x10: {  	[smem:$0x3FB6] =	sst s8  }
0x11: {  	[smem:$0x3FB7] =	sst s9;
	s0 =	simm.s32 @!p0 $0x0  }
0x12: {  	s1 =	sld [smem:$0x3F9D];
	s0 =	simm.s32 @p0 $0x1  }
0x13: {  	[smem:$0x3FB8] =	sst s0;
	s0 =	simm.s32 @!p1 $0x0  }
0x14: {  	s2 =	sld [smem:$0x3F9C];
	s0 =	simm.s32 @p1 $0x1  }
0x15: {  	[smem:$0x3FB9] =	sst s0;
	s0 =	simm.s32 @!p2 $0x0  }
0x16: {  	s3 =	sld [smem:$0x3FDB];
	s0 =	simm.s32 @p2 $0x1  }
0x17: {  	s4 =	simm.s32 $0x1BF5;
	[smem:$0x3FBB] =	sst s0  }
0x18: {  	s0 =	sld [smem:$0x3F9E];
	_ =	swait.ge [sflag:s4], $0x0  }
0x19: {  	s7 =	sld [smem:$0x3F9F]  }
0x1a: {  	s8 =	sadd.s32 $0xFFFFE003, lr  }
0x1b: {  	s9 =	sadd.s32 $0xFFFFFEF7, lr;
	s5 =	simm.s32 $0xFFFFFFFF;
	p2 =	slt.u32 s8, $0xFFFFF086  }
0x1c: {  	p1 =	slt.u32 s9, $0xF7A;
	s5 =	simm.s32 @!p2 $0x0  }
0x1d: {  	s5 =	simm.s32 @p1 $0x1;
	p0 =	seq.s32 s7, s2  }
0x1e: {  	s7 =	smul.u32 @!p0 $0xF7A, s2;
	p2 =	seq.s32 @!p0 s5, $0x0  }
0x1f: {  	s9 =	smul.u32 $0xF7A, s1;
	s8 =	simm.s32 @!p0 $0x1BF5;
	p2 =	por !p2, p0  }
0x20: {  	[sflag:s8] =	ssyncset.s32 @!p0 $0xFFFFF086;
	s6 =	sadd.s32 @!p0 s3, s7;
	s7 =	simm.s32 @!p0 $0x108  }
0x21: {  	s3 =	sadd.s32 s3, s9;
	s6 =	sadd.s32 @!p0 $0x88, s6;
	s7 =	simm.s32 @p2 $0x1082  }
0x22: {  	[simem:s7], [sflag:s8] =	dma.local @!p0 [hbm:s6], $0xF7A  }
0x23: {  	s9 =	sor.u32 $0xD0000000, s2;
	s6 =	simm.s32 $0x108;
	_ =	swait.ge @!p0 [sflag:s8], $0x0  }
0x24: {  	s3 =	sadd.s32 $0x88, s3;
	s6 =	simm.s32 @!p1 $0x1082;
	[sflag:s4] =	ssyncset.s32 $0xFFFFF086  }
0x25: {  	[simem:s6], [sflag:s4] =	dma.local [hbm:s3], $0xF7A  }
0x26: {  	[smem:$0x3F9F] =	sst s1;
	(tag) =	ssettag s2;
	_ =	strace s9  }
0x27: {  	s1 =	sld [smem:$0x3FAF]  }
0x28: {  	s2 =	sld [smem:$0x3FB0]  }
0x29: {  	s4 =	sld [smem:$0x3FB2]  }
0x2a: {  	p0 =	seq.s32 s5, $0x0;
	s5 =	sld [smem:$0x3FB3]  }
0x2b: {  	s6 =	sld [smem:$0x3FB4]  }
0x2c: {  	s7 =	sld [smem:$0x3FB5]  }
0x2d: {  	s3 =	simm.s32 $0x108;
	s8 =	sld [smem:$0x3FB6]  }
0x2e: {  	s3 =	simm.s32 @!p0 $0x1082;
	s9 =	sld [smem:$0x3FB7]  }
0x2f: {  	lr =	sadd.s32 s0, s3;
	s0 =	sld [smem:$0x3FAE]  }
0x30: {  	s3 =	sld [smem:$0x3FB1]  }
0x31: {  	[smem:$0x3FBA] =	sst s10  }
0x32: {  	s10 =	sld [smem:$0x3FB8];
	_ =	sdelay $0x3  }
0x33: {  	p0 =	seq.s32 s10, $0x1;
	s10 =	sld [smem:$0x3FBA];
	_ =	sdelay $0x3  }
0x34: {  	[smem:$0x3FBA] =	sst s10  }
0x35: {  	s10 =	sld [smem:$0x3FB9];
	_ =	sdelay $0x3  }
0x36: {  	p1 =	seq.s32 s10, $0x1;
	s10 =	sld [smem:$0x3FBA];
	_ =	sdelay $0x3  }
0x37: {  	[smem:$0x3FBA] =	sst s10  }
0x38: {  	s10 =	sld [smem:$0x3FBB]  }
0x39: {  	_ = 	snop;
	(pc) =	sbr.ind lr, $3  }
0x3a: {  	_ = 	snop  }
0x3b: {  	_ = 	snop  }
0x3c: {  	p2 =	seq.s32 s10, $0x1;
	s10 =	sld [smem:$0x3FBA]  }
0x3d: {  	_ =	shalt  }
0x3e: {  	_ =	shalt  }
0x3f: {  	_ =	shalt  }
0x40: {  	_ =	shalt  }
0x41: {  	_ =	shalt  }
0x42: {  	_ =	shalt  }
0x43: {  	_ =	shalt  }
0x44: {  	_ =	shalt  }
0x45: {  	_ =	shalt  }
0x46: {  	_ =	shalt  }
0x47: {  	_ =	shalt  }
0x48: {  	_ =	shalt  }
0x49: {  	_ =	shalt  }
0x4a: {  	_ =	shalt  }
0x4b: {  	_ =	shalt  }
0x4c: {  	_ =	shalt  }
0x4d: {  	_ =	shalt  }
0x4e: {  	_ =	shalt  }
0x4f: {  	_ =	shalt  }
0x50: {  	_ =	shalt  }
0x51: {  	_ =	shalt  }
0x52: {  	_ =	shalt  }
0x53: {  	_ =	shalt  }
0x54: {  	_ =	shalt  }
0x55: {  	_ =	shalt  }
0x56: {  	_ =	shalt  }
0x57: {  	_ =	shalt  }
0x58: {  	_ =	shalt  }
0x59: {  	_ =	shalt  }
0x5a: {  	_ =	shalt  }
0x5b: {  	_ =	shalt  }
0x5c: {  	_ =	shalt  }
0x5d: {  	_ =	shalt  }
0x5e: {  	_ =	shalt  }
0x5f: {  	_ =	shalt  }
0x60: {  	_ =	shalt  }
0x61: {  	_ =	shalt  }
0x62: {  	_ =	shalt  }
0x63: {  	_ =	shalt  }
0x64: {  	_ =	shalt  }
0x65: {  	_ =	shalt  }
0x66: {  	_ =	shalt  }
0x67: {  	_ =	shalt  }
0x68: {  	_ =	shalt  }
0x69: {  	_ =	shalt  }
0x6a: {  	_ =	shalt  }
0x6b: {  	_ =	shalt  }
0x6c: {  	_ =	shalt  }
0x6d: {  	_ =	shalt  }
0x6e: {  	_ =	shalt  }
0x6f: {  	_ =	shalt  }
0x70: {  	_ =	shalt  }
0x71: {  	_ =	shalt  }
0x72: {  	_ =	shalt  }
0x73: {  	_ =	shalt  }
0x74: {  	_ =	shalt  }
0x75: {  	_ =	shalt  }
0x76: {  	_ =	shalt  }
0x77: {  	_ =	shalt  }
0x78: {  	_ =	shalt  }
0x79: {  	_ =	shalt  }
0x7a: {  	_ =	shalt  }
0x7b: {  	_ =	shalt  }
0x7c: {  	_ =	shalt  }
0x7d: {  	_ =	shalt  }
0x7e: {  	_ =	shalt  }
0x7f: {  	_ =	shalt  }
0x80: {  	_ =	shalt  }
0x81: {  	_ =	shalt  }
0x82: {  	_ =	shalt  }
0x83: {  	_ =	shalt  }
0x84: {  	_ =	shalt  }
0x85: {  	_ =	shalt  }
0x86: {  	_ =	shalt  }
0x87: {  	_ =	shalt  }
.Lfunc_end0:
.L_simem_size_0:
called_computation.2_lowered:
.L_overlay_start_0:
0x88: {  	s2 =	sld [smem:$0x3FD9]  }
0x89: {  	s3 =	sld [smem:$0x3FFE];
	_ =	sdelay $0x1  }
0x8a: {  	s1 =	srdreg.scid  }
0x8b: {  	s0 =	sand.u32 $0x1, s1  }
0x8c: {  	s17 =	sshll.u32 s0, $0xA;
	s2 =	sadd.s32 s3, s2  }
0x8d: {  	s2 =	sadd.s32 s2, s17  }
0x8e: {  	[smem:$0x3FC6] =	sst s2  }
0x8f: {  	_ = 	snop  }
0x90: {  	s18 =	sld [smem:$0x3FD0];
	(tm) =	ssettm $0x1  }
0x91: {  	s19 =	sld [smem:$0x3FFB];
	_ =	sdelay $0x3  }
0x92: {  	_ =	strace s19  }
0x93: {  	s2 =	sld [smem:$0x3FFC];
	_ =	sdelay $0x3  }
0x94: {  	_ =	strace s2  }
0x95: {  	s2 =	sld [smem:$0x3FFD];
	_ =	sdelay $0x3  }
0x96: {  	_ =	strace s2  }
0x97: {  	_ =	strace $0x8FFFFFFF  }
0x98: {  	s20 =	sld [smem:$0x3FDB];
	_ =	sdelay $0x1  }
0x99: {  	s4 =	simm.s32 $_scs_section_size  }
0x9a: {  	s5 =	simm.s32 $_size__tile_overlayer_lowered;
	s6 =	simm.s32 $_tile_overlayer_lowered  }
0x9b: {  	s7 =	simm.s32 $0x1BFF;
	s21 =	sshll.u32 s6, $0x1;
	s4 =	sadd.s32 s4, s20  }
0x9c: {  	s22 =	simm.s32 $0x0;
	s5 =	sshll.u32 s5, $0x1;
	s6 =	sadd.s32 s21, s4  }
0x9d: {  	[timem:s22], [sflag:s7] =	dma.local [hbm:s6], s5  }
0x9e: {  	_ =	swait.ge [sflag:s7], s5  }
0x9f: {  	s5 =	ssub.s32 $0x0, s5;
	[sflag:s7] =	ssyncset.done $0x0  }
0xa0: {  	[sflag:s7] =	ssyncadd.s32 s5;
	_ =	sdelay $0x1  }
0xa1: {  	s23 =	simm.s32 $0x1B8B  }
0xa2: {  	_ =	swait.ge [sflag:s23], $0x1  }
0xa3: {  	[sflag:s23] =	ssyncset.done $0x0  }
0xa4: {  	[sflag:s23] =	ssyncadd.s32 $0xFFFFFFFF  }
0xa5: {  	s5 =	sld [smem:$0x0]  }
0xa6: {  	s6 =	sand.u32 $0xFFFFFFFE, s1  }
0xa7: {  	p0 =	sne.s32 s1, s6  }
0xa8: {  	s6 =	sshll.u32 @p0 s6, $0xE  }
0xa9: {  	s6 =	sadd.s32 @p0 $0x11B8D, s6;
	s7 =	sshll.u32 @p0 s5, $0x11  }
0xaa: {  	s6 =	sor.u32 @p0 s7, s6  }
0xab: {  	[sflag:s6] =	ssyncadd.remote.s32 @p0 $0x1;
	_ =	sdelay $0x1  }
0xac: {  	s6 =	simm.s32 @p0 $0x1B8D  }
0xad: {  	_ =	swait.eq @p0 [sflag:s6], $0x1  }
0xae: {  	[sflag:s6] =	ssyncadd.s32 @p0 $0xFFFFFFFF  }
0xaf: {  	s7 =	sshll.u32 @!p0 s1, $0xE  }
0xb0: {  	s7 =	sor.u32 @!p0 $0x4000, s7;
	s6 =	simm.s32 @!p0 $0x1B8D  }
0xb1: {  	s5 =	sshll.u32 @!p0 s5, $0x11;
	s7 =	sadd.s32 @!p0 $0x11B8D, s7;
	_ =	swait.eq @!p0 [sflag:s6], $0x1  }
0xb2: {  	s5 =	sor.u32 @!p0 s5, s7;
	[sflag:s6] =	ssyncadd.s32 @!p0 $0xFFFFFFFF  }
0xb3: {  	s25 =	simm.s32 $0x1B8E;
	s24 =	sld [smem:$0x3FFE];
	[sflag:s5] =	ssyncadd.remote.s32 @!p0 $0x1  }
0xb4: {  	s26 =	simm.s32 $execute0_lowered;
	[smem:$0x3FD2] =	sst s25  }
0xb5: {  	s6 =	sshll.u32 s26, $0x1;
	_ =	strace $0x80000049;
	[dreg:$0x1] =	wrdreg $0xFFFFFFFF  }
0xb6: {  	s28 =	simm.s32 $_size_execute0_lowered;
	s4 =	sadd.s32 s4, s6;
	[dreg:$0x0] =	wrdreg $0x0  }
0xb7: {  	s6 =	sshll.u32 s28, $0x1;
	[dreg:$0x2] =	wrdreg s4  }
0xb8: {  	[dreg:$0x3] =	wrdreg s6  }
0xb9: {  	[dreg:$0x4] =	wrdreg $0xC0  }
0xba: {  	_ =	task [dreg:s22], $0x5FFFF  }
0xbb: {  	[dreg:$0x1] =	wrdreg $0xFFFFFFFF  }
0xbc: {  	[dreg:$0x0] =	wrdreg $0x60  }
0xbd: {  	[dreg:$0x2] =	wrdreg s24  }
0xbe: {  	[dreg:$0x3] =	wrdreg s18  }
0xbf: {  	[dreg:$0x4] =	wrdreg $0xA  }
0xc0: {  	_ =	task.clear_ibuf [dreg:s22], $0x5FFFF;
	_ =	strace $0x90000049  }
0xc1: {  	s29 =	simm.s32 $0xA;
	_ =	strace $0x8000004B  }
0xc2: {  	_ =	swait.ge [sflag:s29], $0x1  }
0xc3: {  	[sflag:s29] =	ssyncadd.s32 $0xFFFFFFFF  }
0xc4: {  	_ =	strace $0x9000004B  }
0xc5: {  	_ =	sfence  }
0xc6: {  	s30 =	sld [smem:$0x0];
	_ =	sdelay $0x2  }
0xc7: {  	s31 =	sshll.u32 s1, $0xD;
	s1 =	sshrl.u32 s1, $0x2  }
0xc8: {  	s4 =	sand.u32 $0x4000, s31;
	s1 =	sadd.s32 s1, s30  }
0xc9: {  	s0 =	sor.u32 s4, s0;
	s1 =	sshll.u32 s1, $0x11  }
0xca: {  	s0 =	sor.u32 s1, s0  }
0xcb: {  	s0 =	sadd.s32 $0x8F2B, s0  }
0xcc: {  	[sflag:s0] =	ssyncadd.remote.s32 $0x1  }
0xcd: {  	_ =	sfence.sel $0xFFFF  }
0xce: {  	[dreg:$0x0] =	wrdreg $0xFFFFFFFF;
	(pc) =	sbr.abs _section_cstart, $3  }
0xcf: {  	[dreg:$0x1] =	wrdreg $0xFFFFFFFF  }
0xd0: {  	_ =	task.clear_ibuf [dreg:s22], $0x2FFFF;
	_ =	strace $0x9FFFFFFF  }
0xd1: {  	(tm) =	ssettm $0x7FFFFFFF  }
tec
execute0_lowered:
.L_overlay_start_1:
0x0: {  	(tag) =	ssettag $0x1  }
0x1: {  	s0 =	rddreg [dreg:$0x0]  }
0x2: {  	s2 =	rddreg [dreg:$0x1]  }
0x3: {  	s1 =	srdreg.scid;
	s4 =	stileid.u32  }
0x4: {  	s3 =	simm.s32 $0x0;
	s10 =	simm.s32 $0x280;
	s11 =	simm.s32 $0x1  }
0x5: {  	s12 =	simm.s32 $0x80;
	s21 =	simm.s32 $0x2;
	s22 =	simm.s32 $0x5500  }
0x6: {  	s23 =	simm.s32 $0x300;
	s28 =	simm.s32 $0x400;
	s29 =	simm.s32 $0x8500  }
0x7: {  	s30 =	simm.s32 $0x480;
	s31 =	simm.s32 $0x9500;
	s13 =	simm.s32 $0x4  }
0x8: {  	s14 =	simm.s32 $0xF500;
	s15 =	simm.s32 $0x5;
	s16 =	simm.s32 $0x6  }
0x9: {  	s17 =	simm.s32 $0x0;
	s1 =	sand.u32 $0x1, s1;
	s4 =	sshll.u32 s4, $0x1  }
0xa: {  	[smem:$0x7FF] =	sst s3;
	s5 =	sadd.s32 $0x52400, s0;
	s6 =	sor.u32 s1, s4  }
0xb: {  	_ =	strace $0x8000004A;
	s1 =	ssub.s32 $0x2, s1;
	s9 =	smul.u32 $0x28A0, s6  }
0xc: {  	s4 =	sadd.s32 $0x2863400, s0;
	s7 =	smul.u32 $0x14500, s6;
	s8 =	sshrl.u32 s1, $0x1  }
0xd: {  	s6 =	smul.u32 $0x82, s6;
	s24 =	ssub.s32 s1, s8;
	s26 =	sadd.s32 s5, s9  }
0xe: {  	s25 =	sshrl.u32 s7, $0x3;
	s0 =	smax.u32 s24, $0x1;
	[dreg:$0x3] =	wrdreg s26  }
0xf: {  	s24 =	simm.s32 $0x6500;
	s1 =	sadd.s32 s5, s25;
	[dreg:$0x5] =	wrdreg s0  }
0x10: {  	s25 =	simm.s32 $0x380;
	s26 =	simm.s32 $0x7500;
	s1 =	sadd.s32 $0x50, s1  }
0x11: {  	s0 =	simm.s32 $0x3;
	[dreg:$0x4] =	wrdreg s1;
	s1 =	simm.s32 $0xA500  }
.LBB2_1:
0x12: {  	s7 =	rddreg [dreg:$0x3]  }
0x13: {  	[tilespmem:s3], [sflag:$0x1] =	stream.linear.gather [hbm4b:s7+s3], $0x280, $0x38;
	[tilespmem:$0x14500] =	vst v63  }
0x14: {  	s9 =	rddreg [dreg:$0x4]  }
0x15: {  	[tilespmem:s10], [sflag:$0x2] =	stream.linear.gather [hbm4b:s9+s3], $0x280, $0x38;
	[tilespmem:$0x14500] =	vst v63  }
0x16: {  	_ =	swait.ge [sflag:s11], $0x280  }
0x17: {  	[sflag:s11] =	ssyncset.done $0x0  }
0x18: {  	s18 =	simm.s32 $0x500;
	[sflag:s11] =	ssyncadd.s32 $0xFFFFFD80  }
0x19: {  	[tilespmem:s18], [sflag:$0x3] =	stream.indirect.gather [hbm4b:s4+s12], $0x20, s3, s12, $0xb8;
	[tilespmem:$0x14500] =	vst v63  }
0x1a: {  	s19 =	simm.s32 $0x1500  }
0x1b: {  	[tilespmem:s19], [sflag:$0x3] =	stream.indirect.gather [hbm4b:s4+s12], $0x20, s12, s12, $0xb8;
	[tilespmem:$0x14500] =	vst v63  }
0x1c: {  	s20 =	simm.s32 $0x100;
	s8 =	simm.s32 $0x2500  }
0x1d: {  	[tilespmem:s8], [sflag:$0x3] =	stream.indirect.gather [hbm4b:s4+s12], $0x20, s20, s12, $0xb8;
	[tilespmem:$0x14500] =	vst v63  }
0x1e: {  	s9 =	simm.s32 $0x180;
	s18 =	simm.s32 $0x3500  }
0x1f: {  	[tilespmem:s18], [sflag:$0x3] =	stream.indirect.gather [hbm4b:s4+s12], $0x20, s9, s12, $0xb8;
	[tilespmem:$0x14500] =	vst v63  }
0x20: {  	s19 =	simm.s32 $0x200;
	s20 =	simm.s32 $0x4500;
	s18 =	simm.s32 $0x0  }
0x21: {  	[tilespmem:s20], [sflag:$0x3] =	stream.indirect.gather [hbm4b:s4+s12], $0x20, s19, s12, $0xb8;
	[tilespmem:$0x14500] =	vst v63  }
.LBB2_2:
0x22: {  	_ =	swait.ge [sflag:s21], $0x280  }
0x23: {  	[sflag:s21] =	ssyncset.done $0x0  }
0x24: {  	[sflag:s21] =	ssyncadd.s32 $0xFFFFFD80  }
0x25: {  	[tilespmem:s22], [sflag:$0x4] =	stream.indirect.gather [hbm4b:s4+s12], $0x20, s10, s12, $0xb8;
	[tilespmem:$0x14500] =	vst v63  }
0x26: {  	_ = 	snop  }
0x27: {  	[tilespmem:s24], [sflag:$0x4] =	stream.indirect.gather [hbm4b:s4+s12], $0x20, s23, s12, $0xb8;
	[tilespmem:$0x14500] =	vst v63  }
0x28: {  	_ = 	snop  }
0x29: {  	[tilespmem:s26], [sflag:$0x4] =	stream.indirect.gather [hbm4b:s4+s12], $0x20, s25, s12, $0xb8;
	[tilespmem:$0x14500] =	vst v63  }
0x2a: {  	_ = 	snop  }
0x2b: {  	[tilespmem:s29], [sflag:$0x4] =	stream.indirect.gather [hbm4b:s4+s12], $0x20, s28, s12, $0xb8;
	[tilespmem:$0x14500] =	vst v63  }
0x2c: {  	_ = 	snop  }
0x2d: {  	[tilespmem:s31], [sflag:$0x4] =	stream.indirect.gather [hbm4b:s4+s12], $0x20, s30, s12, $0xb8;
	[tilespmem:$0x14500] =	vst v63  }
0x2e: {  	_ =	swait.ge [sflag:s0], $0x1000  }
0x2f: {  	[sflag:s0] =	ssyncset.done $0x0  }
0x30: {  	[sflag:s0] =	ssyncadd.s32 $0xFFFFF000  }
0x31: {  	_ =	swait.ge [sflag:s0], $0x1000  }
0x32: {  	[sflag:s0] =	ssyncset.done $0x0  }
0x33: {  	[sflag:s0] =	ssyncadd.s32 $0xFFFFF000  }
0x34: {  	_ =	swait.ge [sflag:s0], $0x1000  }
0x35: {  	[sflag:s0] =	ssyncset.done $0x0  }
0x36: {  	s19 =	sshll.u32 s18, $0x1;
	p0 =	seq.s32 s18, $0x40;
	[sflag:s0] =	ssyncadd.s32 $0xFFFFF000  }
0x37: {  	s7 =	sadd.s32 @!p0 s6, s19;
	p1 =	seq.s32 @!p0 s18, $0x0;
	_ =	swait.ge [sflag:s0], $0x1000  }
0x38: {  	s7 =	smul.u32 @!p0 $0x280, s7;
	p1 =	por p0, !p1;
	[sflag:s0] =	ssyncset.done $0x0  }
.Ltmp0:
0x39: {  	[sflag:s0] =	ssyncadd.s32 $0xFFFFF000;
	(pc) =	sbr.rel @!p1 .LBB2_3-.Ltmp0, $4  }
0x3a: {  	s7 =	sshrl.u32 @!p0 s7, $0x3;
	_ =	swait.ge [sflag:s0], $0x1000  }
0x3b: {  	s7 =	sadd.s32 @!p0 s5, s7;
	[sflag:s0] =	ssyncset.done $0x0  }
0x3c: {  	s8 =	simm.s32 @!p0 $0x0;
	s7 =	sadd.s32 @!p0 $0xA0, s7;
	[sflag:s0] =	ssyncadd.s32 $0xFFFFF000  }
0x3d: {  	[tilespmem:s8], [sflag:$0x1] =	stream.linear.gather @!p0 [hbm4b:s7+s8], $0x280, $0x38;
	[tilespmem:$0x14500] =	vst v63  }
.Ltmp1:
0x3e: {  	(pc) =	sbr.rel .LBB2_5-.Ltmp1, $4  }
0x3f: {  	_ = 	snop  }
0x40: {  	_ =	swait.ge [sflag:s15], $0x5000  }
0x41: {  	[sflag:s15] =	ssyncset.done $0x0  }
0x42: {  	p1 =	por $0x0, $0x0;
	[sflag:s15] =	ssyncadd.s32 $0xFFFFB000  }
.LBB2_3:
0x43: {  	p1 =	por @!p0 $0x1, $0x1  }
.LBB2_5:
0x44: {  	s20 =	simm.s32 $0x0  }
0x45: {  	v3 =	vld [tilespmem:s20+$0x570]  }
0x46: {  	v4 =	vld [tilespmem:s20+$0x500]  }
0x47: {  	v5 =	vld [tilespmem:s20+$0x510]  }
0x48: {  	v2 =	vld [tilespmem:s20+$0x520]  }
0x49: {  	v0 =	vld [tilespmem:s20+$0x530]  }
0x4a: {  	v1 =	vld [tilespmem:s20+$0x540];
	[tilespmem:s20+$0xA570] =	vst v3  }
0x4b: {  	[tilespmem:s20+$0xA500] =	vst v4;
	v3 =	vld [tilespmem:s20+$0x550]  }
0x4c: {  	s7 =	simm.s32 $0x80;
	s8 =	simm.s32 $0x400;
	[tilespmem:s20+$0xA510] =	vst v5;
	v4 =	vld [tilespmem:s20+$0x560]  }
.LBB2_6:
0x4d: {  	p2 =	sne.s32 s8, $0x13E00;
	v5 =	vld [tilespmem:s7+$0x570];
	[tilespmem:s20+$0xA520] =	vst v2  }
0x4e: {  	v6 =	vld [tilespmem:s7+$0x500];
	[tilespmem:s20+$0xA530] =	vst v0  }
0x4f: {  	v7 =	vld [tilespmem:s7+$0x510];
	[tilespmem:s20+$0xA540] =	vst v1  }
.Ltmp2:
0x50: {  	v2 =	vld [tilespmem:s7+$0x520];
	[tilespmem:s20+$0xA550] =	vst v3;
	(pc) =	sbr.rel @p2 .LBB2_6-.Ltmp2, $4  }
0x51: {  	v0 =	vld [tilespmem:s7+$0x530];
	[tilespmem:s20+$0xA560] =	vst v4;
	s20 =	smov.u32 s7  }
0x52: {  	v1 =	vld [tilespmem:s20+$0x540];
	[tilespmem:s20+$0xA570] =	vst v5  }
0x53: {  	[tilespmem:s20+$0xA500] =	vst v6;
	v3 =	vld [tilespmem:s20+$0x550]  }
0x54: {  	s7 =	sshra.s32 s8, $0x2;
	s8 =	sadd.s32 $0x200, s8;
	[tilespmem:s20+$0xA510] =	vst v7;
	v4 =	vld [tilespmem:s20+$0x560]  }
0x55: {  	v5 =	vld [tilespmem:s7+$0x570];
	[tilespmem:s20+$0xA520] =	vst v2  }
0x56: {  	v2 =	vld [tilespmem:s7+$0x500];
	[tilespmem:s20+$0xA530] =	vst v0  }
0x57: {  	v0 =	vld [tilespmem:s7+$0x510];
	[tilespmem:s20+$0xA540] =	vst v1  }
0x58: {  	v1 =	vld [tilespmem:s7+$0x520];
	[tilespmem:s20+$0xA550] =	vst v3  }
0x59: {  	v3 =	vld [tilespmem:s7+$0x530];
	[tilespmem:s20+$0xA560] =	vst v4  }
0x5a: {  	v4 =	vld [tilespmem:s7+$0x540];
	[tilespmem:s7+$0xA570] =	vst v5  }
0x5b: {  	[tilespmem:s7+$0xA500] =	vst v2;
	v2 =	vld [tilespmem:s7+$0x550]  }
0x5c: {  	[tilespmem:s7+$0xA510] =	vst v0;
	v0 =	vld [tilespmem:s7+$0x560]  }
0x5d: {  	[tilespmem:s7+$0xA520] =	vst v1  }
0x5e: {  	s8 =	sadd.s32 s6, s19;
	[tilespmem:s7+$0xA530] =	vst v3  }
0x5f: {  	s8 =	smul.u32 $0xA00, s8;
	[tilespmem:s7+$0xA540] =	vst v4  }
0x60: {  	[tilespmem:s7+$0xA550] =	vst v2  }
0x61: {  	s20 =	sadd.s32 s2, s8;
	[tilespmem:s7+$0xA560] =	vst v0;
	s7 =	simm.s32 @!p0 $0x1  }
0x62: {  	[hbm4b:s20+s3] =	stream.linear.scatter [tilespmem:s1], [sflag:$0x5], $0x5000, $0x38;
	[tilespmem:$0x14500] =	vst v63  }
0x63: {  	_ =	swait.ge @!p0 [sflag:s7], $0x280  }
0x64: {  	s8 =	simm.s32 @!p0 $0x0;
	[sflag:s7] =	ssyncset.done @!p0 $0x0  }
0x65: {  	s20 =	simm.s32 @!p0 $0x500;
	[sflag:s7] =	ssyncadd.s32 @!p0 $0xFFFFFD80;
	s7 =	simm.s32 @!p0 $0x80  }
0x66: {  	[tilespmem:s20], [sflag:$0x3] =	stream.indirect.gather @!p0 [hbm4b:s4+s7], $0x20, s8, s7, $0xb8;
	[tilespmem:$0x14500] =	vst v63  }
0x67: {  	s20 =	simm.s32 @!p0 $0x1500  }
0x68: {  	[tilespmem:s20], [sflag:$0x3] =	stream.indirect.gather @!p0 [hbm4b:s4+s7], $0x20, s7, s7, $0xb8;
	[tilespmem:$0x14500] =	vst v63  }
0x69: {  	s9 =	simm.s32 @!p0 $0x2500;
	s20 =	simm.s32 @!p0 $0x100  }
0x6a: {  	[tilespmem:s9], [sflag:$0x3] =	stream.indirect.gather @!p0 [hbm4b:s4+s7], $0x20, s20, s7, $0xb8;
	[tilespmem:$0x14500] =	vst v63  }
0x6b: {  	s9 =	simm.s32 @!p0 $0x180;
	s20 =	simm.s32 @!p0 $0x3500  }
0x6c: {  	[tilespmem:s20], [sflag:$0x3] =	stream.indirect.gather @!p0 [hbm4b:s4+s7], $0x20, s9, s7, $0xb8;
	[tilespmem:$0x14500] =	vst v63  }
0x6d: {  	s9 =	simm.s32 @!p0 $0x200;
	s20 =	simm.s32 @!p0 $0x4500  }
0x6e: {  	[tilespmem:s20], [sflag:$0x3] =	stream.indirect.gather @!p0 [hbm4b:s4+s7], $0x20, s9, s7, $0xb8;
	[tilespmem:$0x14500] =	vst v63  }
0x6f: {  	_ =	swait.ge [sflag:s13], $0x1000  }
0x70: {  	[sflag:s13] =	ssyncset.done $0x0  }
0x71: {  	[sflag:s13] =	ssyncadd.s32 $0xFFFFF000  }
0x72: {  	_ =	swait.ge [sflag:s13], $0x1000  }
0x73: {  	[sflag:s13] =	ssyncset.done $0x0  }
0x74: {  	[sflag:s13] =	ssyncadd.s32 $0xFFFFF000  }
0x75: {  	_ =	swait.ge [sflag:s13], $0x1000  }
0x76: {  	[sflag:s13] =	ssyncset.done $0x0  }
0x77: {  	s19 =	sor.u32 $0x1, s19;
	[sflag:s13] =	ssyncadd.s32 $0xFFFFF000  }
0x78: {  	s7 =	sadd.s32 @!p0 s6, s19;
	_ =	swait.ge [sflag:s13], $0x1000  }
0x79: {  	s7 =	smul.u32 @!p0 $0x280, s7;
	[sflag:s13] =	ssyncset.done $0x0  }
0x7a: {  	[sflag:s13] =	ssyncadd.s32 $0xFFFFF000  }
0x7b: {  	s7 =	sshrl.u32 @!p0 s7, $0x3;
	_ =	swait.ge [sflag:s13], $0x1000  }
0x7c: {  	s7 =	sadd.s32 @!p0 s5, s7;
	[sflag:s13] =	ssyncset.done $0x0  }
0x7d: {  	s9 =	simm.s32 @!p0 $0x280;
	s7 =	sadd.s32 @!p0 $0xA0, s7;
	[sflag:s13] =	ssyncadd.s32 $0xFFFFF000  }
0x7e: {  	[tilespmem:s9], [sflag:$0x2] =	stream.linear.gather @!p0 [hbm4b:s7+s8], $0x280, $0x38;
	[tilespmem:$0x14500] =	vst v63  }
0x7f: {  	s7 =	simm.s32 @!p1 $0x6  }
0x80: {  	_ =	swait.ge @!p1 [sflag:s7], $0x5000  }
0x81: {  	[sflag:s7] =	ssyncset.done @!p1 $0x0  }
0x82: {  	s20 =	simm.s32 $0x0;
	[sflag:s7] =	ssyncadd.s32 @!p1 $0xFFFFB000  }
0x83: {  	v3 =	vld [tilespmem:s20+$0x5570]  }
0x84: {  	v4 =	vld [tilespmem:s20+$0x5500]  }
0x85: {  	v5 =	vld [tilespmem:s20+$0x5510]  }
0x86: {  	v2 =	vld [tilespmem:s20+$0x5520]  }
0x87: {  	v0 =	vld [tilespmem:s20+$0x5530]  }
0x88: {  	v1 =	vld [tilespmem:s20+$0x5540];
	[tilespmem:s20+$0xF570] =	vst v3  }
0x89: {  	[tilespmem:s20+$0xF500] =	vst v4;
	v3 =	vld [tilespmem:s20+$0x5550]  }
0x8a: {  	s8 =	simm.s32 $0x400;
	s7 =	simm.s32 $0x80;
	[tilespmem:s20+$0xF510] =	vst v5;
	v4 =	vld [tilespmem:s20+$0x5560]  }
.LBB2_8:
0x8b: {  	p0 =	sne.s32 s8, $0x13E00;
	v5 =	vld [tilespmem:s7+$0x5570];
	[tilespmem:s20+$0xF520] =	vst v2  }
0x8c: {  	v6 =	vld [tilespmem:s7+$0x5500];
	[tilespmem:s20+$0xF530] =	vst v0  }
0x8d: {  	v7 =	vld [tilespmem:s7+$0x5510];
	[tilespmem:s20+$0xF540] =	vst v1  }
.Ltmp3:
0x8e: {  	v2 =	vld [tilespmem:s7+$0x5520];
	[tilespmem:s20+$0xF550] =	vst v3;
	(pc) =	sbr.rel @p0 .LBB2_8-.Ltmp3, $4  }
0x8f: {  	v0 =	vld [tilespmem:s7+$0x5530];
	[tilespmem:s20+$0xF560] =	vst v4;
	s20 =	smov.u32 s7  }
0x90: {  	v1 =	vld [tilespmem:s20+$0x5540];
	[tilespmem:s20+$0xF570] =	vst v5  }
0x91: {  	[tilespmem:s20+$0xF500] =	vst v6;
	v3 =	vld [tilespmem:s20+$0x5550]  }
0x92: {  	s7 =	sshra.s32 s8, $0x2;
	s8 =	sadd.s32 $0x200, s8;
	[tilespmem:s20+$0xF510] =	vst v7;
	v4 =	vld [tilespmem:s20+$0x5560]  }
0x93: {  	v5 =	vld [tilespmem:s7+$0x5570];
	[tilespmem:s20+$0xF520] =	vst v2  }
0x94: {  	v2 =	vld [tilespmem:s7+$0x5500];
	[tilespmem:s20+$0xF530] =	vst v0  }
0x95: {  	v0 =	vld [tilespmem:s7+$0x5510];
	[tilespmem:s20+$0xF540] =	vst v1  }
0x96: {  	v1 =	vld [tilespmem:s7+$0x5520];
	[tilespmem:s20+$0xF550] =	vst v3  }
0x97: {  	v3 =	vld [tilespmem:s7+$0x5530];
	[tilespmem:s20+$0xF560] =	vst v4  }
0x98: {  	v4 =	vld [tilespmem:s7+$0x5540];
	[tilespmem:s7+$0xF570] =	vst v5  }
0x99: {  	v62 =	vld [tilespmem:s7+$0x5550];
	[tilespmem:s7+$0xF500] =	vst v2  }
0x9a: {  	s18 =	sadd.s32 $0x1, s18;
	v63 =	vld [tilespmem:s7+$0x5560];
	[tilespmem:s7+$0xF510] =	vst v0  }
0x9b: {  	p0 =	sne.s32 s18, $0x41;
	[tilespmem:s7+$0xF520] =	vst v1  }
.Ltmp4:
0x9c: {  	s8 =	sadd.s32 s6, s19;
	[tilespmem:s7+$0xF530] =	vst v3;
	(pc) =	sbr.rel @p0 .LBB2_2-.Ltmp4, $4  }
0x9d: {  	s8 =	smul.u32 $0xA00, s8;
	[tilespmem:s7+$0xF540] =	vst v4  }
0x9e: {  	[tilespmem:s7+$0xF550] =	vst v62  }
0x9f: {  	s20 =	sadd.s32 s2, s8;
	[tilespmem:s7+$0xF560] =	vst v63  }
0xa0: {  	[hbm4b:s20+s3] =	stream.linear.scatter [tilespmem:s14], [sflag:$0x6], $0x5000, $0x38;
	[tilespmem:$0x14500] =	vst v63  }
0xa1: {  	_ =	swait.ge [sflag:s15], $0x5000  }
0xa2: {  	[sflag:s15] =	ssyncset.done $0x0  }
0xa3: {  	[sflag:s15] =	ssyncadd.s32 $0xFFFFB000  }
0xa4: {  	_ =	swait.ge [sflag:s16], $0x5000  }
0xa5: {  	s17 =	sadd.s32 $0x1, s17;
	s7 =	rddreg [dreg:$0x5]  }
0xa6: {  	p0 =	sne.s32 s17, s7  }
.Ltmp5:
0xa7: {  	_ = 	snop;
	(pc) =	sbr.rel @p0 .LBB2_1-.Ltmp5, $3  }
0xa8: {  	_ =	sdelay $0x1  }
0xa9: {  	[sflag:s16] =	ssyncset.done $0x0  }
0xaa: {  	[sflag:s16] =	ssyncadd.s32 $0xFFFFB000  }
0xab: {  	_ =	sfence.sel $0x180000  }
0xac: {  	[bflag:$0x0] =	sbarrier.arrive $0xFFFF  }
0xad: {  	_ =	strace $0x9000004A  }
0xae: {  	s0 =	stileid.u32;
	[bflag:$0x2] =	sbarrier.arrive $0xFFFF  }
0xaf: {  	p0 =	sne.s32 s0, $0x0;
	s0 =	rddreg [dreg:$0x2]  }
0xb0: {  	s0 =	sadd.s32 @!p0 $0x100000, s0  }
0xb1: {  	[sflag:s0] =	ssyncadd.tile.s32 @!p0 $0x1;
	_ =	shalt  }
.Lfunc_end2:
_tile_overlayer_lowered:
.L_overlay_start_2:
0xb2: {  	(tag) =	ssettag $0x2  }
0xb3: {  	s0 =	rddreg [dreg:$0x0];
	s2 =	stileid.u32  }
0xb4: {  	s1 =	rddreg [dreg:$0x1];
	p0 =	sne.s32 s2, $0x0  }
0xb5: {  	s3 =	rddreg [dreg:$0x2];
	[bflag:$0x3] =	sbarrier.arrive $0xFFFF;
	s2 =	simm.s32 @!p0 $0x1C07  }
0xb6: {  	[timem:s3], [sflag:s2] =	dma.local @!p0 [hbm:s0], s1  }
0xb7: {  	s0 =	simm.s32 @!p0 $0x7  }
0xb8: {  	_ =	swait.ge @!p0 [sflag:s0], s1  }
0xb9: {  	s1 =	ssub.s32 @!p0 $0x0, s1;
	[sflag:s0] =	ssyncset.done @!p0 $0x0  }
0xba: {  	[sflag:s0] =	ssyncadd.s32 @!p0 s1  }
0xbb: {  	[bflag:$0x3] =	sbarrier.arrive $0xFFFF  }
0xbc: {  	_ =	shalt  }

// kernel: sparse-core-data-format-call.cloned.1.call-start
scs
called_computation_lowered:
.L_overlay_start_0:
0x0: {  	s2 =	sld [smem:$0x3FD9]  }
0x1: {  	s3 =	sld [smem:$0x3FFE];
	_ =	sdelay $0x1  }
0x2: {  	s1 =	srdreg.scid  }
0x3: {  	s0 =	sand.u32 $0x1, s1  }
0x4: {  	s18 =	sshll.u32 s0, $0xA;
	s2 =	sadd.s32 s3, s2  }
0x5: {  	s2 =	sadd.s32 s2, s18  }
0x6: {  	[smem:$0x3FC6] =	sst s2  }
0x7: {  	_ = 	snop  }
0x8: {  	s2 =	sld [smem:$0x3FD0];
	(tm) =	ssettm $0x1  }
0x9: {  	s19 =	sld [smem:$0x3FFB];
	_ =	sdelay $0x3  }
0xa: {  	_ =	strace s19  }
0xb: {  	s3 =	sld [smem:$0x3FFC];
	_ =	sdelay $0x3  }
0xc: {  	_ =	strace s3  }
0xd: {  	s3 =	sld [smem:$0x3FFD];
	_ =	sdelay $0x3  }
0xe: {  	_ =	strace s3  }
0xf: {  	_ =	strace $0x8FFFFFFF  }
0x10: {  	s20 =	sld [smem:$0x3FDB];
	_ =	sdelay $0x1  }
0x11: {  	s4 =	simm.s32 $_scs_section_size  }
0x12: {  	s5 =	simm.s32 $_size__tile_overlayer_lowered;
	s6 =	simm.s32 $_tile_overlayer_lowered  }
0x13: {  	s23 =	simm.s32 $0x1BFF;
	s22 =	sshll.u32 s6, $0x1;
	s3 =	sadd.s32 s4, s20  }
0x14: {  	s7 =	simm.s32 $0x0;
	s21 =	sshll.u32 s5, $0x1;
	s5 =	sadd.s32 s22, s3  }
0x15: {  	[timem:s7], [sflag:s23] =	dma.local [hbm:s5], s21  }
0x16: {  	_ =	swait.ge [sflag:s23], s21  }
0x17: {  	s4 =	ssub.s32 $0x0, s21;
	[sflag:s23] =	ssyncset.done $0x0  }
0x18: {  	[sflag:s23] =	ssyncadd.s32 s4;
	_ =	sdelay $0x1  }
0x19: {  	s24 =	simm.s32 $0x1B8B  }
0x1a: {  	_ =	swait.ge [sflag:s24], $0x1  }
0x1b: {  	[sflag:s24] =	ssyncset.done $0x0  }
0x1c: {  	s26 =	simm.s32 $0x1B8E;
	s25 =	sld [smem:$0x3FFE];
	[sflag:s24] =	ssyncadd.s32 $0xFFFFFFFF  }
0x1d: {  	s27 =	simm.s32 $execute0_lowered;
	[smem:$0x3FD2] =	sst s26  }
0x1e: {  	s5 =	sshll.u32 s27, $0x1;
	_ =	strace $0x8000004C;
	[dreg:$0x1] =	wrdreg $0xFFFFFFFF  }
0x1f: {  	s28 =	simm.s32 $_size_execute0_lowered;
	s3 =	sadd.s32 s3, s5;
	[dreg:$0x0] =	wrdreg $0x0  }
0x20: {  	s5 =	sshll.u32 s28, $0x1;
	[dreg:$0x2] =	wrdreg s3  }
0x21: {  	[dreg:$0x3] =	wrdreg s5  }
0x22: {  	[dreg:$0x4] =	wrdreg $0xC0  }
0x23: {  	_ =	task [dreg:s7], $0x5FFFF  }
0x24: {  	[dreg:$0x1] =	wrdreg $0xFFFFFFFF  }
0x25: {  	[dreg:$0x0] =	wrdreg $0x60  }
0x26: {  	[dreg:$0x2] =	wrdreg s25  }
0x27: {  	[dreg:$0x3] =	wrdreg s2  }
0x28: {  	[dreg:$0x4] =	wrdreg $0x9  }
0x29: {  	_ =	task.clear_ibuf [dreg:s7], $0x5FFFF;
	_ =	strace $0x9000004C  }
0x2a: {  	s29 =	simm.s32 $0x9;
	_ =	strace $0x8000004E  }
0x2b: {  	_ =	swait.ge [sflag:s29], $0x1  }
0x2c: {  	[sflag:s29] =	ssyncadd.s32 $0xFFFFFFFF  }
0x2d: {  	_ =	strace $0x9000004E  }
0x2e: {  	_ =	sfence  }
0x2f: {  	s30 =	sld [smem:$0x0];
	_ =	sdelay $0x2  }
0x30: {  	s31 =	sshll.u32 s1, $0xD;
	s1 =	sshrl.u32 s1, $0x2  }
0x31: {  	s3 =	sand.u32 $0x4000, s31;
	s1 =	sadd.s32 s1, s30  }
0x32: {  	s0 =	sor.u32 s3, s0;
	s1 =	sshll.u32 s1, $0x11  }
0x33: {  	s0 =	sor.u32 s1, s0  }
0x34: {  	s0 =	sadd.s32 $0x8F2B, s0  }
0x35: {  	[sflag:s0] =	ssyncadd.remote.s32 $0x1  }
0x36: {  	_ =	sfence.sel $0xFFFF  }
0x37: {  	[dreg:$0x0] =	wrdreg $0xFFFFFFFF;
	(pc) =	sbr.abs _section_cstart, $3  }
0x38: {  	[dreg:$0x1] =	wrdreg $0xFFFFFFFF  }
0x39: {  	_ =	task.clear_ibuf [dreg:s7], $0x2FFFF;
	_ =	strace $0x9FFFFFFF  }
0x3a: {  	(tm) =	ssettm $0x7FFFFFFF  }
0x3b: {  	_ =	shalt  }
tec
execute0_lowered:
.L_overlay_start_1:
0x0: {  	(tag) =	ssettag $0x1  }
0x1: {  	s0 =	srdreg.scid  }
0x2: {  	s1 =	sshll.u32 s0, $0x4  }
0x3: {  	s6 =	rddreg [dreg:$0x0];
	s0 =	stileid.u32;
	s1 =	sand.u32 $0x10, s1  }
0x4: {  	s3 =	rddreg [dreg:$0x1];
	s1 =	sor.u32 s0, s1  }
0x5: {  	s5 =	simm.s32 $0x1;
	s31 =	simm.s32 $0x2;
	s2 =	sshll.u32 s1, $0x7  }
0x6: {  	s15 =	simm.s32 $0x0;
	s8 =	simm.s32 $0x340000;
	s4 =	ssub.s32 $0x1000, s2  }
0x7: {  	s14 =	simm.s32 $0x0;
	s9 =	simm.s32 $0x0;
	s30 =	sand.u32 $0xF80, s4  }
0x8: {  	s10 =	simm.s32 $0x0;
	s11 =	simm.s32 $0x0;
	p0 =	sne.s32 s30, $0x0  }
.Ltmp0:
0x9: {  	s7 =	sshrl.u32 s4, $0xC;
	s5 =	simm.s32 @!p0 $0x0;
	(pc) =	sbr.rel .LBB1_1-.Ltmp0, $4  }
0xa: {  	s13 =	simm.s32 $0x0;
	s1 =	rddreg [dreg:$0x2];
	s5 =	sadd.s32 s5, s7  }
0xb: {  	_ =	strace $0x8000004D;
	s4 =	simm.s32 $0x1;
	s5 =	smul.u32 $0x340, s5  }
0xc: {  	s6 =	sadd.s32 $0x324E600, s6;
	s12 =	smov.u32 s2;
	[sflag:s4] =	ssyncpa.u1 $0x0  }
0xd: {  	[sflag:s31] =	ssyncpa.u1 $0x0;
	p0 =	por $0x0, $0x0;
	s7 =	sor.u32 $0x1, s5  }
.LBB1_4:
0xe: {  	s18 =	sshll.u32 s9, $0xC;
	s19 =	sand.u32 $0x78, s10;
	s20 =	sshll.u32 s10, $0x3  }
0xf: {  	s22 =	sshll.u32 s9, $0x7;
	p1 =	sgt.s32 s9, $0x33F;
	s25 =	sshra.s32 s9, $0x1F  }
0x10: {  	s23 =	smov.u32 s10;
	s24 =	sshra.s32 s10, $0x1F;
	s29 =	sand.u32 $0x7, s10  }
0x11: {  	s18 =	sand.u32 $0xFFFF8000, s18;
	s21 =	sand.u32 $0xFFFFFC00, s20;
	s20 =	sand.u32 $0xC00, s20  }
0x12: {  	s30 =	sand.u32 $0x380, s22;
	s22 =	sand.u32 s25, s9;
	s18 =	sadd.s32 s21, s18  }
0x13: {  	s19 =	sor.u32 s19, s20;
	s20 =	smov.u32 s9;
	s18 =	sshrl.u32 s18, $0xC  }
0x14: {  	s20 =	simm.s32 @!p1 $0x33F;
	p1 =	sgt.s32 s10, $0xF80;
	s31 =	smulhi.u32 $0x4EC4ED, s18  }
0x15: {  	s26 =	sand.u32 s24, s10;
	s20 =	ssub.s32 s20, s22;
	s23 =	simm.s32 @!p1 $0xF80  }
0x16: {  	s27 =	ssub.s32 $0x340, s20;
	s22 =	ssub.s32 s23, s26;
	s21 =	smul.u32 $0x340, s31  }
0x17: {  	s20 =	sadd.s32 $0xFFFFFCC1, s20;
	s23 =	smul.u32 $0x32, s27;
	s28 =	sadd.s32 $0xFFFFF080, s22  }
0x18: {  	p1 =	sgt.s32 s20, $0x0;
	s20 =	ssub.s32 $0x1000, s22;
	p2 =	sgt.s32 s28, $0x7F  }
0x19: {  	s19 =	sor.u32 s30, s19;
	s23 =	simm.s32 @p1 $0x0;
	s20 =	simm.s32 @p2 $0x0  }
0x1a: {  	[tilespmem:s17+$0x810 ss:$0x81] =	vst.msk $0xffff, v2;
	s19 =	sshrl.u32 s19, $0x3;
	s18 =	ssub.s32 s18, s21;
	s20 =	smul.u32 s20, s23  }
0x1b: {  	[tilespmem:s17+$0x1020 ss:$0x81] =	vst.msk $0xffff, v0;
	s19 =	sadd.s32 s3, s19;
	s21 =	sshll.u32 s29, $0x12;
	s18 =	sshll.u32 s18, $0x9  }
0x1c: {  	[tilespmem:s17+$0x0 ss:$0x81] =	vst.msk $0xffff, v1;
	s31 =	sor.u32 $0x80, s21;
	s18 =	sadd.s32 s18, s19;
	s30 =	sand.u32 $0x3FFFFFFE, s20  }
0x1d: {  	[hbm4b:s18+s31] =	stream.strided.scatter [tilespmem:s16], [sflag:$0x2], s30, s8, s31, $0x20;
	[tilespmem:$0x8080] =	vst v63  }
.LBB1_5:
0x1e: {  	p1 =	slt.u32 s13, $0x2  }
0x1f: {  	s17 =	smov.u32 s15;
	p2 =	sgt.s32 @!p1 s15, $0x33F;
	s16 =	sshra.s32 @!p1 s15, $0x1F  }
0x20: {  	p3 =	sgt.s32 @!p1 s14, $0xF80;
	s18 =	sshra.s32 @!p1 s14, $0x1F;
	p2 =	por !p2, p1  }
0x21: {  	s15 =	sand.u32 @!p1 s16, s15;
	p3 =	por !p3, p1;
	s16 =	smov.u32 s14  }
0x22: {  	s14 =	sand.u32 @!p1 s18, s14;
	s17 =	simm.s32 @p2 $0x33F;
	s16 =	simm.s32 @p3 $0xF80  }
0x23: {  	s18 =	smov.u32 s12;
	s15 =	ssub.s32 @!p1 s17, s15;
	s14 =	ssub.s32 @!p1 s16, s14  }
0x24: {  	s16 =	sadd.s32 @!p1 $0xFFFFFCC1, s15;
	s15 =	ssub.s32 @!p1 $0x340, s15;
	s17 =	sadd.s32 @!p1 $0xFFFFF080, s14  }
0x25: {  	p2 =	sgt.s32 @!p1 s16, $0x0;
	s15 =	smul.u32 @!p1 $0x32, s15;
	p3 =	sgt.s32 @!p1 s17, $0x7F  }
0x26: {  	s14 =	ssub.s32 @!p1 $0x1000, s14;
	p2 =	por !p2, p1;
	p3 =	por !p3, p1  }
0x27: {  	s16 =	sadd.s32 $0x1, s11;
	s15 =	simm.s32 @!p2 $0x0;
	s14 =	simm.s32 @!p3 $0x0  }
0x28: {  	p2 =	sgt.s32 s16, $0x33F;
	s14 =	smul.u32 @!p1 s14, s15;
	s15 =	sadd.s32 $0x1000, s12  }
0x29: {  	s18 =	smov.u32 @p2 s15  }
0x2a: {  	s16 =	simm.s32 @p2 $0x0;
	p2 =	sgt.s32 s18, $0xFFF  }
0x2b: {  	s18 =	smov.u32 @p2 s2;
	p2 =	sne.s32 s13, s7  }
.Ltmp1:
0x2c: {  	p0 =	por !p0, !p0;
	s17 =	simm.s32 @!p1 $0x2;
	(pc) =	sbr.rel @!p2 .LBB1_6-.Ltmp1, $4  }
0x2d: {  	s15 =	smov.u32 s9;
	s9 =	smov.u32 s11;
	s14 =	sand.u32 @!p1 $0x3FFFFFFE, s14  }
0x2e: {  	s11 =	smov.u32 s16;
	_ =	swait.ge @!p1 [sflag:s17], s14;
	s19 =	ssub.s32 @!p1 $0x0, s14  }
0x2f: {  	s14 =	smov.u32 s10;
	s13 =	sadd.s32 $0x1, s13;
	[sflag:s17] =	ssyncset.done @!p1 $0x0  }
0x30: {  	s10 =	smov.u32 s12;
	s12 =	smov.u32 s18;
	[sflag:s17] =	ssyncadd.s32 @!p1 s19  }
.LBB1_1:
0x31: {  	p1 =	sge.u32 s13, s5  }
0x32: {  	s16 =	sand.u32 @!p1 $0x1FFFFFF, s11  }
0x33: {  	s17 =	smulhi.u32 @!p1 $0x2762763, s16;
	_ =	sdelay $0x1  }
0x34: {  	s17 =	sshrl.u32 @!p1 s17, $0x3  }
0x35: {  	s17 =	smul.u32 @!p1 $0x340, s17  }
0x36: {  	s18 =	sxor.u32 @!p1 $0xFFFFFFFF, s13;
	s19 =	smul.u32 @!p1 $0x3400, s12  }
0x37: {  	s31 =	sadd.s32 $0xFFFFFFFF, s13;
	s18 =	sshll.u32 @!p1 s18, $0xD;
	s16 =	ssub.s32 @!p1 s16, s17  }
0x38: {  	s17 =	sand.u32 @!p1 $0x2000, s18;
	s18 =	sadd.s32 @!p1 s6, s19;
	s16 =	sshll.u32 @!p1 s16, $0x4  }
0x39: {  	s19 =	simm.s32 @!p1 $0x1A000;
	s16 =	sadd.s32 @!p1 s16, s18;
	s18 =	simm.s32 @!p1 $0x40  }
0x3a: {  	[tilespmem:s17], [sflag:$0x1] =	stream.strided.gather @!p1 [hbm4b:s16+s18], $0x2000, s19, s18, $0x38;
	[tilespmem:$0x8080] =	vst v63  }
0x3b: {  	p1 =	sge.u32 s31, s5  }
.Ltmp2:
0x3c: {  	_ = 	snop;
	(pc) =	sbr.rel @p1 .LBB1_5-.Ltmp2, $1  }
0x3d: {  	_ =	sdelay $0x3  }
0x3e: {  	s16 =	simm.s32 $0x1  }
0x3f: {  	_ =	swait.ge [sflag:s4], $0x2000;
	s16 =	simm.s32 @!p0 $0x0  }
0x40: {  	[sflag:s4] =	ssyncset.done $0x0;
	s17 =	sshll.u32 s16, $0xD  }
0x41: {  	[sflag:s4] =	ssyncadd.s32 $0xFFFFE000;
	s20 =	sor.u32 $0x20, s17  }
0x42: {  	s16 =	smul.u32 $0x8100, s16;
	v3 =	vld [tilespmem:s20+$0x10]  }
0x43: {  	s30 =	sand.u32 $0x1, s13;
	v2 =	vld [tilespmem:s20+$0xFFFFFFF0]  }
0x44: {  	s17 =	smul.u32 $0x8100, s30;
	s16 =	sshrl.u32 s16, $0x2;
	v0 =	vld [tilespmem:s20+$0x0]  }
0x45: {  	v1 =	vld [tilespmem:s20+$0xFFFFFFE0];
	s18 =	sor.u32 $0x4000, s16  }
0x46: {  	s31 =	sshrl.u32 s17, $0x2;
	s17 =	sadd.s32 $0x0, s18  }
0x47: {  	s19 =	simm.s32 $0x4;
	s20 =	sadd.s32 $0x40, s20;
	s16 =	sor.u32 $0x4000, s31;
	[tilespmem:s17+$0x1830 ss:$0x81] =	vst.msk $0xffff, v3  }
.LBB1_3:
0x48: {  	v3 =	vld [tilespmem:s20+$0x10];
	p1 =	sne.s32 s19, $0x1FC;
	[tilespmem:s17+$0x810 ss:$0x81] =	vst.msk $0xffff, v2;
	s21 =	smov.u32 s19;
	s19 =	sadd.s32 $0x4, s19  }
.Ltmp3:
0x49: {  	v2 =	vld [tilespmem:s20+$0xFFFFFFF0];
	[tilespmem:s17+$0x1020 ss:$0x81] =	vst.msk $0xffff, v0;
	(pc) =	sbr.rel @p1 .LBB1_3-.Ltmp3, $4  }
0x4a: {  	v0 =	vld [tilespmem:s20+$0x0];
	[tilespmem:s17+$0x0 ss:$0x81] =	vst.msk $0xffff, v1  }
0x4b: {  	s17 =	sshra.s32 s21, $0x2;
	v1 =	vld [tilespmem:s20+$0xFFFFFFE0]  }
0x4c: {  	s17 =	sadd.s32 s17, s18  }
0x4d: {  	s20 =	sadd.s32 $0x40, s20;
	[tilespmem:s17+$0x1830 ss:$0x81] =	vst.msk $0xffff, v3  }
.Ltmp4:
0x4e: {  	_ = 	snop;
	(pc) =	sbr.rel .LBB1_4-.Ltmp4, $1  }
0x4f: {  	_ =	sdelay $0x3  }
.LBB1_6:
0x50: {  	_ =	sfence.sel $0x180000  }
0x51: {  	s2 =	simm.s32 $0x1;
	[bflag:$0x0] =	sbarrier.arrive $0xFFFF  }
0x52: {  	s31 =	simm.s32 $0x2;
	[sflag:s2] =	ssyncpa.u1 $0x1  }
0x53: {  	[sflag:s31] =	ssyncpa.u1 $0x1  }
0x54: {  	p0 =	sne.s32 s0, $0x0;
	_ =	strace $0x9000004D  }
0x55: {  	s0 =	sadd.s32 @!p0 $0x100000, s1;
	[bflag:$0x2] =	sbarrier.arrive $0xFFFF  }
0x56: {  	[sflag:s0] =	ssyncadd.tile.s32 @!p0 $0x1;
	_ =	shalt  }
.Lfunc_end1:
_tile_overlayer_lowered:
.L_overlay_start_2:
0x57: {  	(tag) =	ssettag $0x2  }
0x58: {  	s0 =	rddreg [dreg:$0x0];
	s2 =	stileid.u32  }
0x59: {  	s1 =	rddreg [dreg:$0x1];
	p0 =	sne.s32 s2, $0x0  }
0x5a: {  	s3 =	rddreg [dreg:$0x2];
	[bflag:$0x3] =	sbarrier.arrive $0xFFFF;
	s2 =	simm.s32 @!p0 $0x1C01  }
0x5b: {  	[timem:s3], [sflag:s2] =	dma.local @!p0 [hbm:s0], s1  }
0x5c: {  	s0 =	simm.s32 @!p0 $0x1  }
0x5d: {  	_ =	swait.ge @!p0 [sflag:s0], s1  }
0x5e: {  	s1 =	ssub.s32 @!p0 $0x0, s1;
	[sflag:s0] =	ssyncset.done @!p0 $0x0  }
0x5f: {  	[sflag:s0] =	ssyncadd.s32 @!p0 s1  }
0x60: {  	[bflag:$0x3] =	sbarrier.arrive $0xFFFF  }
0x61: {  	_ =	shalt  }

</sc_bundles>
